<compile_context>
chip_gen: v7x
topology: tpu7x:2x2x1
jax: 0.10.2.dev20260603
libtpu: 0.0.44.dev20260713+nightly
codegen_flags: <defaults>
</compile_context>

<pallas_src>
import functools

import jax
import jax.numpy as jnp
from jax import lax
from jax.experimental import pallas as pl
from jax.experimental.pallas import tpu as pltpu
from jax.experimental.pallas import tpu_sc as plsc

BSZ = 16
SEQ = 2048
HID = 128
NSEG = 512
CHUNK = 128
IROW = 128
HALF = SEQ // 2
NCH = HALF // CHUNK
NIR = HALF // IROW


def _tagop_body(values_hbm, scores_hbm, index2_hbm, mean_out, max_out,
                idx2_v, sc_v, vals0_v, vals1_v, mx_v, mx2_v, cnt_v, cntp_v,
                mxf_v, acc_sh, mx_sh, cnt_sh, sem0, sem1, sems, semm):
    c = lax.axis_index("c")
    s = lax.axis_index("s")
    bl = s // 2
    h = s % 2
    b = c * 8 + bl
    slot = s
    boff = bl * NSEG

    pltpu.sync_copy(index2_hbm.at[b, pl.ds(h * NIR, NIR)], idx2_v)
    pltpu.sync_copy(scores_hbm.at[b, pl.ds(h * HALF, HALF)], sc_v)

    pltpu.make_async_copy(
        values_hbm.at[b, pl.ds(h * HALF, CHUNK)], vals1_v, sem1).start()

    zero = jnp.zeros((16,), jnp.float32)
    neg = jnp.full((16,), -jnp.inf, jnp.float32)

    def zv(r, _):
        for k in range(8):
            vals0_v[r, pl.ds(k * 16, 16)] = zero
        return 0

    lax.fori_loop(0, CHUNK, zv, 0)
    zbase = boff + h * 256
    pltpu.sync_copy(vals0_v, acc_sh.at[pl.ds(zbase, 128)])
    pltpu.sync_copy(vals0_v, acc_sh.at[pl.ds(zbase + 128, 128)])

    bv = jnp.full((16,), boff, jnp.int32)

    def ob(r, _):
        for k in range(8):
            col = pl.ds(k * 16, 16)
            idx2_v[r, col] = idx2_v[r, col] + bv
        return 0

    lax.fori_loop(0, NIR, ob, 0)

    def zm(r, _):
        rr = pl.ds(r * 16, 16)
        mx_v[rr] = neg
        mx2_v[rr] = neg
        cnt_v[rr] = zero
        return 0

    lax.fori_loop(0, NSEG, zm, 0)

    def start_load(ck, buf, sem):
        pltpu.make_async_copy(
            values_hbm.at[b, pl.ds(h * HALF + ck * CHUNK, CHUNK)],
            buf, sem).start()

    def wait_load(buf, sem):
        pltpu.make_async_copy(
            values_hbm.at[b, pl.ds(0, CHUNK)], buf, sem).wait()

    plsc.subcore_barrier()
    one = jnp.ones((16,), jnp.float32)

    def mx_chunk(ck):
        def grp(g, _):
            r = ck * (CHUNK // 16) + g
            iv = idx2_v[r // 8, pl.ds((r % 8) * 16, 16)]
            sv16 = sc_v[pl.ds(r * 16, 16)]
            for j in range(16):
                i = iv[j] - boff
                ci = pl.ds(i * 16, 16)
                plsc.addupdate(cnt_v.at[ci], one)
                sv = jnp.full((16,), sv16[j], jnp.float32)
                mref = mx_v if j % 2 == 0 else mx2_v
                mref[ci] = jnp.maximum(mref[ci], sv)
            return 0

        lax.fori_loop(0, CHUNK // 16, grp, 0)

    def chunk_pair(k2, _):
        ck = k2 * 2
        wait_load(vals1_v, sem1)
        start_load(ck + 1, vals0_v, sem0)
        cp0 = pltpu.async_copy(
            vals1_v, acc_sh.at[idx2_v.at[ck]], sems, add=True)
        mx_chunk(ck)
        cp0.wait()

        wait_load(vals0_v, sem0)

        @pl.when(ck + 2 < NCH)
        def _():
            start_load(ck + 2, vals1_v, sem1)

        cp1 = pltpu.async_copy(
            vals0_v, acc_sh.at[idx2_v.at[ck + 1]], sems, add=True)
        mx_chunk(ck + 1)
        cp1.wait()
        return 0

    lax.fori_loop(0, NCH // 2, chunk_pair, 0)

    def mm(r, _):
        rr = pl.ds(r * 16, 16)
        mx_v[rr] = jnp.maximum(mx_v[rr], mx2_v[rr])
        return 0

    lax.fori_loop(0, NSEG, mm, 0)
    ph = 1 - h
    pltpu.sync_copy(mx_v.at[pl.ds(ph * 4096, 4096)], mx_sh.at[slot])
    pltpu.sync_copy(cnt_v.at[pl.ds(ph * 4096, 4096)], cnt_sh.at[slot])

    plsc.subcore_barrier()

    pslot = slot - 2 * h + 1
    seg0 = h * 256
    cp_a = pltpu.async_copy(acc_sh.at[pl.ds(boff + seg0, 128)],
                            vals0_v, sem0)
    cp_b = pltpu.async_copy(acc_sh.at[pl.ds(boff + seg0 + 128, 128)],
                            vals1_v, sem1)
    cp_c = pltpu.async_copy(cnt_sh.at[pslot], cntp_v, sems)
    cp_d = pltpu.async_copy(mx_sh.at[pslot], mx2_v.at[pl.ds(0, 4096)], semm)
    cp_c.wait()
    outs = []
    for p in range(2):
        sp = seg0 + p * 128
        fin = vals0_v if p == 0 else vals1_v
        (cp_a if p == 0 else cp_b).wait()

        def fb(r, _):
            tot = (cnt_v[pl.ds((sp + r) * 16, 16)]
                   + cntp_v[pl.ds((p * 128 + r) * 16, 16)])
            recip = 1.0 / jnp.maximum(tot, 1.0)
            for k in range(8):
                col = pl.ds(k * 16, 16)
                fin[r, col] = fin[r, col] * recip
            return 0

        lax.fori_loop(0, 128, fb, 0)
        outs.append(pltpu.async_copy(
            fin, mean_out.at[b, pl.ds(sp, 128)], sem0 if p == 0 else sem1))

    cp_d.wait()
    lanes = lax.iota(jnp.int32, 16)
    sbase = h * 256

    def gb(g, _):
        m = jnp.zeros((16,), jnp.float32)
        cz = jnp.zeros((16,), jnp.float32)
        for j in range(16):
            r = g * 16 + j
            ro = pl.ds((sbase + r) * 16, 16)
            rp = pl.ds(r * 16, 16)
            sel = lanes == j
            m = jnp.where(sel, jnp.maximum(mx_v[ro], mx2_v[rp]), m)
            cz = jnp.where(sel, cnt_v[ro] + cntp_v[rp], cz)
        mxf_v[pl.ds(g * 16, 16)] = jnp.where(cz > 0.0, m, 0.0)
        return 0

    lax.fori_loop(0, 256 // 16, gb, 0)
    pltpu.sync_copy(mxf_v.at[pl.ds(0, 256)], max_out.at[b, pl.ds(sbase, 256)])
    outs[0].wait()
    outs[1].wait()


@jax.jit
def _tagop(values, scores, index):
    mesh = plsc.VectorSubcoreMesh(core_axis_name="c", subcore_axis_name="s")
    fn = functools.partial(
        pl.kernel,
        mesh=mesh,
        out_type=(
            jax.ShapeDtypeStruct((BSZ, NSEG, HID), jnp.float32),
            jax.ShapeDtypeStruct((BSZ, NSEG), jnp.float32),
        ),
        scratch_types=[
            pltpu.VMEM((NIR, IROW), jnp.int32),
            pltpu.VMEM((HALF,), jnp.float32),
            pltpu.VMEM((CHUNK, HID), jnp.float32),
            pltpu.VMEM((CHUNK, HID), jnp.float32),
            pltpu.VMEM((NSEG * 16,), jnp.float32),
            pltpu.VMEM((NSEG * 16,), jnp.float32),
            pltpu.VMEM((NSEG * 16,), jnp.float32),
            pltpu.VMEM((NSEG * 8,), jnp.float32),
            pltpu.VMEM((NSEG,), jnp.float32),
            pltpu.VMEM_SHARED((8 * NSEG, HID), jnp.float32),
            pltpu.VMEM_SHARED((16, NSEG * 8), jnp.float32),
            pltpu.VMEM_SHARED((16, NSEG * 8), jnp.float32),
            pltpu.SemaphoreType.DMA,
            pltpu.SemaphoreType.DMA,
            pltpu.SemaphoreType.DMA,
            pltpu.SemaphoreType.DMA,
        ],
    )(_tagop_body)
    idx2 = index.reshape(BSZ, SEQ // IROW, IROW)
    return fn(values, scores, idx2)


def kernel(values, scores, index):
    return _tagop(values, scores, index)

# --- scband reference (transcript-rebuilt; emitter-appended) ---
"""Pipeline reference for scband-tagop-model-90967407329455 (READ-ONLY COPY).

The authoritative reference and input builder live on the scoring server;
editing this copy changes nothing except your own understanding.
"""

import jax, jax.numpy as jnp
import numpy as np

MAX_LENGTH = 512


def setup_inputs(seed: int = 0) -> dict:
    key = jax.random.key(seed)
    k1, k2, k3 = jax.random.split(key, 3)
    values = jax.random.normal(k1, (16, 2048, 128), dtype=jnp.float32)
    scores = jax.random.normal(k2, (16, 2048), dtype=jnp.float32)
    index = jax.random.randint(k3, (16, 2048), 0, 512).astype(jnp.int32)
    return {"values": values, "scores": scores, "index": index}


def reference(values, scores, index):
    # Faithful jax translation of TagopModel's segment-reduce helpers:
    #   reduce_mean_index_vector(values, index, max_length=512)
    #   reduce_max_index(scores, index, max_length=512)
    bsz, seq_len, hidden = values.shape
    # flatten_index: per-batch offset so segment ids are globally unique
    offset = (jnp.arange(bsz, dtype=index.dtype) * MAX_LENGTH)[:, None]
    flat_index = (index + offset).reshape(-1)
    num_index = bsz * MAX_LENGTH

    # scatter(..., reduce='mean') over vectors
    flat_values = values.reshape(bsz * seq_len, hidden)
    seg_sum = jax.ops.segment_sum(flat_values, flat_index, num_segments=num_index)
    counts = jax.ops.segment_sum(
        jnp.ones((bsz * seq_len,), dtype=values.dtype), flat_index, num_segments=num_index
    )
    seg_mean = seg_sum / jnp.clip(counts, 1.0, None)[:, None]
    mean_vec = seg_mean.reshape(bsz, MAX_LENGTH, hidden)

    # scatter_max over scalar scores (empty segments -> 0, matching zero-init out)
    flat_scores = scores.reshape(bsz * seq_len)
    seg_max = jax.ops.segment_max(flat_scores, flat_index, num_segments=num_index)
    seg_max = jnp.where(counts > 0, seg_max, jnp.zeros_like(seg_max))
    max_scores = seg_max.reshape(bsz, MAX_LENGTH)

    return mean_vec, max_scores

if __name__ == "__main__":
    import jax
    _d = setup_inputs()
    print(jax.jit(kernel)(*tuple(_d.values())))

</pallas_src>

<mosaic_0001>
#map = affine_map<(d0, d1) -> (0, 0, 0)>
#map1 = affine_map<(d0, d1) -> (0, 0)>
module attributes {stable_mosaic.version = 14 : i64} {
  func.func @_tagop_body(%arg0: i32, %arg1: i32, %arg2: memref<16x2048x128xf32, #tpu.memory_space<hbm>>, %arg3: memref<16x2048xf32, #tpu.memory_space<hbm>>, %arg4: memref<16x16x128xi32, #tpu.memory_space<hbm>>, %arg5: memref<16x512x128xf32, #tpu.memory_space<hbm>>, %arg6: memref<16x512xf32, #tpu.memory_space<hbm>>, %arg7: memref<8x128xi32, #tpu.memory_space<vmem>>, %arg8: memref<1024xf32, #tpu.memory_space<vmem>>, %arg9: memref<128x128xf32, #tpu.memory_space<vmem>>, %arg10: memref<128x128xf32, #tpu.memory_space<vmem>>, %arg11: memref<8192xf32, #tpu.memory_space<vmem>>, %arg12: memref<8192xf32, #tpu.memory_space<vmem>>, %arg13: memref<8192xf32, #tpu.memory_space<vmem>>, %arg14: memref<4096xf32, #tpu.memory_space<vmem>>, %arg15: memref<512xf32, #tpu.memory_space<vmem>>, %arg16: memref<4096x128xf32, #tpu.memory_space<vmem_shared>>, %arg17: memref<16x4096xf32, #tpu.memory_space<vmem_shared>>, %arg18: memref<16x4096xf32, #tpu.memory_space<vmem_shared>>, %arg19: memref<!tpu.dma_semaphore, #tpu.memory_space<semaphore_mem>>, %arg20: memref<!tpu.dma_semaphore, #tpu.memory_space<semaphore_mem>>, %arg21: memref<!tpu.dma_semaphore, #tpu.memory_space<semaphore_mem>>, %arg22: memref<!tpu.dma_semaphore, #tpu.memory_space<semaphore_mem>>) attributes {dimension_semantics = [#tpu.dimension_semantics<core_parallel>, #tpu.dimension_semantics<subcore_parallel>], iteration_bounds = array<i64: 2, 16>, scalar_prefetch = 0 : i64, scratch_operands = 16 : i64, tpu.core_type = #tpu.core_type<sc_vector_subcore>, window_params = [{transform_indices = #map}, {transform_indices = #map1}, {transform_indices = #map}, {transform_indices = #map}, {transform_indices = #map1}]} {
    %jit3A = arith.constant 2 : i32
    %div3A = arith.divsi %arg1, %jit3A : i32
    %sign3A = arith.constant 0 : i32
    %sign3A_0 = arith.cmpi sgt, %arg1, %sign3A : i32
    %sign3A_1 = arith.extui %sign3A_0 : i1 to i32
    %sign3A_2 = arith.constant 0 : i32
    %sign3A_3 = arith.cmpi slt, %arg1, %sign3A_2 : i32
    %sign3A_4 = arith.extui %sign3A_3 : i1 to i32
    %sign3A_5 = arith.subi %sign3A_1, %sign3A_4 : i32
    %sign3A_6 = arith.constant 0 : i32
    %sign3A_7 = arith.cmpi sgt, %jit3A, %sign3A_6 : i32
    %sign3A_8 = arith.extui %sign3A_7 : i1 to i32
    %sign3A_9 = arith.constant 0 : i32
    %sign3A_10 = arith.cmpi slt, %jit3A, %sign3A_9 : i32
    %sign3A_11 = arith.extui %sign3A_10 : i1 to i32
    %sign3A_12 = arith.subi %sign3A_8, %sign3A_11 : i32
    %ne3A = arith.cmpi ne, %sign3A_5, %sign3A_12 : i32
    %rem3A = arith.remsi %arg1, %jit3A : i32
    %ne3A_13 = arith.constant 0 : i32
    %ne3A_14 = arith.cmpi ne, %rem3A, %ne3A_13 : i32
    %and3A = arith.andi %ne3A, %ne3A_14 : i1
    %sub3A = arith.constant 1 : i32
    %sub3A_15 = arith.subi %div3A, %sub3A : i32
    %select_n3A = arith.select %and3A, %sub3A_15, %div3A : i32
    %jit3A_16 = arith.constant 2 : i32
    %eq3A = arith.constant 0 : i32
    %eq3A_17 = arith.cmpi eq, %jit3A_16, %eq3A : i32
    %jit3A_18 = arith.constant 1 : i32
    %select_n3A_19 = arith.select %eq3A_17, %jit3A_18, %jit3A_16 : i32
    %rem3A_20 = arith.remsi %arg1, %select_n3A_19 : i32
    %ne3A_21 = arith.constant 0 : i32
    %ne3A_22 = arith.cmpi ne, %rem3A_20, %ne3A_21 : i32
    %lt3A = arith.constant 0 : i32
    %lt3A_23 = arith.cmpi slt, %rem3A_20, %lt3A : i32
    %lt3A_24 = arith.constant 0 : i32
    %lt3A_25 = arith.cmpi slt, %select_n3A_19, %lt3A_24 : i32
    %ne3A_26 = arith.xori %lt3A_23, %lt3A_25 : i1
    %and3A_27 = arith.andi %ne3A_26, %ne3A_22 : i1
    %add3A = arith.addi %rem3A_20, %select_n3A_19 : i32
    %select_n3A_28 = arith.select %and3A_27, %add3A, %rem3A_20 : i32
    %mul3A = arith.constant 8 : i32
    %mul3A_29 = arith.muli %arg0, %mul3A : i32
    %add3A_30 = arith.addi %mul3A_29, %select_n3A : i32
    %mul3A_31 = arith.constant 512 : i32
    %mul3A_32 = arith.muli %select_n3A, %mul3A_31 : i32
    %mul3A_33 = arith.constant 8 : i32
    %mul3A_34 = arith.muli %select_n3A_28, %mul3A_33 : i32
    "tpu.region"() ({
      %run_scoped3A = tpu.sem_alloc : memref<!tpu.dma_semaphore, #tpu.memory_space<semaphore_mem>>
      %dma_start3A_205 = arith.constant 0 : i32
      %dma_start3A_206 = tpu.memref_slice %arg4[%add3A_30, %mul3A_34, %dma_start3A_205] : memref<16x16x128xi32, #tpu.memory_space<hbm>> -> memref<1x8x128xi32, #tpu.memory_space<hbm>>
      %dma_start3A_207 = tpu.memref_squeeze %dma_start3A_206 : memref<1x8x128xi32, #tpu.memory_space<hbm>> -> memref<8x128xi32, #tpu.memory_space<hbm>>
      %dma_start3A_208 = arith.constant 0 : i32
      %dma_start3A_209 = tpu.memref_slice %arg4[%add3A_30, %mul3A_34, %dma_start3A_208] : memref<16x16x128xi32, #tpu.memory_space<hbm>> -> memref<1x8x128xi32, #tpu.memory_space<hbm>>
      %dma_start3A_210 = tpu.memref_squeeze %dma_start3A_209 : memref<1x8x128xi32, #tpu.memory_space<hbm>> -> memref<8x128xi32, #tpu.memory_space<hbm>>
      tpu.enqueue_dma source(%dma_start3A_210 : memref<8x128xi32, #tpu.memory_space<hbm>>) target(%arg7 : memref<8x128xi32, #tpu.memory_space<vmem>>) target_semaphore(%run_scoped3A : memref<!tpu.dma_semaphore, #tpu.memory_space<semaphore_mem>>)
      %dma_wait3A_211 = arith.constant 0 : i32
      %dma_wait3A_212 = tpu.memref_slice %arg4[%add3A_30, %mul3A_34, %dma_wait3A_211] : memref<16x16x128xi32, #tpu.memory_space<hbm>> -> memref<1x8x128xi32, #tpu.memory_space<hbm>>
      %dma_wait3A_213 = tpu.memref_squeeze %dma_wait3A_212 : memref<1x8x128xi32, #tpu.memory_space<hbm>> -> memref<8x128xi32, #tpu.memory_space<hbm>>
      %dma_wait3A_214 = arith.constant 0 : i32
      %dma_wait3A_215 = tpu.memref_slice %arg4[%add3A_30, %mul3A_34, %dma_wait3A_214] : memref<16x16x128xi32, #tpu.memory_space<hbm>> -> memref<1x8x128xi32, #tpu.memory_space<hbm>>
      %dma_wait3A_216 = tpu.memref_squeeze %dma_wait3A_215 : memref<1x8x128xi32, #tpu.memory_space<hbm>> -> memref<8x128xi32, #tpu.memory_space<hbm>>
      tpu.wait_dma2 semaphore(%run_scoped3A : memref<!tpu.dma_semaphore, #tpu.memory_space<semaphore_mem>>) src(%dma_wait3A_216 : memref<8x128xi32, #tpu.memory_space<hbm>>) dst(%arg7 : memref<8x128xi32, #tpu.memory_space<vmem>>)
      tpu.yield
    }) : () -> ()
    %mul3A_35 = arith.constant 1024 : i32
    %mul3A_36 = arith.muli %select_n3A_28, %mul3A_35 : i32
    "tpu.region"() ({
      %run_scoped3A = tpu.sem_alloc : memref<!tpu.dma_semaphore, #tpu.memory_space<semaphore_mem>>
      %dma_start3A_205 = tpu.memref_slice %arg3[%add3A_30, %mul3A_36] : memref<16x2048xf32, #tpu.memory_space<hbm>> -> memref<1x1024xf32, #tpu.memory_space<hbm>>
      %dma_start3A_206 = tpu.memref_squeeze %dma_start3A_205 : memref<1x1024xf32, #tpu.memory_space<hbm>> -> memref<1024xf32, #tpu.memory_space<hbm>>
      %dma_start3A_207 = tpu.memref_slice %arg3[%add3A_30, %mul3A_36] : memref<16x2048xf32, #tpu.memory_space<hbm>> -> memref<1x1024xf32, #tpu.memory_space<hbm>>
      %dma_start3A_208 = tpu.memref_squeeze %dma_start3A_207 : memref<1x1024xf32, #tpu.memory_space<hbm>> -> memref<1024xf32, #tpu.memory_space<hbm>>
      tpu.enqueue_dma source(%dma_start3A_208 : memref<1024xf32, #tpu.memory_space<hbm>>) target(%arg8 : memref<1024xf32, #tpu.memory_space<vmem>>) target_semaphore(%run_scoped3A : memref<!tpu.dma_semaphore, #tpu.memory_space<semaphore_mem>>)
      %dma_wait3A_209 = tpu.memref_slice %arg3[%add3A_30, %mul3A_36] : memref<16x2048xf32, #tpu.memory_space<hbm>> -> memref<1x1024xf32, #tpu.memory_space<hbm>>
      %dma_wait3A_210 = tpu.memref_squeeze %dma_wait3A_209 : memref<1x1024xf32, #tpu.memory_space<hbm>> -> memref<1024xf32, #tpu.memory_space<hbm>>
      %dma_wait3A_211 = tpu.memref_slice %arg3[%add3A_30, %mul3A_36] : memref<16x2048xf32, #tpu.memory_space<hbm>> -> memref<1x1024xf32, #tpu.memory_space<hbm>>
      %dma_wait3A_212 = tpu.memref_squeeze %dma_wait3A_211 : memref<1x1024xf32, #tpu.memory_space<hbm>> -> memref<1024xf32, #tpu.memory_space<hbm>>
      tpu.wait_dma2 semaphore(%run_scoped3A : memref<!tpu.dma_semaphore, #tpu.memory_space<semaphore_mem>>) src(%dma_wait3A_212 : memref<1024xf32, #tpu.memory_space<hbm>>) dst(%arg8 : memref<1024xf32, #tpu.memory_space<vmem>>)
      tpu.yield
    }) : () -> ()
    %mul3A_37 = arith.constant 1024 : i32
    %mul3A_38 = arith.muli %select_n3A_28, %mul3A_37 : i32
    %dma_start3A = arith.constant 0 : i32
    %dma_start3A_39 = tpu.memref_slice %arg2[%add3A_30, %mul3A_38, %dma_start3A] : memref<16x2048x128xf32, #tpu.memory_space<hbm>> -> memref<1x128x128xf32, #tpu.memory_space<hbm>>
    %dma_start3A_40 = tpu.memref_squeeze %dma_start3A_39 : memref<1x128x128xf32, #tpu.memory_space<hbm>> -> memref<128x128xf32, #tpu.memory_space<hbm>>
    %dma_start3A_41 = arith.constant 0 : i32
    %dma_start3A_42 = tpu.memref_slice %arg2[%add3A_30, %mul3A_38, %dma_start3A_41] : memref<16x2048x128xf32, #tpu.memory_space<hbm>> -> memref<1x128x128xf32, #tpu.memory_space<hbm>>
    %dma_start3A_43 = tpu.memref_squeeze %dma_start3A_42 : memref<1x128x128xf32, #tpu.memory_space<hbm>> -> memref<128x128xf32, #tpu.memory_space<hbm>>
    tpu.enqueue_dma source(%dma_start3A_43 : memref<128x128xf32, #tpu.memory_space<hbm>>) target(%arg10 : memref<128x128xf32, #tpu.memory_space<vmem>>) target_semaphore(%arg20 : memref<!tpu.dma_semaphore, #tpu.memory_space<semaphore_mem>>)
    %broadcast_in_dim3A = arith.constant 0.000000e+00 : f32
    %broadcast_in_dim3A_44 = vector.broadcast %broadcast_in_dim3A : f32 to vector<16xf32>
    %broadcast_in_dim3A_45 = arith.constant 0xFF800000 : f32
    %broadcast_in_dim3A_46 = vector.broadcast %broadcast_in_dim3A_45 : f32 to vector<16xf32>
    %scan3A = arith.constant 0 : i32
    %scan3A_47 = arith.constant 0 : i32
    %scan3A_48 = arith.constant 128 : i32
    %scan3A_49 = arith.addi %scan3A_47, %scan3A_48 : i32
    %scan3A_50 = arith.constant 1 : i32
    %scan3A_51 = scf.for %scan3A_205 = %scan3A_47 to %scan3A_49 step %scan3A_50 iter_args(%scan3A_206 = %scan3A) -> (i32)  : i32 {
      %swap3A = arith.index_cast %scan3A_205 : i32 to index
      %swap3A_207 = arith.constant 0 : index
      %swap3A_208 = tpu.vector_load %arg9[%swap3A, %swap3A_207] {strides = array<i32>} : memref<128x128xf32, #tpu.memory_space<vmem>>, vector<1x16xf32>,
      %swap3A_209 = vector.shape_cast %swap3A_208 : vector<1x16xf32> to vector<16xf32>
      %swap3A_210 = vector.shape_cast %broadcast_in_dim3A_44 : vector<16xf32> to vector<1x16xf32>
      tpu.vector_store %arg9[%swap3A, %swap3A_207], %swap3A_210 {strides = array<i32>} : memref<128x128xf32, #tpu.memory_space<vmem>>, vector<1x16xf32>,
      %swap3A_211 = arith.index_cast %scan3A_205 : i32 to index
      %swap3A_212 = arith.constant 16 : index
      %swap3A_213 = tpu.vector_load %arg9[%swap3A_211, %swap3A_212] {strides = array<i32>} : memref<128x128xf32, #tpu.memory_space<vmem>>, vector<1x16xf32>,
      %swap3A_214 = vector.shape_cast %swap3A_213 : vector<1x16xf32> to vector<16xf32>
      %swap3A_215 = vector.shape_cast %broadcast_in_dim3A_44 : vector<16xf32> to vector<1x16xf32>
      tpu.vector_store %arg9[%swap3A_211, %swap3A_212], %swap3A_215 {strides = array<i32>} : memref<128x128xf32, #tpu.memory_space<vmem>>, vector<1x16xf32>,
      %swap3A_216 = arith.index_cast %scan3A_205 : i32 to index
      %swap3A_217 = arith.constant 32 : index
      %swap3A_218 = tpu.vector_load %arg9[%swap3A_216, %swap3A_217] {strides = array<i32>} : memref<128x128xf32, #tpu.memory_space<vmem>>, vector<1x16xf32>,
      %swap3A_219 = vector.shape_cast %swap3A_218 : vector<1x16xf32> to vector<16xf32>
      %swap3A_220 = vector.shape_cast %broadcast_in_dim3A_44 : vector<16xf32> to vector<1x16xf32>
      tpu.vector_store %arg9[%swap3A_216, %swap3A_217], %swap3A_220 {strides = array<i32>} : memref<128x128xf32, #tpu.memory_space<vmem>>, vector<1x16xf32>,
      %swap3A_221 = arith.index_cast %scan3A_205 : i32 to index
      %swap3A_222 = arith.constant 48 : index
      %swap3A_223 = tpu.vector_load %arg9[%swap3A_221, %swap3A_222] {strides = array<i32>} : memref<128x128xf32, #tpu.memory_space<vmem>>, vector<1x16xf32>,
      %swap3A_224 = vector.shape_cast %swap3A_223 : vector<1x16xf32> to vector<16xf32>
      %swap3A_225 = vector.shape_cast %broadcast_in_dim3A_44 : vector<16xf32> to vector<1x16xf32>
      tpu.vector_store %arg9[%swap3A_221, %swap3A_222], %swap3A_225 {strides = array<i32>} : memref<128x128xf32, #tpu.memory_space<vmem>>, vector<1x16xf32>,
      %swap3A_226 = arith.index_cast %scan3A_205 : i32 to index
      %swap3A_227 = arith.constant 64 : index
      %swap3A_228 = tpu.vector_load %arg9[%swap3A_226, %swap3A_227] {strides = array<i32>} : memref<128x128xf32, #tpu.memory_space<vmem>>, vector<1x16xf32>,
      %swap3A_229 = vector.shape_cast %swap3A_228 : vector<1x16xf32> to vector<16xf32>
      %swap3A_230 = vector.shape_cast %broadcast_in_dim3A_44 : vector<16xf32> to vector<1x16xf32>
      tpu.vector_store %arg9[%swap3A_226, %swap3A_227], %swap3A_230 {strides = array<i32>} : memref<128x128xf32, #tpu.memory_space<vmem>>, vector<1x16xf32>,
      %swap3A_231 = arith.index_cast %scan3A_205 : i32 to index
      %swap3A_232 = arith.constant 80 : index
      %swap3A_233 = tpu.vector_load %arg9[%swap3A_231, %swap3A_232] {strides = array<i32>} : memref<128x128xf32, #tpu.memory_space<vmem>>, vector<1x16xf32>,
      %swap3A_234 = vector.shape_cast %swap3A_233 : vector<1x16xf32> to vector<16xf32>
      %swap3A_235 = vector.shape_cast %broadcast_in_dim3A_44 : vector<16xf32> to vector<1x16xf32>
      tpu.vector_store %arg9[%swap3A_231, %swap3A_232], %swap3A_235 {strides = array<i32>} : memref<128x128xf32, #tpu.memory_space<vmem>>, vector<1x16xf32>,
      %swap3A_236 = arith.index_cast %scan3A_205 : i32 to index
      %swap3A_237 = arith.constant 96 : index
      %swap3A_238 = tpu.vector_load %arg9[%swap3A_236, %swap3A_237] {strides = array<i32>} : memref<128x128xf32, #tpu.memory_space<vmem>>, vector<1x16xf32>,
      %swap3A_239 = vector.shape_cast %swap3A_238 : vector<1x16xf32> to vector<16xf32>
      %swap3A_240 = vector.shape_cast %broadcast_in_dim3A_44 : vector<16xf32> to vector<1x16xf32>
      tpu.vector_store %arg9[%swap3A_236, %swap3A_237], %swap3A_240 {strides = array<i32>} : memref<128x128xf32, #tpu.memory_space<vmem>>, vector<1x16xf32>,
      %swap3A_241 = arith.index_cast %scan3A_205 : i32 to index
      %swap3A_242 = arith.constant 112 : index
      %swap3A_243 = tpu.vector_load %arg9[%swap3A_241, %swap3A_242] {strides = array<i32>} : memref<128x128xf32, #tpu.memory_space<vmem>>, vector<1x16xf32>,
      %swap3A_244 = vector.shape_cast %swap3A_243 : vector<1x16xf32> to vector<16xf32>
      %swap3A_245 = vector.shape_cast %broadcast_in_dim3A_44 : vector<16xf32> to vector<1x16xf32>
      tpu.vector_store %arg9[%swap3A_241, %swap3A_242], %swap3A_245 {strides = array<i32>} : memref<128x128xf32, #tpu.memory_space<vmem>>, vector<1x16xf32>,
      %scan3A_246 = arith.constant 0 : i32
      scf.yield %scan3A_246 : i32
    }
    %scan3A_52 = arith.constant 128 : i32
    %mul3A_53 = arith.constant 256 : i32
    %mul3A_54 = arith.muli %select_n3A_28, %mul3A_53 : i32
    %add3A_55 = arith.addi %mul3A_32, %mul3A_54 : i32
    "tpu.region"() ({
      %run_scoped3A = tpu.sem_alloc : memref<!tpu.dma_semaphore, #tpu.memory_space<semaphore_mem>>
      %dma_start3A_205 = arith.constant 0 : i32
      %dma_start3A_206 = tpu.memref_slice %arg16[%add3A_55, %dma_start3A_205] : memref<4096x128xf32, #tpu.memory_space<vmem_shared>> -> memref<128x128xf32, #tpu.memory_space<vmem_shared>>
      %dma_start3A_207 = arith.constant 0 : i32
      %dma_start3A_208 = tpu.memref_slice %arg16[%add3A_55, %dma_start3A_207] : memref<4096x128xf32, #tpu.memory_space<vmem_shared>> -> memref<128x128xf32, #tpu.memory_space<vmem_shared>>
      tpu.enqueue_dma source(%arg9 : memref<128x128xf32, #tpu.memory_space<vmem>>) target(%dma_start3A_208 : memref<128x128xf32, #tpu.memory_space<vmem_shared>>) target_semaphore(%run_scoped3A : memref<!tpu.dma_semaphore, #tpu.memory_space<semaphore_mem>>)
      %dma_wait3A_209 = arith.constant 0 : i32
      %dma_wait3A_210 = tpu.memref_slice %arg16[%add3A_55, %dma_wait3A_209] : memref<4096x128xf32, #tpu.memory_space<vmem_shared>> -> memref<128x128xf32, #tpu.memory_space<vmem_shared>>
      %dma_wait3A_211 = arith.constant 0 : i32
      %dma_wait3A_212 = tpu.memref_slice %arg16[%add3A_55, %dma_wait3A_211] : memref<4096x128xf32, #tpu.memory_space<vmem_shared>> -> memref<128x128xf32, #tpu.memory_space<vmem_shared>>
      tpu.wait_dma2 semaphore(%run_scoped3A : memref<!tpu.dma_semaphore, #tpu.memory_space<semaphore_mem>>) src(%arg9 : memref<128x128xf32, #tpu.memory_space<vmem>>) dst(%dma_wait3A_212 : memref<128x128xf32, #tpu.memory_space<vmem_shared>>)
      tpu.yield
    }) : () -> ()
    %add3A_56 = arith.constant 128 : i32
    %add3A_57 = arith.addi %add3A_55, %add3A_56 : i32
    "tpu.region"() ({
      %run_scoped3A = tpu.sem_alloc : memref<!tpu.dma_semaphore, #tpu.memory_space<semaphore_mem>>
      %dma_start3A_205 = arith.constant 0 : i32
      %dma_start3A_206 = tpu.memref_slice %arg16[%add3A_57, %dma_start3A_205] : memref<4096x128xf32, #tpu.memory_space<vmem_shared>> -> memref<128x128xf32, #tpu.memory_space<vmem_shared>>
      %dma_start3A_207 = arith.constant 0 : i32
      %dma_start3A_208 = tpu.memref_slice %arg16[%add3A_57, %dma_start3A_207] : memref<4096x128xf32, #tpu.memory_space<vmem_shared>> -> memref<128x128xf32, #tpu.memory_space<vmem_shared>>
      tpu.enqueue_dma source(%arg9 : memref<128x128xf32, #tpu.memory_space<vmem>>) target(%dma_start3A_208 : memref<128x128xf32, #tpu.memory_space<vmem_shared>>) target_semaphore(%run_scoped3A : memref<!tpu.dma_semaphore, #tpu.memory_space<semaphore_mem>>)
      %dma_wait3A_209 = arith.constant 0 : i32
      %dma_wait3A_210 = tpu.memref_slice %arg16[%add3A_57, %dma_wait3A_209] : memref<4096x128xf32, #tpu.memory_space<vmem_shared>> -> memref<128x128xf32, #tpu.memory_space<vmem_shared>>
      %dma_wait3A_211 = arith.constant 0 : i32
      %dma_wait3A_212 = tpu.memref_slice %arg16[%add3A_57, %dma_wait3A_211] : memref<4096x128xf32, #tpu.memory_space<vmem_shared>> -> memref<128x128xf32, #tpu.memory_space<vmem_shared>>
      tpu.wait_dma2 semaphore(%run_scoped3A : memref<!tpu.dma_semaphore, #tpu.memory_space<semaphore_mem>>) src(%arg9 : memref<128x128xf32, #tpu.memory_space<vmem>>) dst(%dma_wait3A_212 : memref<128x128xf32, #tpu.memory_space<vmem_shared>>)
      tpu.yield
    }) : () -> ()
    %broadcast_in_dim3A_58 = vector.broadcast %mul3A_32 : i32 to vector<16xi32>
    %scan3A_59 = arith.constant 0 : i32
    %scan3A_60 = arith.constant 0 : i32
    %scan3A_61 = arith.constant 8 : i32
    %scan3A_62 = arith.addi %scan3A_60, %scan3A_61 : i32
    %scan3A_63 = arith.constant 1 : i32
    %scan3A_64 = scf.for %scan3A_205 = %scan3A_60 to %scan3A_62 step %scan3A_63 iter_args(%scan3A_206 = %scan3A_59) -> (i32)  : i32 {
      %get3A = arith.index_cast %scan3A_205 : i32 to index
      %get3A_207 = arith.constant 0 : index
      %get3A_208 = tpu.vector_load %arg7[%get3A, %get3A_207] {strides = array<i32>} : memref<8x128xi32, #tpu.memory_space<vmem>>, vector<1x16xi32>,
      %get3A_209 = vector.shape_cast %get3A_208 : vector<1x16xi32> to vector<16xi32>
      %add3A_210 = arith.addi %get3A_209, %broadcast_in_dim3A_58 : vector<16xi32>
      %swap3A = arith.index_cast %scan3A_205 : i32 to index
      %swap3A_211 = arith.constant 0 : index
      %swap3A_212 = tpu.vector_load %arg7[%swap3A, %swap3A_211] {strides = array<i32>} : memref<8x128xi32, #tpu.memory_space<vmem>>, vector<1x16xi32>,
      %swap3A_213 = vector.shape_cast %swap3A_212 : vector<1x16xi32> to vector<16xi32>
      %swap3A_214 = vector.shape_cast %add3A_210 : vector<16xi32> to vector<1x16xi32>
      tpu.vector_store %arg7[%swap3A, %swap3A_211], %swap3A_214 {strides = array<i32>} : memref<8x128xi32, #tpu.memory_space<vmem>>, vector<1x16xi32>,
      %get3A_215 = arith.index_cast %scan3A_205 : i32 to index
      %get3A_216 = arith.constant 16 : index
      %get3A_217 = tpu.vector_load %arg7[%get3A_215, %get3A_216] {strides = array<i32>} : memref<8x128xi32, #tpu.memory_space<vmem>>, vector<1x16xi32>,
      %get3A_218 = vector.shape_cast %get3A_217 : vector<1x16xi32> to vector<16xi32>
      %add3A_219 = arith.addi %get3A_218, %broadcast_in_dim3A_58 : vector<16xi32>
      %swap3A_220 = arith.index_cast %scan3A_205 : i32 to index
      %swap3A_221 = arith.constant 16 : index
      %swap3A_222 = tpu.vector_load %arg7[%swap3A_220, %swap3A_221] {strides = array<i32>} : memref<8x128xi32, #tpu.memory_space<vmem>>, vector<1x16xi32>,
      %swap3A_223 = vector.shape_cast %swap3A_222 : vector<1x16xi32> to vector<16xi32>
      %swap3A_224 = vector.shape_cast %add3A_219 : vector<16xi32> to vector<1x16xi32>
      tpu.vector_store %arg7[%swap3A_220, %swap3A_221], %swap3A_224 {strides = array<i32>} : memref<8x128xi32, #tpu.memory_space<vmem>>, vector<1x16xi32>,
      %get3A_225 = arith.index_cast %scan3A_205 : i32 to index
      %get3A_226 = arith.constant 32 : index
      %get3A_227 = tpu.vector_load %arg7[%get3A_225, %get3A_226] {strides = array<i32>} : memref<8x128xi32, #tpu.memory_space<vmem>>, vector<1x16xi32>,
      %get3A_228 = vector.shape_cast %get3A_227 : vector<1x16xi32> to vector<16xi32>
      %add3A_229 = arith.addi %get3A_228, %broadcast_in_dim3A_58 : vector<16xi32>
      %swap3A_230 = arith.index_cast %scan3A_205 : i32 to index
      %swap3A_231 = arith.constant 32 : index
      %swap3A_232 = tpu.vector_load %arg7[%swap3A_230, %swap3A_231] {strides = array<i32>} : memref<8x128xi32, #tpu.memory_space<vmem>>, vector<1x16xi32>,
      %swap3A_233 = vector.shape_cast %swap3A_232 : vector<1x16xi32> to vector<16xi32>
      %swap3A_234 = vector.shape_cast %add3A_229 : vector<16xi32> to vector<1x16xi32>
      tpu.vector_store %arg7[%swap3A_230, %swap3A_231], %swap3A_234 {strides = array<i32>} : memref<8x128xi32, #tpu.memory_space<vmem>>, vector<1x16xi32>,
      %get3A_235 = arith.index_cast %scan3A_205 : i32 to index
      %get3A_236 = arith.constant 48 : index
      %get3A_237 = tpu.vector_load %arg7[%get3A_235, %get3A_236] {strides = array<i32>} : memref<8x128xi32, #tpu.memory_space<vmem>>, vector<1x16xi32>,
      %get3A_238 = vector.shape_cast %get3A_237 : vector<1x16xi32> to vector<16xi32>
      %add3A_239 = arith.addi %get3A_238, %broadcast_in_dim3A_58 : vector<16xi32>
      %swap3A_240 = arith.index_cast %scan3A_205 : i32 to index
      %swap3A_241 = arith.constant 48 : index
      %swap3A_242 = tpu.vector_load %arg7[%swap3A_240, %swap3A_241] {strides = array<i32>} : memref<8x128xi32, #tpu.memory_space<vmem>>, vector<1x16xi32>,
      %swap3A_243 = vector.shape_cast %swap3A_242 : vector<1x16xi32> to vector<16xi32>
      %swap3A_244 = vector.shape_cast %add3A_239 : vector<16xi32> to vector<1x16xi32>
      tpu.vector_store %arg7[%swap3A_240, %swap3A_241], %swap3A_244 {strides = array<i32>} : memref<8x128xi32, #tpu.memory_space<vmem>>, vector<1x16xi32>,
      %get3A_245 = arith.index_cast %scan3A_205 : i32 to index
      %get3A_246 = arith.constant 64 : index
      %get3A_247 = tpu.vector_load %arg7[%get3A_245, %get3A_246] {strides = array<i32>} : memref<8x128xi32, #tpu.memory_space<vmem>>, vector<1x16xi32>,
      %get3A_248 = vector.shape_cast %get3A_247 : vector<1x16xi32> to vector<16xi32>
      %add3A_249 = arith.addi %get3A_248, %broadcast_in_dim3A_58 : vector<16xi32>
      %swap3A_250 = arith.index_cast %scan3A_205 : i32 to index
      %swap3A_251 = arith.constant 64 : index
      %swap3A_252 = tpu.vector_load %arg7[%swap3A_250, %swap3A_251] {strides = array<i32>} : memref<8x128xi32, #tpu.memory_space<vmem>>, vector<1x16xi32>,
      %swap3A_253 = vector.shape_cast %swap3A_252 : vector<1x16xi32> to vector<16xi32>
      %swap3A_254 = vector.shape_cast %add3A_249 : vector<16xi32> to vector<1x16xi32>
      tpu.vector_store %arg7[%swap3A_250, %swap3A_251], %swap3A_254 {strides = array<i32>} : memref<8x128xi32, #tpu.memory_space<vmem>>, vector<1x16xi32>,
      %get3A_255 = arith.index_cast %scan3A_205 : i32 to index
      %get3A_256 = arith.constant 80 : index
      %get3A_257 = tpu.vector_load %arg7[%get3A_255, %get3A_256] {strides = array<i32>} : memref<8x128xi32, #tpu.memory_space<vmem>>, vector<1x16xi32>,
      %get3A_258 = vector.shape_cast %get3A_257 : vector<1x16xi32> to vector<16xi32>
      %add3A_259 = arith.addi %get3A_258, %broadcast_in_dim3A_58 : vector<16xi32>
      %swap3A_260 = arith.index_cast %scan3A_205 : i32 to index
      %swap3A_261 = arith.constant 80 : index
      %swap3A_262 = tpu.vector_load %arg7[%swap3A_260, %swap3A_261] {strides = array<i32>} : memref<8x128xi32, #tpu.memory_space<vmem>>, vector<1x16xi32>,
      %swap3A_263 = vector.shape_cast %swap3A_262 : vector<1x16xi32> to vector<16xi32>
      %swap3A_264 = vector.shape_cast %add3A_259 : vector<16xi32> to vector<1x16xi32>
      tpu.vector_store %arg7[%swap3A_260, %swap3A_261], %swap3A_264 {strides = array<i32>} : memref<8x128xi32, #tpu.memory_space<vmem>>, vector<1x16xi32>,
      %get3A_265 = arith.index_cast %scan3A_205 : i32 to index
      %get3A_266 = arith.constant 96 : index
      %get3A_267 = tpu.vector_load %arg7[%get3A_265, %get3A_266] {strides = array<i32>} : memref<8x128xi32, #tpu.memory_space<vmem>>, vector<1x16xi32>,
      %get3A_268 = vector.shape_cast %get3A_267 : vector<1x16xi32> to vector<16xi32>
      %add3A_269 = arith.addi %get3A_268, %broadcast_in_dim3A_58 : vector<16xi32>
      %swap3A_270 = arith.index_cast %scan3A_205 : i32 to index
      %swap3A_271 = arith.constant 96 : index
      %swap3A_272 = tpu.vector_load %arg7[%swap3A_270, %swap3A_271] {strides = array<i32>} : memref<8x128xi32, #tpu.memory_space<vmem>>, vector<1x16xi32>,
      %swap3A_273 = vector.shape_cast %swap3A_272 : vector<1x16xi32> to vector<16xi32>
      %swap3A_274 = vector.shape_cast %add3A_269 : vector<16xi32> to vector<1x16xi32>
      tpu.vector_store %arg7[%swap3A_270, %swap3A_271], %swap3A_274 {strides = array<i32>} : memref<8x128xi32, #tpu.memory_space<vmem>>, vector<1x16xi32>,
      %get3A_275 = arith.index_cast %scan3A_205 : i32 to index
      %get3A_276 = arith.constant 112 : index
      %get3A_277 = tpu.vector_load %arg7[%get3A_275, %get3A_276] {strides = array<i32>} : memref<8x128xi32, #tpu.memory_space<vmem>>, vector<1x16xi32>,
      %get3A_278 = vector.shape_cast %get3A_277 : vector<1x16xi32> to vector<16xi32>
      %add3A_279 = arith.addi %get3A_278, %broadcast_in_dim3A_58 : vector<16xi32>
      %swap3A_280 = arith.index_cast %scan3A_205 : i32 to index
      %swap3A_281 = arith.constant 112 : index
      %swap3A_282 = tpu.vector_load %arg7[%swap3A_280, %swap3A_281] {strides = array<i32>} : memref<8x128xi32, #tpu.memory_space<vmem>>, vector<1x16xi32>,
      %swap3A_283 = vector.shape_cast %swap3A_282 : vector<1x16xi32> to vector<16xi32>
      %swap3A_284 = vector.shape_cast %add3A_279 : vector<16xi32> to vector<1x16xi32>
      tpu.vector_store %arg7[%swap3A_280, %swap3A_281], %swap3A_284 {strides = array<i32>} : memref<8x128xi32, #tpu.memory_space<vmem>>, vector<1x16xi32>,
      %scan3A_285 = arith.constant 0 : i32
      scf.yield %scan3A_285 : i32
    }
    %scan3A_65 = arith.constant 8 : i32
    %scan3A_66 = arith.constant 0 : i32
    %scan3A_67 = arith.constant 0 : i32
    %scan3A_68 = arith.constant 512 : i32
    %scan3A_69 = arith.addi %scan3A_67, %scan3A_68 : i32
    %scan3A_70 = arith.constant 1 : i32
    %scan3A_71 = scf.for %scan3A_205 = %scan3A_67 to %scan3A_69 step %scan3A_70 iter_args(%scan3A_206 = %scan3A_66) -> (i32)  : i32 {
      %mul3A_207 = arith.constant 16 : i32
      %mul3A_208 = arith.muli %scan3A_205, %mul3A_207 : i32
      %swap3A = arith.index_cast %mul3A_208 : i32 to index
      %swap3A_209 = tpu.vector_load %arg11[%swap3A] {strides = array<i32>} : memref<8192xf32, #tpu.memory_space<vmem>>, vector<16xf32>,
      %swap3A_210 = vector.shape_cast %swap3A_209 : vector<16xf32> to vector<16xf32>
      %swap3A_211 = vector.shape_cast %broadcast_in_dim3A_46 : vector<16xf32> to vector<16xf32>
      tpu.vector_store %arg11[%swap3A], %swap3A_211 {strides = array<i32>} : memref<8192xf32, #tpu.memory_space<vmem>>, vector<16xf32>,
      %swap3A_212 = arith.index_cast %mul3A_208 : i32 to index
      %swap3A_213 = tpu.vector_load %arg12[%swap3A_212] {strides = array<i32>} : memref<8192xf32, #tpu.memory_space<vmem>>, vector<16xf32>,
      %swap3A_214 = vector.shape_cast %swap3A_213 : vector<16xf32> to vector<16xf32>
      %swap3A_215 = vector.shape_cast %broadcast_in_dim3A_46 : vector<16xf32> to vector<16xf32>
      tpu.vector_store %arg12[%swap3A_212], %swap3A_215 {strides = array<i32>} : memref<8192xf32, #tpu.memory_space<vmem>>, vector<16xf32>,
      %swap3A_216 = arith.index_cast %mul3A_208 : i32 to index
      %swap3A_217 = tpu.vector_load %arg13[%swap3A_216] {strides = array<i32>} : memref<8192xf32, #tpu.memory_space<vmem>>, vector<16xf32>,
      %swap3A_218 = vector.shape_cast %swap3A_217 : vector<16xf32> to vector<16xf32>
      %swap3A_219 = vector.shape_cast %broadcast_in_dim3A_44 : vector<16xf32> to vector<16xf32>
      tpu.vector_store %arg13[%swap3A_216], %swap3A_219 {strides = array<i32>} : memref<8192xf32, #tpu.memory_space<vmem>>, vector<16xf32>,
      %scan3A_220 = arith.constant 0 : i32
      scf.yield %scan3A_220 : i32
    }
    %scan3A_72 = arith.constant 512 : i32
    %barrier3A = arith.constant 0 : index
    tpu.barrier barrier_id(%barrier3A)
    %broadcast_in_dim3A_73 = arith.constant 1.000000e+00 : f32
    %broadcast_in_dim3A_74 = vector.broadcast %broadcast_in_dim3A_73 : f32 to vector<16xf32>
    %scan3A_75 = arith.constant 0 : i32
    %scan3A_76 = arith.constant 0 : i32
    %scan3A_77 = arith.constant 4 : i32
    %scan3A_78 = arith.addi %scan3A_76, %scan3A_77 : i32
    %scan3A_79 = arith.constant 1 : i32
    %scan3A_80 = scf.for %scan3A_205 = %scan3A_76 to %scan3A_78 step %scan3A_79 iter_args(%scan3A_206 = %scan3A_75) -> (i32)  : i32 {
      %mul3A_207 = arith.constant 2 : i32
      %mul3A_208 = arith.muli %scan3A_205, %mul3A_207 : i32
      %dma_wait3A_209 = arith.constant 0 : i32
      %dma_wait3A_210 = arith.constant 0 : i32
      %dma_wait3A_211 = tpu.memref_slice %arg2[%add3A_30, %dma_wait3A_209, %dma_wait3A_210] : memref<16x2048x128xf32, #tpu.memory_space<hbm>> -> memref<1x128x128xf32, #tpu.memory_space<hbm>>
      %dma_wait3A_212 = tpu.memref_squeeze %dma_wait3A_211 : memref<1x128x128xf32, #tpu.memory_space<hbm>> -> memref<128x128xf32, #tpu.memory_space<hbm>>
      %dma_wait3A_213 = arith.constant 0 : i32
      %dma_wait3A_214 = arith.constant 0 : i32
      %dma_wait3A_215 = tpu.memref_slice %arg2[%add3A_30, %dma_wait3A_213, %dma_wait3A_214] : memref<16x2048x128xf32, #tpu.memory_space<hbm>> -> memref<1x128x128xf32, #tpu.memory_space<hbm>>
      %dma_wait3A_216 = tpu.memref_squeeze %dma_wait3A_215 : memref<1x128x128xf32, #tpu.memory_space<hbm>> -> memref<128x128xf32, #tpu.memory_space<hbm>>
      tpu.wait_dma2 semaphore(%arg20 : memref<!tpu.dma_semaphore, #tpu.memory_space<semaphore_mem>>) src(%dma_wait3A_216 : memref<128x128xf32, #tpu.memory_space<hbm>>) dst(%arg10 : memref<128x128xf32, #tpu.memory_space<vmem>>)
      %add3A_217 = arith.constant 1 : i32
      %add3A_218 = arith.addi %mul3A_208, %add3A_217 : i32
      %mul3A_219 = arith.constant 1024 : i32
      %mul3A_220 = arith.muli %select_n3A_28, %mul3A_219 : i32
      %mul3A_221 = arith.constant 128 : i32
      %mul3A_222 = arith.muli %add3A_218, %mul3A_221 : i32
      %add3A_223 = arith.addi %mul3A_220, %mul3A_222 : i32
      %dma_start3A_224 = arith.constant 0 : i32
      %dma_start3A_225 = tpu.memref_slice %arg2[%add3A_30, %add3A_223, %dma_start3A_224] : memref<16x2048x128xf32, #tpu.memory_space<hbm>> -> memref<1x128x128xf32, #tpu.memory_space<hbm>>
      %dma_start3A_226 = tpu.memref_squeeze %dma_start3A_225 : memref<1x128x128xf32, #tpu.memory_space<hbm>> -> memref<128x128xf32, #tpu.memory_space<hbm>>
      %dma_start3A_227 = arith.constant 0 : i32
      %dma_start3A_228 = tpu.memref_slice %arg2[%add3A_30, %add3A_223, %dma_start3A_227] : memref<16x2048x128xf32, #tpu.memory_space<hbm>> -> memref<1x128x128xf32, #tpu.memory_space<hbm>>
      %dma_start3A_229 = tpu.memref_squeeze %dma_start3A_228 : memref<1x128x128xf32, #tpu.memory_space<hbm>> -> memref<128x128xf32, #tpu.memory_space<hbm>>
      tpu.enqueue_dma source(%dma_start3A_229 : memref<128x128xf32, #tpu.memory_space<hbm>>) target(%arg9 : memref<128x128xf32, #tpu.memory_space<vmem>>) target_semaphore(%arg19 : memref<!tpu.dma_semaphore, #tpu.memory_space<semaphore_mem>>)
      %dma_start3A_230 = arith.constant 0 : i32
      %dma_start3A_231 = tpu.memref_slice %arg7[%mul3A_208, %dma_start3A_230] : memref<8x128xi32, #tpu.memory_space<vmem>> -> memref<1x128xi32, #tpu.memory_space<vmem>>
      %dma_start3A_232 = tpu.memref_squeeze %dma_start3A_231 : memref<1x128xi32, #tpu.memory_space<vmem>> -> memref<128xi32, #tpu.memory_space<vmem>>
      %dma_start3A_233 = arith.constant 0 : i32
      %dma_start3A_234 = arith.constant 0 : i32
      %dma_start3A_235 = tpu.memref_slice %arg16[%dma_start3A_233, %dma_start3A_234] : memref<4096x128xf32, #tpu.memory_space<vmem_shared>> -> memref<4096x128xf32, #tpu.memory_space<vmem_shared>>
      tpu.enqueue_indirect_dma source(%arg10 : memref<128x128xf32, #tpu.memory_space<vmem>>) target(%dma_start3A_235 : memref<4096x128xf32, #tpu.memory_space<vmem_shared>>) offsets(%dma_start3A_232 : memref<128xi32, #tpu.memory_space<vmem>>) semaphore(%arg21 : memref<!tpu.dma_semaphore, #tpu.memory_space<semaphore_mem>>) {add = true}
      %scan3A_236 = arith.constant 0 : i32
      %scan3A_237 = arith.constant 0 : i32
      %scan3A_238 = arith.constant 8 : i32
      %scan3A_239 = arith.addi %scan3A_237, %scan3A_238 : i32
      %scan3A_240 = arith.constant 1 : i32
      %scan3A_241 = scf.for %scan3A_286 = %scan3A_237 to %scan3A_239 step %scan3A_240 iter_args(%scan3A_287 = %scan3A_236) -> (i32)  : i32 {
        %mul3A_288 = arith.constant 8 : i32
        %mul3A_289 = arith.muli %mul3A_208, %mul3A_288 : i32
        %add3A_290 = arith.addi %mul3A_289, %scan3A_286 : i32
        %jit3A_291 = arith.constant 8 : i32
        %div3A_292 = arith.divsi %add3A_290, %jit3A_291 : i32
        %sign3A_293 = arith.constant 0 : i32
        %sign3A_294 = arith.cmpi sgt, %add3A_290, %sign3A_293 : i32
        %sign3A_295 = arith.extui %sign3A_294 : i1 to i32
        %sign3A_296 = arith.constant 0 : i32
        %sign3A_297 = arith.cmpi slt, %add3A_290, %sign3A_296 : i32
        %sign3A_298 = arith.extui %sign3A_297 : i1 to i32
        %sign3A_299 = arith.subi %sign3A_295, %sign3A_298 : i32
        %sign3A_300 = arith.constant 0 : i32
        %sign3A_301 = arith.cmpi sgt, %jit3A_291, %sign3A_300 : i32
        %sign3A_302 = arith.extui %sign3A_301 : i1 to i32
        %sign3A_303 = arith.constant 0 : i32
        %sign3A_304 = arith.cmpi slt, %jit3A_291, %sign3A_303 : i32
        %sign3A_305 = arith.extui %sign3A_304 : i1 to i32
        %sign3A_306 = arith.subi %sign3A_302, %sign3A_305 : i32
        %ne3A_307 = arith.cmpi ne, %sign3A_299, %sign3A_306 : i32
        %rem3A_308 = arith.remsi %add3A_290, %jit3A_291 : i32
        %ne3A_309 = arith.constant 0 : i32
        %ne3A_310 = arith.cmpi ne, %rem3A_308, %ne3A_309 : i32
        %and3A_311 = arith.andi %ne3A_307, %ne3A_310 : i1
        %sub3A_312 = arith.constant 1 : i32
        %sub3A_313 = arith.subi %div3A_292, %sub3A_312 : i32
        %select_n3A_314 = arith.select %and3A_311, %sub3A_313, %div3A_292 : i32
        %jit3A_315 = arith.constant 8 : i32
        %eq3A_316 = arith.constant 0 : i32
        %eq3A_317 = arith.cmpi eq, %jit3A_315, %eq3A_316 : i32
        %jit3A_318 = arith.constant 1 : i32
        %select_n3A_319 = arith.select %eq3A_317, %jit3A_318, %jit3A_315 : i32
        %rem3A_320 = arith.remsi %add3A_290, %select_n3A_319 : i32
        %ne3A_321 = arith.constant 0 : i32
        %ne3A_322 = arith.cmpi ne, %rem3A_320, %ne3A_321 : i32
        %lt3A_323 = arith.constant 0 : i32
        %lt3A_324 = arith.cmpi slt, %rem3A_320, %lt3A_323 : i32
        %lt3A_325 = arith.constant 0 : i32
        %lt3A_326 = arith.cmpi slt, %select_n3A_319, %lt3A_325 : i32
        %ne3A_327 = arith.xori %lt3A_324, %lt3A_326 : i1
        %and3A_328 = arith.andi %ne3A_327, %ne3A_322 : i1
        %add3A_329 = arith.addi %rem3A_320, %select_n3A_319 : i32
        %select_n3A_330 = arith.select %and3A_328, %add3A_329, %rem3A_320 : i32
        %mul3A_331 = arith.constant 16 : i32
        %mul3A_332 = arith.muli %select_n3A_330, %mul3A_331 : i32
        %get3A = arith.index_cast %select_n3A_314 : i32 to index
        %get3A_333 = arith.index_cast %mul3A_332 : i32 to index
        %get3A_334 = tpu.vector_load %arg7[%get3A, %get3A_333] {strides = array<i32>} : memref<8x128xi32, #tpu.memory_space<vmem>>, vector<1x16xi32>,
        %get3A_335 = vector.shape_cast %get3A_334 : vector<1x16xi32> to vector<16xi32>
        %mul3A_336 = arith.constant 16 : i32
        %mul3A_337 = arith.muli %add3A_290, %mul3A_336 : i32
        %get3A_338 = arith.index_cast %mul3A_337 : i32 to index
        %get3A_339 = tpu.vector_load %arg8[%get3A_338] {strides = array<i32>} : memref<1024xf32, #tpu.memory_space<vmem>>, vector<16xf32>,
        %get3A_340 = vector.shape_cast %get3A_339 : vector<16xf32> to vector<16xf32>
        %slice3A = vector.extract_strided_slice %get3A_335 {offsets = [0], sizes = [1], strides = [1]} : vector<16xi32> to vector<1xi32>
        %squeeze3A = vector.extract %slice3A[0] : i32 from vector<1xi32>
        %sub3A_341 = arith.subi %squeeze3A, %mul3A_32 : i32
        %mul3A_342 = arith.constant 16 : i32
        %mul3A_343 = arith.muli %sub3A_341, %mul3A_342 : i32
        %swap3A = arith.index_cast %mul3A_343 : i32 to index
        %swap3A_344 = tpu.vector_load %arg13[%swap3A] {strides = array<i32>} : memref<8192xf32, #tpu.memory_space<vmem>>, vector<16xf32>,
        %swap3A_345 = vector.shape_cast %swap3A_344 : vector<16xf32> to vector<16xf32>
        %swap3A_346 = vector.shape_cast %broadcast_in_dim3A_74 : vector<16xf32> to vector<16xf32>
        tpu.vector_store %arg13[%swap3A], %swap3A_346 {add = true, strides = array<i32>} : memref<8192xf32, #tpu.memory_space<vmem>>, vector<16xf32>,
        %slice3A_347 = vector.extract_strided_slice %get3A_340 {offsets = [0], sizes = [1], strides = [1]} : vector<16xf32> to vector<1xf32>
        %squeeze3A_348 = vector.extract %slice3A_347[0] : f32 from vector<1xf32>
        %broadcast_in_dim3A_349 = vector.broadcast %squeeze3A_348 : f32 to vector<16xf32>
        %get3A_350 = arith.index_cast %mul3A_343 : i32 to index
        %get3A_351 = tpu.vector_load %arg11[%get3A_350] {strides = array<i32>} : memref<8192xf32, #tpu.memory_space<vmem>>, vector<16xf32>,
        %get3A_352 = vector.shape_cast %get3A_351 : vector<16xf32> to vector<16xf32>
        %max3A = arith.maximumf %get3A_352, %broadcast_in_dim3A_349 : vector<16xf32>
        %swap3A_353 = arith.index_cast %mul3A_343 : i32 to index
        %swap3A_354 = tpu.vector_load %arg11[%swap3A_353] {strides = array<i32>} : memref<8192xf32, #tpu.memory_space<vmem>>, vector<16xf32>,
        %swap3A_355 = vector.shape_cast %swap3A_354 : vector<16xf32> to vector<16xf32>
        %swap3A_356 = vector.shape_cast %max3A : vector<16xf32> to vector<16xf32>
        tpu.vector_store %arg11[%swap3A_353], %swap3A_356 {strides = array<i32>} : memref<8192xf32, #tpu.memory_space<vmem>>, vector<16xf32>,
        %slice3A_357 = vector.extract_strided_slice %get3A_335 {offsets = [1], sizes = [1], strides = [1]} : vector<16xi32> to vector<1xi32>
        %squeeze3A_358 = vector.extract %slice3A_357[0] : i32 from vector<1xi32>
        %sub3A_359 = arith.subi %squeeze3A_358, %mul3A_32 : i32
        %mul3A_360 = arith.constant 16 : i32
        %mul3A_361 = arith.muli %sub3A_359, %mul3A_360 : i32
        %swap3A_362 = arith.index_cast %mul3A_361 : i32 to index
        %swap3A_363 = tpu.vector_load %arg13[%swap3A_362] {strides = array<i32>} : memref<8192xf32, #tpu.memory_space<vmem>>, vector<16xf32>,
        %swap3A_364 = vector.shape_cast %swap3A_363 : vector<16xf32> to vector<16xf32>
        %swap3A_365 = vector.shape_cast %broadcast_in_dim3A_74 : vector<16xf32> to vector<16xf32>
        tpu.vector_store %arg13[%swap3A_362], %swap3A_365 {add = true, strides = array<i32>} : memref<8192xf32, #tpu.memory_space<vmem>>, vector<16xf32>,
        %slice3A_366 = vector.extract_strided_slice %get3A_340 {offsets = [1], sizes = [1], strides = [1]} : vector<16xf32> to vector<1xf32>
        %squeeze3A_367 = vector.extract %slice3A_366[0] : f32 from vector<1xf32>
        %broadcast_in_dim3A_368 = vector.broadcast %squeeze3A_367 : f32 to vector<16xf32>
        %get3A_369 = arith.index_cast %mul3A_361 : i32 to index
        %get3A_370 = tpu.vector_load %arg12[%get3A_369] {strides = array<i32>} : memref<8192xf32, #tpu.memory_space<vmem>>, vector<16xf32>,
        %get3A_371 = vector.shape_cast %get3A_370 : vector<16xf32> to vector<16xf32>
        %max3A_372 = arith.maximumf %get3A_371, %broadcast_in_dim3A_368 : vector<16xf32>
        %swap3A_373 = arith.index_cast %mul3A_361 : i32 to index
        %swap3A_374 = tpu.vector_load %arg12[%swap3A_373] {strides = array<i32>} : memref<8192xf32, #tpu.memory_space<vmem>>, vector<16xf32>,
        %swap3A_375 = vector.shape_cast %swap3A_374 : vector<16xf32> to vector<16xf32>
        %swap3A_376 = vector.shape_cast %max3A_372 : vector<16xf32> to vector<16xf32>
        tpu.vector_store %arg12[%swap3A_373], %swap3A_376 {strides = array<i32>} : memref<8192xf32, #tpu.memory_space<vmem>>, vector<16xf32>,
        %slice3A_377 = vector.extract_strided_slice %get3A_335 {offsets = [2], sizes = [1], strides = [1]} : vector<16xi32> to vector<1xi32>
        %squeeze3A_378 = vector.extract %slice3A_377[0] : i32 from vector<1xi32>
        %sub3A_379 = arith.subi %squeeze3A_378, %mul3A_32 : i32
        %mul3A_380 = arith.constant 16 : i32
        %mul3A_381 = arith.muli %sub3A_379, %mul3A_380 : i32
        %swap3A_382 = arith.index_cast %mul3A_381 : i32 to index
        %swap3A_383 = tpu.vector_load %arg13[%swap3A_382] {strides = array<i32>} : memref<8192xf32, #tpu.memory_space<vmem>>, vector<16xf32>,
        %swap3A_384 = vector.shape_cast %swap3A_383 : vector<16xf32> to vector<16xf32>
        %swap3A_385 = vector.shape_cast %broadcast_in_dim3A_74 : vector<16xf32> to vector<16xf32>
        tpu.vector_store %arg13[%swap3A_382], %swap3A_385 {add = true, strides = array<i32>} : memref<8192xf32, #tpu.memory_space<vmem>>, vector<16xf32>,
        %slice3A_386 = vector.extract_strided_slice %get3A_340 {offsets = [2], sizes = [1], strides = [1]} : vector<16xf32> to vector<1xf32>
        %squeeze3A_387 = vector.extract %slice3A_386[0] : f32 from vector<1xf32>
        %broadcast_in_dim3A_388 = vector.broadcast %squeeze3A_387 : f32 to vector<16xf32>
        %get3A_389 = arith.index_cast %mul3A_381 : i32 to index
        %get3A_390 = tpu.vector_load %arg11[%get3A_389] {strides = array<i32>} : memref<8192xf32, #tpu.memory_space<vmem>>, vector<16xf32>,
        %get3A_391 = vector.shape_cast %get3A_390 : vector<16xf32> to vector<16xf32>
        %max3A_392 = arith.maximumf %get3A_391, %broadcast_in_dim3A_388 : vector<16xf32>
        %swap3A_393 = arith.index_cast %mul3A_381 : i32 to index
        %swap3A_394 = tpu.vector_load %arg11[%swap3A_393] {strides = array<i32>} : memref<8192xf32, #tpu.memory_space<vmem>>, vector<16xf32>,
        %swap3A_395 = vector.shape_cast %swap3A_394 : vector<16xf32> to vector<16xf32>
        %swap3A_396 = vector.shape_cast %max3A_392 : vector<16xf32> to vector<16xf32>
        tpu.vector_store %arg11[%swap3A_393], %swap3A_396 {strides = array<i32>} : memref<8192xf32, #tpu.memory_space<vmem>>, vector<16xf32>,
        %slice3A_397 = vector.extract_strided_slice %get3A_335 {offsets = [3], sizes = [1], strides = [1]} : vector<16xi32> to vector<1xi32>
        %squeeze3A_398 = vector.extract %slice3A_397[0] : i32 from vector<1xi32>
        %sub3A_399 = arith.subi %squeeze3A_398, %mul3A_32 : i32
        %mul3A_400 = arith.constant 16 : i32
        %mul3A_401 = arith.muli %sub3A_399, %mul3A_400 : i32
        %swap3A_402 = arith.index_cast %mul3A_401 : i32 to index
        %swap3A_403 = tpu.vector_load %arg13[%swap3A_402] {strides = array<i32>} : memref<8192xf32, #tpu.memory_space<vmem>>, vector<16xf32>,
        %swap3A_404 = vector.shape_cast %swap3A_403 : vector<16xf32> to vector<16xf32>
        %swap3A_405 = vector.shape_cast %broadcast_in_dim3A_74 : vector<16xf32> to vector<16xf32>
        tpu.vector_store %arg13[%swap3A_402], %swap3A_405 {add = true, strides = array<i32>} : memref<8192xf32, #tpu.memory_space<vmem>>, vector<16xf32>,
        %slice3A_406 = vector.extract_strided_slice %get3A_340 {offsets = [3], sizes = [1], strides = [1]} : vector<16xf32> to vector<1xf32>
        %squeeze3A_407 = vector.extract %slice3A_406[0] : f32 from vector<1xf32>
        %broadcast_in_dim3A_408 = vector.broadcast %squeeze3A_407 : f32 to vector<16xf32>
        %get3A_409 = arith.index_cast %mul3A_401 : i32 to index
        %get3A_410 = tpu.vector_load %arg12[%get3A_409] {strides = array<i32>} : memref<8192xf32, #tpu.memory_space<vmem>>, vector<16xf32>,
        %get3A_411 = vector.shape_cast %get3A_410 : vector<16xf32> to vector<16xf32>
        %max3A_412 = arith.maximumf %get3A_411, %broadcast_in_dim3A_408 : vector<16xf32>
        %swap3A_413 = arith.index_cast %mul3A_401 : i32 to index
        %swap3A_414 = tpu.vector_load %arg12[%swap3A_413] {strides = array<i32>} : memref<8192xf32, #tpu.memory_space<vmem>>, vector<16xf32>,
        %swap3A_415 = vector.shape_cast %swap3A_414 : vector<16xf32> to vector<16xf32>
        %swap3A_416 = vector.shape_cast %max3A_412 : vector<16xf32> to vector<16xf32>
        tpu.vector_store %arg12[%swap3A_413], %swap3A_416 {strides = array<i32>} : memref<8192xf32, #tpu.memory_space<vmem>>, vector<16xf32>,
        %slice3A_417 = vector.extract_strided_slice %get3A_335 {offsets = [4], sizes = [1], strides = [1]} : vector<16xi32> to vector<1xi32>
        %squeeze3A_418 = vector.extract %slice3A_417[0] : i32 from vector<1xi32>
        %sub3A_419 = arith.subi %squeeze3A_418, %mul3A_32 : i32
        %mul3A_420 = arith.constant 16 : i32
        %mul3A_421 = arith.muli %sub3A_419, %mul3A_420 : i32
        %swap3A_422 = arith.index_cast %mul3A_421 : i32 to index
        %swap3A_423 = tpu.vector_load %arg13[%swap3A_422] {strides = array<i32>} : memref<8192xf32, #tpu.memory_space<vmem>>, vector<16xf32>,
        %swap3A_424 = vector.shape_cast %swap3A_423 : vector<16xf32> to vector<16xf32>
        %swap3A_425 = vector.shape_cast %broadcast_in_dim3A_74 : vector<16xf32> to vector<16xf32>
        tpu.vector_store %arg13[%swap3A_422], %swap3A_425 {add = true, strides = array<i32>} : memref<8192xf32, #tpu.memory_space<vmem>>, vector<16xf32>,
        %slice3A_426 = vector.extract_strided_slice %get3A_340 {offsets = [4], sizes = [1], strides = [1]} : vector<16xf32> to vector<1xf32>
        %squeeze3A_427 = vector.extract %slice3A_426[0] : f32 from vector<1xf32>
        %broadcast_in_dim3A_428 = vector.broadcast %squeeze3A_427 : f32 to vector<16xf32>
        %get3A_429 = arith.index_cast %mul3A_421 : i32 to index
        %get3A_430 = tpu.vector_load %arg11[%get3A_429] {strides = array<i32>} : memref<8192xf32, #tpu.memory_space<vmem>>, vector<16xf32>,
        %get3A_431 = vector.shape_cast %get3A_430 : vector<16xf32> to vector<16xf32>
        %max3A_432 = arith.maximumf %get3A_431, %broadcast_in_dim3A_428 : vector<16xf32>
        %swap3A_433 = arith.index_cast %mul3A_421 : i32 to index
        %swap3A_434 = tpu.vector_load %arg11[%swap3A_433] {strides = array<i32>} : memref<8192xf32, #tpu.memory_space<vmem>>, vector<16xf32>,
        %swap3A_435 = vector.shape_cast %swap3A_434 : vector<16xf32> to vector<16xf32>
        %swap3A_436 = vector.shape_cast %max3A_432 : vector<16xf32> to vector<16xf32>
        tpu.vector_store %arg11[%swap3A_433], %swap3A_436 {strides = array<i32>} : memref<8192xf32, #tpu.memory_space<vmem>>, vector<16xf32>,
        %slice3A_437 = vector.extract_strided_slice %get3A_335 {offsets = [5], sizes = [1], strides = [1]} : vector<16xi32> to vector<1xi32>
        %squeeze3A_438 = vector.extract %slice3A_437[0] : i32 from vector<1xi32>
        %sub3A_439 = arith.subi %squeeze3A_438, %mul3A_32 : i32
        %mul3A_440 = arith.constant 16 : i32
        %mul3A_441 = arith.muli %sub3A_439, %mul3A_440 : i32
        %swap3A_442 = arith.index_cast %mul3A_441 : i32 to index
        %swap3A_443 = tpu.vector_load %arg13[%swap3A_442] {strides = array<i32>} : memref<8192xf32, #tpu.memory_space<vmem>>, vector<16xf32>,
        %swap3A_444 = vector.shape_cast %swap3A_443 : vector<16xf32> to vector<16xf32>
        %swap3A_445 = vector.shape_cast %broadcast_in_dim3A_74 : vector<16xf32> to vector<16xf32>
        tpu.vector_store %arg13[%swap3A_442], %swap3A_445 {add = true, strides = array<i32>} : memref<8192xf32, #tpu.memory_space<vmem>>, vector<16xf32>,
        %slice3A_446 = vector.extract_strided_slice %get3A_340 {offsets = [5], sizes = [1], strides = [1]} : vector<16xf32> to vector<1xf32>
        %squeeze3A_447 = vector.extract %slice3A_446[0] : f32 from vector<1xf32>
        %broadcast_in_dim3A_448 = vector.broadcast %squeeze3A_447 : f32 to vector<16xf32>
        %get3A_449 = arith.index_cast %mul3A_441 : i32 to index
        %get3A_450 = tpu.vector_load %arg12[%get3A_449] {strides = array<i32>} : memref<8192xf32, #tpu.memory_space<vmem>>, vector<16xf32>,
        %get3A_451 = vector.shape_cast %get3A_450 : vector<16xf32> to vector<16xf32>
        %max3A_452 = arith.maximumf %get3A_451, %broadcast_in_dim3A_448 : vector<16xf32>
        %swap3A_453 = arith.index_cast %mul3A_441 : i32 to index
        %swap3A_454 = tpu.vector_load %arg12[%swap3A_453] {strides = array<i32>} : memref<8192xf32, #tpu.memory_space<vmem>>, vector<16xf32>,
        %swap3A_455 = vector.shape_cast %swap3A_454 : vector<16xf32> to vector<16xf32>
        %swap3A_456 = vector.shape_cast %max3A_452 : vector<16xf32> to vector<16xf32>
        tpu.vector_store %arg12[%swap3A_453], %swap3A_456 {strides = array<i32>} : memref<8192xf32, #tpu.memory_space<vmem>>, vector<16xf32>,
        %slice3A_457 = vector.extract_strided_slice %get3A_335 {offsets = [6], sizes = [1], strides = [1]} : vector<16xi32> to vector<1xi32>
        %squeeze3A_458 = vector.extract %slice3A_457[0] : i32 from vector<1xi32>
        %sub3A_459 = arith.subi %squeeze3A_458, %mul3A_32 : i32
        %mul3A_460 = arith.constant 16 : i32
        %mul3A_461 = arith.muli %sub3A_459, %mul3A_460 : i32
        %swap3A_462 = arith.index_cast %mul3A_461 : i32 to index
        %swap3A_463 = tpu.vector_load %arg13[%swap3A_462] {strides = array<i32>} : memref<8192xf32, #tpu.memory_space<vmem>>, vector<16xf32>,
        %swap3A_464 = vector.shape_cast %swap3A_463 : vector<16xf32> to vector<16xf32>
        %swap3A_465 = vector.shape_cast %broadcast_in_dim3A_74 : vector<16xf32> to vector<16xf32>
        tpu.vector_store %arg13[%swap3A_462], %swap3A_465 {add = true, strides = array<i32>} : memref<8192xf32, #tpu.memory_space<vmem>>, vector<16xf32>,
        %slice3A_466 = vector.extract_strided_slice %get3A_340 {offsets = [6], sizes = [1], strides = [1]} : vector<16xf32> to vector<1xf32>
        %squeeze3A_467 = vector.extract %slice3A_466[0] : f32 from vector<1xf32>
        %broadcast_in_dim3A_468 = vector.broadcast %squeeze3A_467 : f32 to vector<16xf32>
        %get3A_469 = arith.index_cast %mul3A_461 : i32 to index
        %get3A_470 = tpu.vector_load %arg11[%get3A_469] {strides = array<i32>} : memref<8192xf32, #tpu.memory_space<vmem>>, vector<16xf32>,
        %get3A_471 = vector.shape_cast %get3A_470 : vector<16xf32> to vector<16xf32>
        %max3A_472 = arith.maximumf %get3A_471, %broadcast_in_dim3A_468 : vector<16xf32>
        %swap3A_473 = arith.index_cast %mul3A_461 : i32 to index
        %swap3A_474 = tpu.vector_load %arg11[%swap3A_473] {strides = array<i32>} : memref<8192xf32, #tpu.memory_space<vmem>>, vector<16xf32>,
        %swap3A_475 = vector.shape_cast %swap3A_474 : vector<16xf32> to vector<16xf32>
        %swap3A_476 = vector.shape_cast %max3A_472 : vector<16xf32> to vector<16xf32>
        tpu.vector_store %arg11[%swap3A_473], %swap3A_476 {strides = array<i32>} : memref<8192xf32, #tpu.memory_space<vmem>>, vector<16xf32>,
        %slice3A_477 = vector.extract_strided_slice %get3A_335 {offsets = [7], sizes = [1], strides = [1]} : vector<16xi32> to vector<1xi32>
        %squeeze3A_478 = vector.extract %slice3A_477[0] : i32 from vector<1xi32>
        %sub3A_479 = arith.subi %squeeze3A_478, %mul3A_32 : i32
        %mul3A_480 = arith.constant 16 : i32
        %mul3A_481 = arith.muli %sub3A_479, %mul3A_480 : i32
        %swap3A_482 = arith.index_cast %mul3A_481 : i32 to index
        %swap3A_483 = tpu.vector_load %arg13[%swap3A_482] {strides = array<i32>} : memref<8192xf32, #tpu.memory_space<vmem>>, vector<16xf32>,
        %swap3A_484 = vector.shape_cast %swap3A_483 : vector<16xf32> to vector<16xf32>
        %swap3A_485 = vector.shape_cast %broadcast_in_dim3A_74 : vector<16xf32> to vector<16xf32>
        tpu.vector_store %arg13[%swap3A_482], %swap3A_485 {add = true, strides = array<i32>} : memref<8192xf32, #tpu.memory_space<vmem>>, vector<16xf32>,
        %slice3A_486 = vector.extract_strided_slice %get3A_340 {offsets = [7], sizes = [1], strides = [1]} : vector<16xf32> to vector<1xf32>
        %squeeze3A_487 = vector.extract %slice3A_486[0] : f32 from vector<1xf32>
        %broadcast_in_dim3A_488 = vector.broadcast %squeeze3A_487 : f32 to vector<16xf32>
        %get3A_489 = arith.index_cast %mul3A_481 : i32 to index
        %get3A_490 = tpu.vector_load %arg12[%get3A_489] {strides = array<i32>} : memref<8192xf32, #tpu.memory_space<vmem>>, vector<16xf32>,
        %get3A_491 = vector.shape_cast %get3A_490 : vector<16xf32> to vector<16xf32>
        %max3A_492 = arith.maximumf %get3A_491, %broadcast_in_dim3A_488 : vector<16xf32>
        %swap3A_493 = arith.index_cast %mul3A_481 : i32 to index
        %swap3A_494 = tpu.vector_load %arg12[%swap3A_493] {strides = array<i32>} : memref<8192xf32, #tpu.memory_space<vmem>>, vector<16xf32>,
        %swap3A_495 = vector.shape_cast %swap3A_494 : vector<16xf32> to vector<16xf32>
        %swap3A_496 = vector.shape_cast %max3A_492 : vector<16xf32> to vector<16xf32>
        tpu.vector_store %arg12[%swap3A_493], %swap3A_496 {strides = array<i32>} : memref<8192xf32, #tpu.memory_space<vmem>>, vector<16xf32>,
        %slice3A_497 = vector.extract_strided_slice %get3A_335 {offsets = [8], sizes = [1], strides = [1]} : vector<16xi32> to vector<1xi32>
        %squeeze3A_498 = vector.extract %slice3A_497[0] : i32 from vector<1xi32>
        %sub3A_499 = arith.subi %squeeze3A_498, %mul3A_32 : i32
        %mul3A_500 = arith.constant 16 : i32
        %mul3A_501 = arith.muli %sub3A_499, %mul3A_500 : i32
        %swap3A_502 = arith.index_cast %mul3A_501 : i32 to index
        %swap3A_503 = tpu.vector_load %arg13[%swap3A_502] {strides = array<i32>} : memref<8192xf32, #tpu.memory_space<vmem>>, vector<16xf32>,
        %swap3A_504 = vector.shape_cast %swap3A_503 : vector<16xf32> to vector<16xf32>
        %swap3A_505 = vector.shape_cast %broadcast_in_dim3A_74 : vector<16xf32> to vector<16xf32>
        tpu.vector_store %arg13[%swap3A_502], %swap3A_505 {add = true, strides = array<i32>} : memref<8192xf32, #tpu.memory_space<vmem>>, vector<16xf32>,
        %slice3A_506 = vector.extract_strided_slice %get3A_340 {offsets = [8], sizes = [1], strides = [1]} : vector<16xf32> to vector<1xf32>
        %squeeze3A_507 = vector.extract %slice3A_506[0] : f32 from vector<1xf32>
        %broadcast_in_dim3A_508 = vector.broadcast %squeeze3A_507 : f32 to vector<16xf32>
        %get3A_509 = arith.index_cast %mul3A_501 : i32 to index
        %get3A_510 = tpu.vector_load %arg11[%get3A_509] {strides = array<i32>} : memref<8192xf32, #tpu.memory_space<vmem>>, vector<16xf32>,
        %get3A_511 = vector.shape_cast %get3A_510 : vector<16xf32> to vector<16xf32>
        %max3A_512 = arith.maximumf %get3A_511, %broadcast_in_dim3A_508 : vector<16xf32>
        %swap3A_513 = arith.index_cast %mul3A_501 : i32 to index
        %swap3A_514 = tpu.vector_load %arg11[%swap3A_513] {strides = array<i32>} : memref<8192xf32, #tpu.memory_space<vmem>>, vector<16xf32>,
        %swap3A_515 = vector.shape_cast %swap3A_514 : vector<16xf32> to vector<16xf32>
        %swap3A_516 = vector.shape_cast %max3A_512 : vector<16xf32> to vector<16xf32>
        tpu.vector_store %arg11[%swap3A_513], %swap3A_516 {strides = array<i32>} : memref<8192xf32, #tpu.memory_space<vmem>>, vector<16xf32>,
        %slice3A_517 = vector.extract_strided_slice %get3A_335 {offsets = [9], sizes = [1], strides = [1]} : vector<16xi32> to vector<1xi32>
        %squeeze3A_518 = vector.extract %slice3A_517[0] : i32 from vector<1xi32>
        %sub3A_519 = arith.subi %squeeze3A_518, %mul3A_32 : i32
        %mul3A_520 = arith.constant 16 : i32
        %mul3A_521 = arith.muli %sub3A_519, %mul3A_520 : i32
        %swap3A_522 = arith.index_cast %mul3A_521 : i32 to index
        %swap3A_523 = tpu.vector_load %arg13[%swap3A_522] {strides = array<i32>} : memref<8192xf32, #tpu.memory_space<vmem>>, vector<16xf32>,
        %swap3A_524 = vector.shape_cast %swap3A_523 : vector<16xf32> to vector<16xf32>
        %swap3A_525 = vector.shape_cast %broadcast_in_dim3A_74 : vector<16xf32> to vector<16xf32>
        tpu.vector_store %arg13[%swap3A_522], %swap3A_525 {add = true, strides = array<i32>} : memref<8192xf32, #tpu.memory_space<vmem>>, vector<16xf32>,
        %slice3A_526 = vector.extract_strided_slice %get3A_340 {offsets = [9], sizes = [1], strides = [1]} : vector<16xf32> to vector<1xf32>
        %squeeze3A_527 = vector.extract %slice3A_526[0] : f32 from vector<1xf32>
        %broadcast_in_dim3A_528 = vector.broadcast %squeeze3A_527 : f32 to vector<16xf32>
        %get3A_529 = arith.index_cast %mul3A_521 : i32 to index
        %get3A_530 = tpu.vector_load %arg12[%get3A_529] {strides = array<i32>} : memref<8192xf32, #tpu.memory_space<vmem>>, vector<16xf32>,
        %get3A_531 = vector.shape_cast %get3A_530 : vector<16xf32> to vector<16xf32>
        %max3A_532 = arith.maximumf %get3A_531, %broadcast_in_dim3A_528 : vector<16xf32>
        %swap3A_533 = arith.index_cast %mul3A_521 : i32 to index
        %swap3A_534 = tpu.vector_load %arg12[%swap3A_533] {strides = array<i32>} : memref<8192xf32, #tpu.memory_space<vmem>>, vector<16xf32>,
        %swap3A_535 = vector.shape_cast %swap3A_534 : vector<16xf32> to vector<16xf32>
        %swap3A_536 = vector.shape_cast %max3A_532 : vector<16xf32> to vector<16xf32>
        tpu.vector_store %arg12[%swap3A_533], %swap3A_536 {strides = array<i32>} : memref<8192xf32, #tpu.memory_space<vmem>>, vector<16xf32>,
        %slice3A_537 = vector.extract_strided_slice %get3A_335 {offsets = [10], sizes = [1], strides = [1]} : vector<16xi32> to vector<1xi32>
        %squeeze3A_538 = vector.extract %slice3A_537[0] : i32 from vector<1xi32>
        %sub3A_539 = arith.subi %squeeze3A_538, %mul3A_32 : i32
        %mul3A_540 = arith.constant 16 : i32
        %mul3A_541 = arith.muli %sub3A_539, %mul3A_540 : i32
        %swap3A_542 = arith.index_cast %mul3A_541 : i32 to index
        %swap3A_543 = tpu.vector_load %arg13[%swap3A_542] {strides = array<i32>} : memref<8192xf32, #tpu.memory_space<vmem>>, vector<16xf32>,
        %swap3A_544 = vector.shape_cast %swap3A_543 : vector<16xf32> to vector<16xf32>
        %swap3A_545 = vector.shape_cast %broadcast_in_dim3A_74 : vector<16xf32> to vector<16xf32>
        tpu.vector_store %arg13[%swap3A_542], %swap3A_545 {add = true, strides = array<i32>} : memref<8192xf32, #tpu.memory_space<vmem>>, vector<16xf32>,
        %slice3A_546 = vector.extract_strided_slice %get3A_340 {offsets = [10], sizes = [1], strides = [1]} : vector<16xf32> to vector<1xf32>
        %squeeze3A_547 = vector.extract %slice3A_546[0] : f32 from vector<1xf32>
        %broadcast_in_dim3A_548 = vector.broadcast %squeeze3A_547 : f32 to vector<16xf32>
        %get3A_549 = arith.index_cast %mul3A_541 : i32 to index
        %get3A_550 = tpu.vector_load %arg11[%get3A_549] {strides = array<i32>} : memref<8192xf32, #tpu.memory_space<vmem>>, vector<16xf32>,
        %get3A_551 = vector.shape_cast %get3A_550 : vector<16xf32> to vector<16xf32>
        %max3A_552 = arith.maximumf %get3A_551, %broadcast_in_dim3A_548 : vector<16xf32>
        %swap3A_553 = arith.index_cast %mul3A_541 : i32 to index
        %swap3A_554 = tpu.vector_load %arg11[%swap3A_553] {strides = array<i32>} : memref<8192xf32, #tpu.memory_space<vmem>>, vector<16xf32>,
        %swap3A_555 = vector.shape_cast %swap3A_554 : vector<16xf32> to vector<16xf32>
        %swap3A_556 = vector.shape_cast %max3A_552 : vector<16xf32> to vector<16xf32>
        tpu.vector_store %arg11[%swap3A_553], %swap3A_556 {strides = array<i32>} : memref<8192xf32, #tpu.memory_space<vmem>>, vector<16xf32>,
        %slice3A_557 = vector.extract_strided_slice %get3A_335 {offsets = [11], sizes = [1], strides = [1]} : vector<16xi32> to vector<1xi32>
        %squeeze3A_558 = vector.extract %slice3A_557[0] : i32 from vector<1xi32>
        %sub3A_559 = arith.subi %squeeze3A_558, %mul3A_32 : i32
        %mul3A_560 = arith.constant 16 : i32
        %mul3A_561 = arith.muli %sub3A_559, %mul3A_560 : i32
        %swap3A_562 = arith.index_cast %mul3A_561 : i32 to index
        %swap3A_563 = tpu.vector_load %arg13[%swap3A_562] {strides = array<i32>} : memref<8192xf32, #tpu.memory_space<vmem>>, vector<16xf32>,
        %swap3A_564 = vector.shape_cast %swap3A_563 : vector<16xf32> to vector<16xf32>
        %swap3A_565 = vector.shape_cast %broadcast_in_dim3A_74 : vector<16xf32> to vector<16xf32>
        tpu.vector_store %arg13[%swap3A_562], %swap3A_565 {add = true, strides = array<i32>} : memref<8192xf32, #tpu.memory_space<vmem>>, vector<16xf32>,
        %slice3A_566 = vector.extract_strided_slice %get3A_340 {offsets = [11], sizes = [1], strides = [1]} : vector<16xf32> to vector<1xf32>
        %squeeze3A_567 = vector.extract %slice3A_566[0] : f32 from vector<1xf32>
        %broadcast_in_dim3A_568 = vector.broadcast %squeeze3A_567 : f32 to vector<16xf32>
        %get3A_569 = arith.index_cast %mul3A_561 : i32 to index
        %get3A_570 = tpu.vector_load %arg12[%get3A_569] {strides = array<i32>} : memref<8192xf32, #tpu.memory_space<vmem>>, vector<16xf32>,
        %get3A_571 = vector.shape_cast %get3A_570 : vector<16xf32> to vector<16xf32>
        %max3A_572 = arith.maximumf %get3A_571, %broadcast_in_dim3A_568 : vector<16xf32>
        %swap3A_573 = arith.index_cast %mul3A_561 : i32 to index
        %swap3A_574 = tpu.vector_load %arg12[%swap3A_573] {strides = array<i32>} : memref<8192xf32, #tpu.memory_space<vmem>>, vector<16xf32>,
        %swap3A_575 = vector.shape_cast %swap3A_574 : vector<16xf32> to vector<16xf32>
        %swap3A_576 = vector.shape_cast %max3A_572 : vector<16xf32> to vector<16xf32>
        tpu.vector_store %arg12[%swap3A_573], %swap3A_576 {strides = array<i32>} : memref<8192xf32, #tpu.memory_space<vmem>>, vector<16xf32>,
        %slice3A_577 = vector.extract_strided_slice %get3A_335 {offsets = [12], sizes = [1], strides = [1]} : vector<16xi32> to vector<1xi32>
        %squeeze3A_578 = vector.extract %slice3A_577[0] : i32 from vector<1xi32>
        %sub3A_579 = arith.subi %squeeze3A_578, %mul3A_32 : i32
        %mul3A_580 = arith.constant 16 : i32
        %mul3A_581 = arith.muli %sub3A_579, %mul3A_580 : i32
        %swap3A_582 = arith.index_cast %mul3A_581 : i32 to index
        %swap3A_583 = tpu.vector_load %arg13[%swap3A_582] {strides = array<i32>} : memref<8192xf32, #tpu.memory_space<vmem>>, vector<16xf32>,
        %swap3A_584 = vector.shape_cast %swap3A_583 : vector<16xf32> to vector<16xf32>
        %swap3A_585 = vector.shape_cast %broadcast_in_dim3A_74 : vector<16xf32> to vector<16xf32>
        tpu.vector_store %arg13[%swap3A_582], %swap3A_585 {add = true, strides = array<i32>} : memref<8192xf32, #tpu.memory_space<vmem>>, vector<16xf32>,
        %slice3A_586 = vector.extract_strided_slice %get3A_340 {offsets = [12], sizes = [1], strides = [1]} : vector<16xf32> to vector<1xf32>
        %squeeze3A_587 = vector.extract %slice3A_586[0] : f32 from vector<1xf32>
        %broadcast_in_dim3A_588 = vector.broadcast %squeeze3A_587 : f32 to vector<16xf32>
        %get3A_589 = arith.index_cast %mul3A_581 : i32 to index
        %get3A_590 = tpu.vector_load %arg11[%get3A_589] {strides = array<i32>} : memref<8192xf32, #tpu.memory_space<vmem>>, vector<16xf32>,
        %get3A_591 = vector.shape_cast %get3A_590 : vector<16xf32> to vector<16xf32>
        %max3A_592 = arith.maximumf %get3A_591, %broadcast_in_dim3A_588 : vector<16xf32>
        %swap3A_593 = arith.index_cast %mul3A_581 : i32 to index
        %swap3A_594 = tpu.vector_load %arg11[%swap3A_593] {strides = array<i32>} : memref<8192xf32, #tpu.memory_space<vmem>>, vector<16xf32>,
        %swap3A_595 = vector.shape_cast %swap3A_594 : vector<16xf32> to vector<16xf32>
        %swap3A_596 = vector.shape_cast %max3A_592 : vector<16xf32> to vector<16xf32>
        tpu.vector_store %arg11[%swap3A_593], %swap3A_596 {strides = array<i32>} : memref<8192xf32, #tpu.memory_space<vmem>>, vector<16xf32>,
        %slice3A_597 = vector.extract_strided_slice %get3A_335 {offsets = [13], sizes = [1], strides = [1]} : vector<16xi32> to vector<1xi32>
        %squeeze3A_598 = vector.extract %slice3A_597[0] : i32 from vector<1xi32>
        %sub3A_599 = arith.subi %squeeze3A_598, %mul3A_32 : i32
        %mul3A_600 = arith.constant 16 : i32
        %mul3A_601 = arith.muli %sub3A_599, %mul3A_600 : i32
        %swap3A_602 = arith.index_cast %mul3A_601 : i32 to index
        %swap3A_603 = tpu.vector_load %arg13[%swap3A_602] {strides = array<i32>} : memref<8192xf32, #tpu.memory_space<vmem>>, vector<16xf32>,
        %swap3A_604 = vector.shape_cast %swap3A_603 : vector<16xf32> to vector<16xf32>
        %swap3A_605 = vector.shape_cast %broadcast_in_dim3A_74 : vector<16xf32> to vector<16xf32>
        tpu.vector_store %arg13[%swap3A_602], %swap3A_605 {add = true, strides = array<i32>} : memref<8192xf32, #tpu.memory_space<vmem>>, vector<16xf32>,
        %slice3A_606 = vector.extract_strided_slice %get3A_340 {offsets = [13], sizes = [1], strides = [1]} : vector<16xf32> to vector<1xf32>
        %squeeze3A_607 = vector.extract %slice3A_606[0] : f32 from vector<1xf32>
        %broadcast_in_dim3A_608 = vector.broadcast %squeeze3A_607 : f32 to vector<16xf32>
        %get3A_609 = arith.index_cast %mul3A_601 : i32 to index
        %get3A_610 = tpu.vector_load %arg12[%get3A_609] {strides = array<i32>} : memref<8192xf32, #tpu.memory_space<vmem>>, vector<16xf32>,
        %get3A_611 = vector.shape_cast %get3A_610 : vector<16xf32> to vector<16xf32>
        %max3A_612 = arith.maximumf %get3A_611, %broadcast_in_dim3A_608 : vector<16xf32>
        %swap3A_613 = arith.index_cast %mul3A_601 : i32 to index
        %swap3A_614 = tpu.vector_load %arg12[%swap3A_613] {strides = array<i32>} : memref<8192xf32, #tpu.memory_space<vmem>>, vector<16xf32>,
        %swap3A_615 = vector.shape_cast %swap3A_614 : vector<16xf32> to vector<16xf32>
        %swap3A_616 = vector.shape_cast %max3A_612 : vector<16xf32> to vector<16xf32>
        tpu.vector_store %arg12[%swap3A_613], %swap3A_616 {strides = array<i32>} : memref<8192xf32, #tpu.memory_space<vmem>>, vector<16xf32>,
        %slice3A_617 = vector.extract_strided_slice %get3A_335 {offsets = [14], sizes = [1], strides = [1]} : vector<16xi32> to vector<1xi32>
        %squeeze3A_618 = vector.extract %slice3A_617[0] : i32 from vector<1xi32>
        %sub3A_619 = arith.subi %squeeze3A_618, %mul3A_32 : i32
        %mul3A_620 = arith.constant 16 : i32
        %mul3A_621 = arith.muli %sub3A_619, %mul3A_620 : i32
        %swap3A_622 = arith.index_cast %mul3A_621 : i32 to index
        %swap3A_623 = tpu.vector_load %arg13[%swap3A_622] {strides = array<i32>} : memref<8192xf32, #tpu.memory_space<vmem>>, vector<16xf32>,
        %swap3A_624 = vector.shape_cast %swap3A_623 : vector<16xf32> to vector<16xf32>
        %swap3A_625 = vector.shape_cast %broadcast_in_dim3A_74 : vector<16xf32> to vector<16xf32>
        tpu.vector_store %arg13[%swap3A_622], %swap3A_625 {add = true, strides = array<i32>} : memref<8192xf32, #tpu.memory_space<vmem>>, vector<16xf32>,
        %slice3A_626 = vector.extract_strided_slice %get3A_340 {offsets = [14], sizes = [1], strides = [1]} : vector<16xf32> to vector<1xf32>
        %squeeze3A_627 = vector.extract %slice3A_626[0] : f32 from vector<1xf32>
        %broadcast_in_dim3A_628 = vector.broadcast %squeeze3A_627 : f32 to vector<16xf32>
        %get3A_629 = arith.index_cast %mul3A_621 : i32 to index
        %get3A_630 = tpu.vector_load %arg11[%get3A_629] {strides = array<i32>} : memref<8192xf32, #tpu.memory_space<vmem>>, vector<16xf32>,
        %get3A_631 = vector.shape_cast %get3A_630 : vector<16xf32> to vector<16xf32>
        %max3A_632 = arith.maximumf %get3A_631, %broadcast_in_dim3A_628 : vector<16xf32>
        %swap3A_633 = arith.index_cast %mul3A_621 : i32 to index
        %swap3A_634 = tpu.vector_load %arg11[%swap3A_633] {strides = array<i32>} : memref<8192xf32, #tpu.memory_space<vmem>>, vector<16xf32>,
        %swap3A_635 = vector.shape_cast %swap3A_634 : vector<16xf32> to vector<16xf32>
        %swap3A_636 = vector.shape_cast %max3A_632 : vector<16xf32> to vector<16xf32>
        tpu.vector_store %arg11[%swap3A_633], %swap3A_636 {strides = array<i32>} : memref<8192xf32, #tpu.memory_space<vmem>>, vector<16xf32>,
        %slice3A_637 = vector.extract_strided_slice %get3A_335 {offsets = [15], sizes = [1], strides = [1]} : vector<16xi32> to vector<1xi32>
        %squeeze3A_638 = vector.extract %slice3A_637[0] : i32 from vector<1xi32>
        %sub3A_639 = arith.subi %squeeze3A_638, %mul3A_32 : i32
        %mul3A_640 = arith.constant 16 : i32
        %mul3A_641 = arith.muli %sub3A_639, %mul3A_640 : i32
        %swap3A_642 = arith.index_cast %mul3A_641 : i32 to index
        %swap3A_643 = tpu.vector_load %arg13[%swap3A_642] {strides = array<i32>} : memref<8192xf32, #tpu.memory_space<vmem>>, vector<16xf32>,
        %swap3A_644 = vector.shape_cast %swap3A_643 : vector<16xf32> to vector<16xf32>
        %swap3A_645 = vector.shape_cast %broadcast_in_dim3A_74 : vector<16xf32> to vector<16xf32>
        tpu.vector_store %arg13[%swap3A_642], %swap3A_645 {add = true, strides = array<i32>} : memref<8192xf32, #tpu.memory_space<vmem>>, vector<16xf32>,
        %slice3A_646 = vector.extract_strided_slice %get3A_340 {offsets = [15], sizes = [1], strides = [1]} : vector<16xf32> to vector<1xf32>
        %squeeze3A_647 = vector.extract %slice3A_646[0] : f32 from vector<1xf32>
        %broadcast_in_dim3A_648 = vector.broadcast %squeeze3A_647 : f32 to vector<16xf32>
        %get3A_649 = arith.index_cast %mul3A_641 : i32 to index
        %get3A_650 = tpu.vector_load %arg12[%get3A_649] {strides = array<i32>} : memref<8192xf32, #tpu.memory_space<vmem>>, vector<16xf32>,
        %get3A_651 = vector.shape_cast %get3A_650 : vector<16xf32> to vector<16xf32>
        %max3A_652 = arith.maximumf %get3A_651, %broadcast_in_dim3A_648 : vector<16xf32>
        %swap3A_653 = arith.index_cast %mul3A_641 : i32 to index
        %swap3A_654 = tpu.vector_load %arg12[%swap3A_653] {strides = array<i32>} : memref<8192xf32, #tpu.memory_space<vmem>>, vector<16xf32>,
        %swap3A_655 = vector.shape_cast %swap3A_654 : vector<16xf32> to vector<16xf32>
        %swap3A_656 = vector.shape_cast %max3A_652 : vector<16xf32> to vector<16xf32>
        tpu.vector_store %arg12[%swap3A_653], %swap3A_656 {strides = array<i32>} : memref<8192xf32, #tpu.memory_space<vmem>>, vector<16xf32>,
        %scan3A_657 = arith.constant 0 : i32
        scf.yield %scan3A_657 : i32
      }
      %scan3A_242 = arith.constant 8 : i32
      %dma_wait3A_243 = arith.constant 0 : i32
      %dma_wait3A_244 = tpu.memref_slice %arg7[%mul3A_208, %dma_wait3A_243] : memref<8x128xi32, #tpu.memory_space<vmem>> -> memref<1x128xi32, #tpu.memory_space<vmem>>
      %dma_wait3A_245 = tpu.memref_squeeze %dma_wait3A_244 : memref<1x128xi32, #tpu.memory_space<vmem>> -> memref<128xi32, #tpu.memory_space<vmem>>
      %dma_wait3A_246 = arith.constant 0 : i32
      %dma_wait3A_247 = arith.constant 0 : i32
      %dma_wait3A_248 = tpu.memref_slice %arg16[%dma_wait3A_246, %dma_wait3A_247] : memref<4096x128xf32, #tpu.memory_space<vmem_shared>> -> memref<4096x128xf32, #tpu.memory_space<vmem_shared>>
      tpu.wait_indirect_dma semaphore(%arg21 : memref<!tpu.dma_semaphore, #tpu.memory_space<semaphore_mem>>) src(%arg10 : memref<128x128xf32, #tpu.memory_space<vmem>>) dst(%dma_wait3A_248 : memref<4096x128xf32, #tpu.memory_space<vmem_shared>>)
      %dma_wait3A_249 = arith.constant 0 : i32
      %dma_wait3A_250 = arith.constant 0 : i32
      %dma_wait3A_251 = tpu.memref_slice %arg2[%add3A_30, %dma_wait3A_249, %dma_wait3A_250] : memref<16x2048x128xf32, #tpu.memory_space<hbm>> -> memref<1x128x128xf32, #tpu.memory_space<hbm>>
      %dma_wait3A_252 = tpu.memref_squeeze %dma_wait3A_251 : memref<1x128x128xf32, #tpu.memory_space<hbm>> -> memref<128x128xf32, #tpu.memory_space<hbm>>
      %dma_wait3A_253 = arith.constant 0 : i32
      %dma_wait3A_254 = arith.constant 0 : i32
      %dma_wait3A_255 = tpu.memref_slice %arg2[%add3A_30, %dma_wait3A_253, %dma_wait3A_254] : memref<16x2048x128xf32, #tpu.memory_space<hbm>> -> memref<1x128x128xf32, #tpu.memory_space<hbm>>
      %dma_wait3A_256 = tpu.memref_squeeze %dma_wait3A_255 : memref<1x128x128xf32, #tpu.memory_space<hbm>> -> memref<128x128xf32, #tpu.memory_space<hbm>>
      tpu.wait_dma2 semaphore(%arg19 : memref<!tpu.dma_semaphore, #tpu.memory_space<semaphore_mem>>) src(%dma_wait3A_256 : memref<128x128xf32, #tpu.memory_space<hbm>>) dst(%arg9 : memref<128x128xf32, #tpu.memory_space<vmem>>)
      %add3A_257 = arith.constant 2 : i32
      %add3A_258 = arith.addi %mul3A_208, %add3A_257 : i32
      %lt3A_259 = arith.constant 8 : i32
      %lt3A_260 = arith.cmpi slt, %add3A_258, %lt3A_259 : i32
      %convert_element_type3A = arith.extui %lt3A_260 : i1 to i32
      %cond3A = arith.constant 0 : i32
      %cond3A_261 = arith.cmpi ne, %convert_element_type3A, %cond3A : i32
      scf.if %cond3A_261 {
        %add3A_286 = arith.constant 2 : i32
        %add3A_287 = arith.addi %mul3A_208, %add3A_286 : i32
        %mul3A_288 = arith.constant 1024 : i32
        %mul3A_289 = arith.muli %select_n3A_28, %mul3A_288 : i32
        %mul3A_290 = arith.constant 128 : i32
        %mul3A_291 = arith.muli %add3A_287, %mul3A_290 : i32
        %add3A_292 = arith.addi %mul3A_289, %mul3A_291 : i32
        %dma_start3A_293 = arith.constant 0 : i32
        %dma_start3A_294 = tpu.memref_slice %arg2[%add3A_30, %add3A_292, %dma_start3A_293] : memref<16x2048x128xf32, #tpu.memory_space<hbm>> -> memref<1x128x128xf32, #tpu.memory_space<hbm>>
        %dma_start3A_295 = tpu.memref_squeeze %dma_start3A_294 : memref<1x128x128xf32, #tpu.memory_space<hbm>> -> memref<128x128xf32, #tpu.memory_space<hbm>>
        %dma_start3A_296 = arith.constant 0 : i32
        %dma_start3A_297 = tpu.memref_slice %arg2[%add3A_30, %add3A_292, %dma_start3A_296] : memref<16x2048x128xf32, #tpu.memory_space<hbm>> -> memref<1x128x128xf32, #tpu.memory_space<hbm>>
        %dma_start3A_298 = tpu.memref_squeeze %dma_start3A_297 : memref<1x128x128xf32, #tpu.memory_space<hbm>> -> memref<128x128xf32, #tpu.memory_space<hbm>>
        tpu.enqueue_dma source(%dma_start3A_298 : memref<128x128xf32, #tpu.memory_space<hbm>>) target(%arg10 : memref<128x128xf32, #tpu.memory_space<vmem>>) target_semaphore(%arg20 : memref<!tpu.dma_semaphore, #tpu.memory_space<semaphore_mem>>)
      } else {
      }
      %add3A_262 = arith.constant 1 : i32
      %add3A_263 = arith.addi %mul3A_208, %add3A_262 : i32
      %dma_start3A_264 = arith.constant 0 : i32
      %dma_start3A_265 = tpu.memref_slice %arg7[%add3A_263, %dma_start3A_264] : memref<8x128xi32, #tpu.memory_space<vmem>> -> memref<1x128xi32, #tpu.memory_space<vmem>>
      %dma_start3A_266 = tpu.memref_squeeze %dma_start3A_265 : memref<1x128xi32, #tpu.memory_space<vmem>> -> memref<128xi32, #tpu.memory_space<vmem>>
      %dma_start3A_267 = arith.constant 0 : i32
      %dma_start3A_268 = arith.constant 0 : i32
      %dma_start3A_269 = tpu.memref_slice %arg16[%dma_start3A_267, %dma_start3A_268] : memref<4096x128xf32, #tpu.memory_space<vmem_shared>> -> memref<4096x128xf32, #tpu.memory_space<vmem_shared>>
      tpu.enqueue_indirect_dma source(%arg9 : memref<128x128xf32, #tpu.memory_space<vmem>>) target(%dma_start3A_269 : memref<4096x128xf32, #tpu.memory_space<vmem_shared>>) offsets(%dma_start3A_266 : memref<128xi32, #tpu.memory_space<vmem>>) semaphore(%arg21 : memref<!tpu.dma_semaphore, #tpu.memory_space<semaphore_mem>>) {add = true}
      %add3A_270 = arith.constant 1 : i32
      %add3A_271 = arith.addi %mul3A_208, %add3A_270 : i32
      %scan3A_272 = arith.constant 0 : i32
      %scan3A_273 = arith.constant 0 : i32
      %scan3A_274 = arith.constant 8 : i32
      %scan3A_275 = arith.addi %scan3A_273, %scan3A_274 : i32
      %scan3A_276 = arith.constant 1 : i32
      %scan3A_277 = scf.for %scan3A_286 = %scan3A_273 to %scan3A_275 step %scan3A_276 iter_args(%scan3A_287 = %scan3A_272) -> (i32)  : i32 {
        %mul3A_288 = arith.constant 8 : i32
        %mul3A_289 = arith.muli %add3A_271, %mul3A_288 : i32
        %add3A_290 = arith.addi %mul3A_289, %scan3A_286 : i32
        %jit3A_291 = arith.constant 8 : i32
        %div3A_292 = arith.divsi %add3A_290, %jit3A_291 : i32
        %sign3A_293 = arith.constant 0 : i32
        %sign3A_294 = arith.cmpi sgt, %add3A_290, %sign3A_293 : i32
        %sign3A_295 = arith.extui %sign3A_294 : i1 to i32
        %sign3A_296 = arith.constant 0 : i32
        %sign3A_297 = arith.cmpi slt, %add3A_290, %sign3A_296 : i32
        %sign3A_298 = arith.extui %sign3A_297 : i1 to i32
        %sign3A_299 = arith.subi %sign3A_295, %sign3A_298 : i32
        %sign3A_300 = arith.constant 0 : i32
        %sign3A_301 = arith.cmpi sgt, %jit3A_291, %sign3A_300 : i32
        %sign3A_302 = arith.extui %sign3A_301 : i1 to i32
        %sign3A_303 = arith.constant 0 : i32
        %sign3A_304 = arith.cmpi slt, %jit3A_291, %sign3A_303 : i32
        %sign3A_305 = arith.extui %sign3A_304 : i1 to i32
        %sign3A_306 = arith.subi %sign3A_302, %sign3A_305 : i32
        %ne3A_307 = arith.cmpi ne, %sign3A_299, %sign3A_306 : i32
        %rem3A_308 = arith.remsi %add3A_290, %jit3A_291 : i32
        %ne3A_309 = arith.constant 0 : i32
        %ne3A_310 = arith.cmpi ne, %rem3A_308, %ne3A_309 : i32
        %and3A_311 = arith.andi %ne3A_307, %ne3A_310 : i1
        %sub3A_312 = arith.constant 1 : i32
        %sub3A_313 = arith.subi %div3A_292, %sub3A_312 : i32
        %select_n3A_314 = arith.select %and3A_311, %sub3A_313, %div3A_292 : i32
        %jit3A_315 = arith.constant 8 : i32
        %eq3A_316 = arith.constant 0 : i32
        %eq3A_317 = arith.cmpi eq, %jit3A_315, %eq3A_316 : i32
        %jit3A_318 = arith.constant 1 : i32
        %select_n3A_319 = arith.select %eq3A_317, %jit3A_318, %jit3A_315 : i32
        %rem3A_320 = arith.remsi %add3A_290, %select_n3A_319 : i32
        %ne3A_321 = arith.constant 0 : i32
        %ne3A_322 = arith.cmpi ne, %rem3A_320, %ne3A_321 : i32
        %lt3A_323 = arith.constant 0 : i32
        %lt3A_324 = arith.cmpi slt, %rem3A_320, %lt3A_323 : i32
        %lt3A_325 = arith.constant 0 : i32
        %lt3A_326 = arith.cmpi slt, %select_n3A_319, %lt3A_325 : i32
        %ne3A_327 = arith.xori %lt3A_324, %lt3A_326 : i1
        %and3A_328 = arith.andi %ne3A_327, %ne3A_322 : i1
        %add3A_329 = arith.addi %rem3A_320, %select_n3A_319 : i32
        %select_n3A_330 = arith.select %and3A_328, %add3A_329, %rem3A_320 : i32
        %mul3A_331 = arith.constant 16 : i32
        %mul3A_332 = arith.muli %select_n3A_330, %mul3A_331 : i32
        %get3A = arith.index_cast %select_n3A_314 : i32 to index
        %get3A_333 = arith.index_cast %mul3A_332 : i32 to index
        %get3A_334 = tpu.vector_load %arg7[%get3A, %get3A_333] {strides = array<i32>} : memref<8x128xi32, #tpu.memory_space<vmem>>, vector<1x16xi32>,
        %get3A_335 = vector.shape_cast %get3A_334 : vector<1x16xi32> to vector<16xi32>
        %mul3A_336 = arith.constant 16 : i32
        %mul3A_337 = arith.muli %add3A_290, %mul3A_336 : i32
        %get3A_338 = arith.index_cast %mul3A_337 : i32 to index
        %get3A_339 = tpu.vector_load %arg8[%get3A_338] {strides = array<i32>} : memref<1024xf32, #tpu.memory_space<vmem>>, vector<16xf32>,
        %get3A_340 = vector.shape_cast %get3A_339 : vector<16xf32> to vector<16xf32>
        %slice3A = vector.extract_strided_slice %get3A_335 {offsets = [0], sizes = [1], strides = [1]} : vector<16xi32> to vector<1xi32>
        %squeeze3A = vector.extract %slice3A[0] : i32 from vector<1xi32>
        %sub3A_341 = arith.subi %squeeze3A, %mul3A_32 : i32
        %mul3A_342 = arith.constant 16 : i32
        %mul3A_343 = arith.muli %sub3A_341, %mul3A_342 : i32
        %swap3A = arith.index_cast %mul3A_343 : i32 to index
        %swap3A_344 = tpu.vector_load %arg13[%swap3A] {strides = array<i32>} : memref<8192xf32, #tpu.memory_space<vmem>>, vector<16xf32>,
        %swap3A_345 = vector.shape_cast %swap3A_344 : vector<16xf32> to vector<16xf32>
        %swap3A_346 = vector.shape_cast %broadcast_in_dim3A_74 : vector<16xf32> to vector<16xf32>
        tpu.vector_store %arg13[%swap3A], %swap3A_346 {add = true, strides = array<i32>} : memref<8192xf32, #tpu.memory_space<vmem>>, vector<16xf32>,
        %slice3A_347 = vector.extract_strided_slice %get3A_340 {offsets = [0], sizes = [1], strides = [1]} : vector<16xf32> to vector<1xf32>
        %squeeze3A_348 = vector.extract %slice3A_347[0] : f32 from vector<1xf32>
        %broadcast_in_dim3A_349 = vector.broadcast %squeeze3A_348 : f32 to vector<16xf32>
        %get3A_350 = arith.index_cast %mul3A_343 : i32 to index
        %get3A_351 = tpu.vector_load %arg11[%get3A_350] {strides = array<i32>} : memref<8192xf32, #tpu.memory_space<vmem>>, vector<16xf32>,
        %get3A_352 = vector.shape_cast %get3A_351 : vector<16xf32> to vector<16xf32>
        %max3A = arith.maximumf %get3A_352, %broadcast_in_dim3A_349 : vector<16xf32>
        %swap3A_353 = arith.index_cast %mul3A_343 : i32 to index
        %swap3A_354 = tpu.vector_load %arg11[%swap3A_353] {strides = array<i32>} : memref<8192xf32, #tpu.memory_space<vmem>>, vector<16xf32>,
        %swap3A_355 = vector.shape_cast %swap3A_354 : vector<16xf32> to vector<16xf32>
        %swap3A_356 = vector.shape_cast %max3A : vector<16xf32> to vector<16xf32>
        tpu.vector_store %arg11[%swap3A_353], %swap3A_356 {strides = array<i32>} : memref<8192xf32, #tpu.memory_space<vmem>>, vector<16xf32>,
        %slice3A_357 = vector.extract_strided_slice %get3A_335 {offsets = [1], sizes = [1], strides = [1]} : vector<16xi32> to vector<1xi32>
        %squeeze3A_358 = vector.extract %slice3A_357[0] : i32 from vector<1xi32>
        %sub3A_359 = arith.subi %squeeze3A_358, %mul3A_32 : i32
        %mul3A_360 = arith.constant 16 : i32
        %mul3A_361 = arith.muli %sub3A_359, %mul3A_360 : i32
        %swap3A_362 = arith.index_cast %mul3A_361 : i32 to index
        %swap3A_363 = tpu.vector_load %arg13[%swap3A_362] {strides = array<i32>} : memref<8192xf32, #tpu.memory_space<vmem>>, vector<16xf32>,
        %swap3A_364 = vector.shape_cast %swap3A_363 : vector<16xf32> to vector<16xf32>
        %swap3A_365 = vector.shape_cast %broadcast_in_dim3A_74 : vector<16xf32> to vector<16xf32>
        tpu.vector_store %arg13[%swap3A_362], %swap3A_365 {add = true, strides = array<i32>} : memref<8192xf32, #tpu.memory_space<vmem>>, vector<16xf32>,
        %slice3A_366 = vector.extract_strided_slice %get3A_340 {offsets = [1], sizes = [1], strides = [1]} : vector<16xf32> to vector<1xf32>
        %squeeze3A_367 = vector.extract %slice3A_366[0] : f32 from vector<1xf32>
        %broadcast_in_dim3A_368 = vector.broadcast %squeeze3A_367 : f32 to vector<16xf32>
        %get3A_369 = arith.index_cast %mul3A_361 : i32 to index
        %get3A_370 = tpu.vector_load %arg12[%get3A_369] {strides = array<i32>} : memref<8192xf32, #tpu.memory_space<vmem>>, vector<16xf32>,
        %get3A_371 = vector.shape_cast %get3A_370 : vector<16xf32> to vector<16xf32>
        %max3A_372 = arith.maximumf %get3A_371, %broadcast_in_dim3A_368 : vector<16xf32>
        %swap3A_373 = arith.index_cast %mul3A_361 : i32 to index
        %swap3A_374 = tpu.vector_load %arg12[%swap3A_373] {strides = array<i32>} : memref<8192xf32, #tpu.memory_space<vmem>>, vector<16xf32>,
        %swap3A_375 = vector.shape_cast %swap3A_374 : vector<16xf32> to vector<16xf32>
        %swap3A_376 = vector.shape_cast %max3A_372 : vector<16xf32> to vector<16xf32>
        tpu.vector_store %arg12[%swap3A_373], %swap3A_376 {strides = array<i32>} : memref<8192xf32, #tpu.memory_space<vmem>>, vector<16xf32>,
        %slice3A_377 = vector.extract_strided_slice %get3A_335 {offsets = [2], sizes = [1], strides = [1]} : vector<16xi32> to vector<1xi32>
        %squeeze3A_378 = vector.extract %slice3A_377[0] : i32 from vector<1xi32>
        %sub3A_379 = arith.subi %squeeze3A_378, %mul3A_32 : i32
        %mul3A_380 = arith.constant 16 : i32
        %mul3A_381 = arith.muli %sub3A_379, %mul3A_380 : i32
        %swap3A_382 = arith.index_cast %mul3A_381 : i32 to index
        %swap3A_383 = tpu.vector_load %arg13[%swap3A_382] {strides = array<i32>} : memref<8192xf32, #tpu.memory_space<vmem>>, vector<16xf32>,
        %swap3A_384 = vector.shape_cast %swap3A_383 : vector<16xf32> to vector<16xf32>
        %swap3A_385 = vector.shape_cast %broadcast_in_dim3A_74 : vector<16xf32> to vector<16xf32>
        tpu.vector_store %arg13[%swap3A_382], %swap3A_385 {add = true, strides = array<i32>} : memref<8192xf32, #tpu.memory_space<vmem>>, vector<16xf32>,
        %slice3A_386 = vector.extract_strided_slice %get3A_340 {offsets = [2], sizes = [1], strides = [1]} : vector<16xf32> to vector<1xf32>
        %squeeze3A_387 = vector.extract %slice3A_386[0] : f32 from vector<1xf32>
        %broadcast_in_dim3A_388 = vector.broadcast %squeeze3A_387 : f32 to vector<16xf32>
        %get3A_389 = arith.index_cast %mul3A_381 : i32 to index
        %get3A_390 = tpu.vector_load %arg11[%get3A_389] {strides = array<i32>} : memref<8192xf32, #tpu.memory_space<vmem>>, vector<16xf32>,
        %get3A_391 = vector.shape_cast %get3A_390 : vector<16xf32> to vector<16xf32>
        %max3A_392 = arith.maximumf %get3A_391, %broadcast_in_dim3A_388 : vector<16xf32>
        %swap3A_393 = arith.index_cast %mul3A_381 : i32 to index
        %swap3A_394 = tpu.vector_load %arg11[%swap3A_393] {strides = array<i32>} : memref<8192xf32, #tpu.memory_space<vmem>>, vector<16xf32>,
        %swap3A_395 = vector.shape_cast %swap3A_394 : vector<16xf32> to vector<16xf32>
        %swap3A_396 = vector.shape_cast %max3A_392 : vector<16xf32> to vector<16xf32>
        tpu.vector_store %arg11[%swap3A_393], %swap3A_396 {strides = array<i32>} : memref<8192xf32, #tpu.memory_space<vmem>>, vector<16xf32>,
        %slice3A_397 = vector.extract_strided_slice %get3A_335 {offsets = [3], sizes = [1], strides = [1]} : vector<16xi32> to vector<1xi32>
        %squeeze3A_398 = vector.extract %slice3A_397[0] : i32 from vector<1xi32>
        %sub3A_399 = arith.subi %squeeze3A_398, %mul3A_32 : i32
        %mul3A_400 = arith.constant 16 : i32
        %mul3A_401 = arith.muli %sub3A_399, %mul3A_400 : i32
        %swap3A_402 = arith.index_cast %mul3A_401 : i32 to index
        %swap3A_403 = tpu.vector_load %arg13[%swap3A_402] {strides = array<i32>} : memref<8192xf32, #tpu.memory_space<vmem>>, vector<16xf32>,
        %swap3A_404 = vector.shape_cast %swap3A_403 : vector<16xf32> to vector<16xf32>
        %swap3A_405 = vector.shape_cast %broadcast_in_dim3A_74 : vector<16xf32> to vector<16xf32>
        tpu.vector_store %arg13[%swap3A_402], %swap3A_405 {add = true, strides = array<i32>} : memref<8192xf32, #tpu.memory_space<vmem>>, vector<16xf32>,
        %slice3A_406 = vector.extract_strided_slice %get3A_340 {offsets = [3], sizes = [1], strides = [1]} : vector<16xf32> to vector<1xf32>
        %squeeze3A_407 = vector.extract %slice3A_406[0] : f32 from vector<1xf32>
        %broadcast_in_dim3A_408 = vector.broadcast %squeeze3A_407 : f32 to vector<16xf32>
        %get3A_409 = arith.index_cast %mul3A_401 : i32 to index
        %get3A_410 = tpu.vector_load %arg12[%get3A_409] {strides = array<i32>} : memref<8192xf32, #tpu.memory_space<vmem>>, vector<16xf32>,
        %get3A_411 = vector.shape_cast %get3A_410 : vector<16xf32> to vector<16xf32>
        %max3A_412 = arith.maximumf %get3A_411, %broadcast_in_dim3A_408 : vector<16xf32>
        %swap3A_413 = arith.index_cast %mul3A_401 : i32 to index
        %swap3A_414 = tpu.vector_load %arg12[%swap3A_413] {strides = array<i32>} : memref<8192xf32, #tpu.memory_space<vmem>>, vector<16xf32>,
        %swap3A_415 = vector.shape_cast %swap3A_414 : vector<16xf32> to vector<16xf32>
        %swap3A_416 = vector.shape_cast %max3A_412 : vector<16xf32> to vector<16xf32>
        tpu.vector_store %arg12[%swap3A_413], %swap3A_416 {strides = array<i32>} : memref<8192xf32, #tpu.memory_space<vmem>>, vector<16xf32>,
        %slice3A_417 = vector.extract_strided_slice %get3A_335 {offsets = [4], sizes = [1], strides = [1]} : vector<16xi32> to vector<1xi32>
        %squeeze3A_418 = vector.extract %slice3A_417[0] : i32 from vector<1xi32>
        %sub3A_419 = arith.subi %squeeze3A_418, %mul3A_32 : i32
        %mul3A_420 = arith.constant 16 : i32
        %mul3A_421 = arith.muli %sub3A_419, %mul3A_420 : i32
        %swap3A_422 = arith.index_cast %mul3A_421 : i32 to index
        %swap3A_423 = tpu.vector_load %arg13[%swap3A_422] {strides = array<i32>} : memref<8192xf32, #tpu.memory_space<vmem>>, vector<16xf32>,
        %swap3A_424 = vector.shape_cast %swap3A_423 : vector<16xf32> to vector<16xf32>
        %swap3A_425 = vector.shape_cast %broadcast_in_dim3A_74 : vector<16xf32> to vector<16xf32>
        tpu.vector_store %arg13[%swap3A_422], %swap3A_425 {add = true, strides = array<i32>} : memref<8192xf32, #tpu.memory_space<vmem>>, vector<16xf32>,
        %slice3A_426 = vector.extract_strided_slice %get3A_340 {offsets = [4], sizes = [1], strides = [1]} : vector<16xf32> to vector<1xf32>
        %squeeze3A_427 = vector.extract %slice3A_426[0] : f32 from vector<1xf32>
        %broadcast_in_dim3A_428 = vector.broadcast %squeeze3A_427 : f32 to vector<16xf32>
        %get3A_429 = arith.index_cast %mul3A_421 : i32 to index
        %get3A_430 = tpu.vector_load %arg11[%get3A_429] {strides = array<i32>} : memref<8192xf32, #tpu.memory_space<vmem>>, vector<16xf32>,
        %get3A_431 = vector.shape_cast %get3A_430 : vector<16xf32> to vector<16xf32>
        %max3A_432 = arith.maximumf %get3A_431, %broadcast_in_dim3A_428 : vector<16xf32>
        %swap3A_433 = arith.index_cast %mul3A_421 : i32 to index
        %swap3A_434 = tpu.vector_load %arg11[%swap3A_433] {strides = array<i32>} : memref<8192xf32, #tpu.memory_space<vmem>>, vector<16xf32>,
        %swap3A_435 = vector.shape_cast %swap3A_434 : vector<16xf32> to vector<16xf32>
        %swap3A_436 = vector.shape_cast %max3A_432 : vector<16xf32> to vector<16xf32>
        tpu.vector_store %arg11[%swap3A_433], %swap3A_436 {strides = array<i32>} : memref<8192xf32, #tpu.memory_space<vmem>>, vector<16xf32>,
        %slice3A_437 = vector.extract_strided_slice %get3A_335 {offsets = [5], sizes = [1], strides = [1]} : vector<16xi32> to vector<1xi32>
        %squeeze3A_438 = vector.extract %slice3A_437[0] : i32 from vector<1xi32>
        %sub3A_439 = arith.subi %squeeze3A_438, %mul3A_32 : i32
        %mul3A_440 = arith.constant 16 : i32
        %mul3A_441 = arith.muli %sub3A_439, %mul3A_440 : i32
        %swap3A_442 = arith.index_cast %mul3A_441 : i32 to index
        %swap3A_443 = tpu.vector_load %arg13[%swap3A_442] {strides = array<i32>} : memref<8192xf32, #tpu.memory_space<vmem>>, vector<16xf32>,
        %swap3A_444 = vector.shape_cast %swap3A_443 : vector<16xf32> to vector<16xf32>
        %swap3A_445 = vector.shape_cast %broadcast_in_dim3A_74 : vector<16xf32> to vector<16xf32>
        tpu.vector_store %arg13[%swap3A_442], %swap3A_445 {add = true, strides = array<i32>} : memref<8192xf32, #tpu.memory_space<vmem>>, vector<16xf32>,
        %slice3A_446 = vector.extract_strided_slice %get3A_340 {offsets = [5], sizes = [1], strides = [1]} : vector<16xf32> to vector<1xf32>
        %squeeze3A_447 = vector.extract %slice3A_446[0] : f32 from vector<1xf32>
        %broadcast_in_dim3A_448 = vector.broadcast %squeeze3A_447 : f32 to vector<16xf32>
        %get3A_449 = arith.index_cast %mul3A_441 : i32 to index
        %get3A_450 = tpu.vector_load %arg12[%get3A_449] {strides = array<i32>} : memref<8192xf32, #tpu.memory_space<vmem>>, vector<16xf32>,
        %get3A_451 = vector.shape_cast %get3A_450 : vector<16xf32> to vector<16xf32>
        %max3A_452 = arith.maximumf %get3A_451, %broadcast_in_dim3A_448 : vector<16xf32>
        %swap3A_453 = arith.index_cast %mul3A_441 : i32 to index
        %swap3A_454 = tpu.vector_load %arg12[%swap3A_453] {strides = array<i32>} : memref<8192xf32, #tpu.memory_space<vmem>>, vector<16xf32>,
        %swap3A_455 = vector.shape_cast %swap3A_454 : vector<16xf32> to vector<16xf32>
        %swap3A_456 = vector.shape_cast %max3A_452 : vector<16xf32> to vector<16xf32>
        tpu.vector_store %arg12[%swap3A_453], %swap3A_456 {strides = array<i32>} : memref<8192xf32, #tpu.memory_space<vmem>>, vector<16xf32>,
        %slice3A_457 = vector.extract_strided_slice %get3A_335 {offsets = [6], sizes = [1], strides = [1]} : vector<16xi32> to vector<1xi32>
        %squeeze3A_458 = vector.extract %slice3A_457[0] : i32 from vector<1xi32>
        %sub3A_459 = arith.subi %squeeze3A_458, %mul3A_32 : i32
        %mul3A_460 = arith.constant 16 : i32
        %mul3A_461 = arith.muli %sub3A_459, %mul3A_460 : i32
        %swap3A_462 = arith.index_cast %mul3A_461 : i32 to index
        %swap3A_463 = tpu.vector_load %arg13[%swap3A_462] {strides = array<i32>} : memref<8192xf32, #tpu.memory_space<vmem>>, vector<16xf32>,
        %swap3A_464 = vector.shape_cast %swap3A_463 : vector<16xf32> to vector<16xf32>
        %swap3A_465 = vector.shape_cast %broadcast_in_dim3A_74 : vector<16xf32> to vector<16xf32>
        tpu.vector_store %arg13[%swap3A_462], %swap3A_465 {add = true, strides = array<i32>} : memref<8192xf32, #tpu.memory_space<vmem>>, vector<16xf32>,
        %slice3A_466 = vector.extract_strided_slice %get3A_340 {offsets = [6], sizes = [1], strides = [1]} : vector<16xf32> to vector<1xf32>
        %squeeze3A_467 = vector.extract %slice3A_466[0] : f32 from vector<1xf32>
        %broadcast_in_dim3A_468 = vector.broadcast %squeeze3A_467 : f32 to vector<16xf32>
        %get3A_469 = arith.index_cast %mul3A_461 : i32 to index
        %get3A_470 = tpu.vector_load %arg11[%get3A_469] {strides = array<i32>} : memref<8192xf32, #tpu.memory_space<vmem>>, vector<16xf32>,
        %get3A_471 = vector.shape_cast %get3A_470 : vector<16xf32> to vector<16xf32>
        %max3A_472 = arith.maximumf %get3A_471, %broadcast_in_dim3A_468 : vector<16xf32>
        %swap3A_473 = arith.index_cast %mul3A_461 : i32 to index
        %swap3A_474 = tpu.vector_load %arg11[%swap3A_473] {strides = array<i32>} : memref<8192xf32, #tpu.memory_space<vmem>>, vector<16xf32>,
        %swap3A_475 = vector.shape_cast %swap3A_474 : vector<16xf32> to vector<16xf32>
        %swap3A_476 = vector.shape_cast %max3A_472 : vector<16xf32> to vector<16xf32>
        tpu.vector_store %arg11[%swap3A_473], %swap3A_476 {strides = array<i32>} : memref<8192xf32, #tpu.memory_space<vmem>>, vector<16xf32>,
        %slice3A_477 = vector.extract_strided_slice %get3A_335 {offsets = [7], sizes = [1], strides = [1]} : vector<16xi32> to vector<1xi32>
        %squeeze3A_478 = vector.extract %slice3A_477[0] : i32 from vector<1xi32>
        %sub3A_479 = arith.subi %squeeze3A_478, %mul3A_32 : i32
        %mul3A_480 = arith.constant 16 : i32
        %mul3A_481 = arith.muli %sub3A_479, %mul3A_480 : i32
        %swap3A_482 = arith.index_cast %mul3A_481 : i32 to index
        %swap3A_483 = tpu.vector_load %arg13[%swap3A_482] {strides = array<i32>} : memref<8192xf32, #tpu.memory_space<vmem>>, vector<16xf32>,
        %swap3A_484 = vector.shape_cast %swap3A_483 : vector<16xf32> to vector<16xf32>
        %swap3A_485 = vector.shape_cast %broadcast_in_dim3A_74 : vector<16xf32> to vector<16xf32>
        tpu.vector_store %arg13[%swap3A_482], %swap3A_485 {add = true, strides = array<i32>} : memref<8192xf32, #tpu.memory_space<vmem>>, vector<16xf32>,
        %slice3A_486 = vector.extract_strided_slice %get3A_340 {offsets = [7], sizes = [1], strides = [1]} : vector<16xf32> to vector<1xf32>
        %squeeze3A_487 = vector.extract %slice3A_486[0] : f32 from vector<1xf32>
        %broadcast_in_dim3A_488 = vector.broadcast %squeeze3A_487 : f32 to vector<16xf32>
        %get3A_489 = arith.index_cast %mul3A_481 : i32 to index
        %get3A_490 = tpu.vector_load %arg12[%get3A_489] {strides = array<i32>} : memref<8192xf32, #tpu.memory_space<vmem>>, vector<16xf32>,
        %get3A_491 = vector.shape_cast %get3A_490 : vector<16xf32> to vector<16xf32>
        %max3A_492 = arith.maximumf %get3A_491, %broadcast_in_dim3A_488 : vector<16xf32>
        %swap3A_493 = arith.index_cast %mul3A_481 : i32 to index
        %swap3A_494 = tpu.vector_load %arg12[%swap3A_493] {strides = array<i32>} : memref<8192xf32, #tpu.memory_space<vmem>>, vector<16xf32>,
        %swap3A_495 = vector.shape_cast %swap3A_494 : vector<16xf32> to vector<16xf32>
        %swap3A_496 = vector.shape_cast %max3A_492 : vector<16xf32> to vector<16xf32>
        tpu.vector_store %arg12[%swap3A_493], %swap3A_496 {strides = array<i32>} : memref<8192xf32, #tpu.memory_space<vmem>>, vector<16xf32>,
        %slice3A_497 = vector.extract_strided_slice %get3A_335 {offsets = [8], sizes = [1], strides = [1]} : vector<16xi32> to vector<1xi32>
        %squeeze3A_498 = vector.extract %slice3A_497[0] : i32 from vector<1xi32>
        %sub3A_499 = arith.subi %squeeze3A_498, %mul3A_32 : i32
        %mul3A_500 = arith.constant 16 : i32
        %mul3A_501 = arith.muli %sub3A_499, %mul3A_500 : i32
        %swap3A_502 = arith.index_cast %mul3A_501 : i32 to index
        %swap3A_503 = tpu.vector_load %arg13[%swap3A_502] {strides = array<i32>} : memref<8192xf32, #tpu.memory_space<vmem>>, vector<16xf32>,
        %swap3A_504 = vector.shape_cast %swap3A_503 : vector<16xf32> to vector<16xf32>
        %swap3A_505 = vector.shape_cast %broadcast_in_dim3A_74 : vector<16xf32> to vector<16xf32>
        tpu.vector_store %arg13[%swap3A_502], %swap3A_505 {add = true, strides = array<i32>} : memref<8192xf32, #tpu.memory_space<vmem>>, vector<16xf32>,
        %slice3A_506 = vector.extract_strided_slice %get3A_340 {offsets = [8], sizes = [1], strides = [1]} : vector<16xf32> to vector<1xf32>
        %squeeze3A_507 = vector.extract %slice3A_506[0] : f32 from vector<1xf32>
        %broadcast_in_dim3A_508 = vector.broadcast %squeeze3A_507 : f32 to vector<16xf32>
        %get3A_509 = arith.index_cast %mul3A_501 : i32 to index
        %get3A_510 = tpu.vector_load %arg11[%get3A_509] {strides = array<i32>} : memref<8192xf32, #tpu.memory_space<vmem>>, vector<16xf32>,
        %get3A_511 = vector.shape_cast %get3A_510 : vector<16xf32> to vector<16xf32>
        %max3A_512 = arith.maximumf %get3A_511, %broadcast_in_dim3A_508 : vector<16xf32>
        %swap3A_513 = arith.index_cast %mul3A_501 : i32 to index
        %swap3A_514 = tpu.vector_load %arg11[%swap3A_513] {strides = array<i32>} : memref<8192xf32, #tpu.memory_space<vmem>>, vector<16xf32>,
        %swap3A_515 = vector.shape_cast %swap3A_514 : vector<16xf32> to vector<16xf32>
        %swap3A_516 = vector.shape_cast %max3A_512 : vector<16xf32> to vector<16xf32>
        tpu.vector_store %arg11[%swap3A_513], %swap3A_516 {strides = array<i32>} : memref<8192xf32, #tpu.memory_space<vmem>>, vector<16xf32>,
        %slice3A_517 = vector.extract_strided_slice %get3A_335 {offsets = [9], sizes = [1], strides = [1]} : vector<16xi32> to vector<1xi32>
        %squeeze3A_518 = vector.extract %slice3A_517[0] : i32 from vector<1xi32>
        %sub3A_519 = arith.subi %squeeze3A_518, %mul3A_32 : i32
        %mul3A_520 = arith.constant 16 : i32
        %mul3A_521 = arith.muli %sub3A_519, %mul3A_520 : i32
        %swap3A_522 = arith.index_cast %mul3A_521 : i32 to index
        %swap3A_523 = tpu.vector_load %arg13[%swap3A_522] {strides = array<i32>} : memref<8192xf32, #tpu.memory_space<vmem>>, vector<16xf32>,
        %swap3A_524 = vector.shape_cast %swap3A_523 : vector<16xf32> to vector<16xf32>
        %swap3A_525 = vector.shape_cast %broadcast_in_dim3A_74 : vector<16xf32> to vector<16xf32>
        tpu.vector_store %arg13[%swap3A_522], %swap3A_525 {add = true, strides = array<i32>} : memref<8192xf32, #tpu.memory_space<vmem>>, vector<16xf32>,
        %slice3A_526 = vector.extract_strided_slice %get3A_340 {offsets = [9], sizes = [1], strides = [1]} : vector<16xf32> to vector<1xf32>
        %squeeze3A_527 = vector.extract %slice3A_526[0] : f32 from vector<1xf32>
        %broadcast_in_dim3A_528 = vector.broadcast %squeeze3A_527 : f32 to vector<16xf32>
        %get3A_529 = arith.index_cast %mul3A_521 : i32 to index
        %get3A_530 = tpu.vector_load %arg12[%get3A_529] {strides = array<i32>} : memref<8192xf32, #tpu.memory_space<vmem>>, vector<16xf32>,
        %get3A_531 = vector.shape_cast %get3A_530 : vector<16xf32> to vector<16xf32>
        %max3A_532 = arith.maximumf %get3A_531, %broadcast_in_dim3A_528 : vector<16xf32>
        %swap3A_533 = arith.index_cast %mul3A_521 : i32 to index
        %swap3A_534 = tpu.vector_load %arg12[%swap3A_533] {strides = array<i32>} : memref<8192xf32, #tpu.memory_space<vmem>>, vector<16xf32>,
        %swap3A_535 = vector.shape_cast %swap3A_534 : vector<16xf32> to vector<16xf32>
        %swap3A_536 = vector.shape_cast %max3A_532 : vector<16xf32> to vector<16xf32>
        tpu.vector_store %arg12[%swap3A_533], %swap3A_536 {strides = array<i32>} : memref<8192xf32, #tpu.memory_space<vmem>>, vector<16xf32>,
        %slice3A_537 = vector.extract_strided_slice %get3A_335 {offsets = [10], sizes = [1], strides = [1]} : vector<16xi32> to vector<1xi32>
        %squeeze3A_538 = vector.extract %slice3A_537[0] : i32 from vector<1xi32>
        %sub3A_539 = arith.subi %squeeze3A_538, %mul3A_32 : i32
        %mul3A_540 = arith.constant 16 : i32
        %mul3A_541 = arith.muli %sub3A_539, %mul3A_540 : i32
        %swap3A_542 = arith.index_cast %mul3A_541 : i32 to index
        %swap3A_543 = tpu.vector_load %arg13[%swap3A_542] {strides = array<i32>} : memref<8192xf32, #tpu.memory_space<vmem>>, vector<16xf32>,
        %swap3A_544 = vector.shape_cast %swap3A_543 : vector<16xf32> to vector<16xf32>
        %swap3A_545 = vector.shape_cast %broadcast_in_dim3A_74 : vector<16xf32> to vector<16xf32>
        tpu.vector_store %arg13[%swap3A_542], %swap3A_545 {add = true, strides = array<i32>} : memref<8192xf32, #tpu.memory_space<vmem>>, vector<16xf32>,
        %slice3A_546 = vector.extract_strided_slice %get3A_340 {offsets = [10], sizes = [1], strides = [1]} : vector<16xf32> to vector<1xf32>
        %squeeze3A_547 = vector.extract %slice3A_546[0] : f32 from vector<1xf32>
        %broadcast_in_dim3A_548 = vector.broadcast %squeeze3A_547 : f32 to vector<16xf32>
        %get3A_549 = arith.index_cast %mul3A_541 : i32 to index
        %get3A_550 = tpu.vector_load %arg11[%get3A_549] {strides = array<i32>} : memref<8192xf32, #tpu.memory_space<vmem>>, vector<16xf32>,
        %get3A_551 = vector.shape_cast %get3A_550 : vector<16xf32> to vector<16xf32>
        %max3A_552 = arith.maximumf %get3A_551, %broadcast_in_dim3A_548 : vector<16xf32>
        %swap3A_553 = arith.index_cast %mul3A_541 : i32 to index
        %swap3A_554 = tpu.vector_load %arg11[%swap3A_553] {strides = array<i32>} : memref<8192xf32, #tpu.memory_space<vmem>>, vector<16xf32>,
        %swap3A_555 = vector.shape_cast %swap3A_554 : vector<16xf32> to vector<16xf32>
        %swap3A_556 = vector.shape_cast %max3A_552 : vector<16xf32> to vector<16xf32>
        tpu.vector_store %arg11[%swap3A_553], %swap3A_556 {strides = array<i32>} : memref<8192xf32, #tpu.memory_space<vmem>>, vector<16xf32>,
        %slice3A_557 = vector.extract_strided_slice %get3A_335 {offsets = [11], sizes = [1], strides = [1]} : vector<16xi32> to vector<1xi32>
        %squeeze3A_558 = vector.extract %slice3A_557[0] : i32 from vector<1xi32>
        %sub3A_559 = arith.subi %squeeze3A_558, %mul3A_32 : i32
        %mul3A_560 = arith.constant 16 : i32
        %mul3A_561 = arith.muli %sub3A_559, %mul3A_560 : i32
        %swap3A_562 = arith.index_cast %mul3A_561 : i32 to index
        %swap3A_563 = tpu.vector_load %arg13[%swap3A_562] {strides = array<i32>} : memref<8192xf32, #tpu.memory_space<vmem>>, vector<16xf32>,
        %swap3A_564 = vector.shape_cast %swap3A_563 : vector<16xf32> to vector<16xf32>
        %swap3A_565 = vector.shape_cast %broadcast_in_dim3A_74 : vector<16xf32> to vector<16xf32>
        tpu.vector_store %arg13[%swap3A_562], %swap3A_565 {add = true, strides = array<i32>} : memref<8192xf32, #tpu.memory_space<vmem>>, vector<16xf32>,
        %slice3A_566 = vector.extract_strided_slice %get3A_340 {offsets = [11], sizes = [1], strides = [1]} : vector<16xf32> to vector<1xf32>
        %squeeze3A_567 = vector.extract %slice3A_566[0] : f32 from vector<1xf32>
        %broadcast_in_dim3A_568 = vector.broadcast %squeeze3A_567 : f32 to vector<16xf32>
        %get3A_569 = arith.index_cast %mul3A_561 : i32 to index
        %get3A_570 = tpu.vector_load %arg12[%get3A_569] {strides = array<i32>} : memref<8192xf32, #tpu.memory_space<vmem>>, vector<16xf32>,
        %get3A_571 = vector.shape_cast %get3A_570 : vector<16xf32> to vector<16xf32>
        %max3A_572 = arith.maximumf %get3A_571, %broadcast_in_dim3A_568 : vector<16xf32>
        %swap3A_573 = arith.index_cast %mul3A_561 : i32 to index
        %swap3A_574 = tpu.vector_load %arg12[%swap3A_573] {strides = array<i32>} : memref<8192xf32, #tpu.memory_space<vmem>>, vector<16xf32>,
        %swap3A_575 = vector.shape_cast %swap3A_574 : vector<16xf32> to vector<16xf32>
        %swap3A_576 = vector.shape_cast %max3A_572 : vector<16xf32> to vector<16xf32>
        tpu.vector_store %arg12[%swap3A_573], %swap3A_576 {strides = array<i32>} : memref<8192xf32, #tpu.memory_space<vmem>>, vector<16xf32>,
        %slice3A_577 = vector.extract_strided_slice %get3A_335 {offsets = [12], sizes = [1], strides = [1]} : vector<16xi32> to vector<1xi32>
        %squeeze3A_578 = vector.extract %slice3A_577[0] : i32 from vector<1xi32>
        %sub3A_579 = arith.subi %squeeze3A_578, %mul3A_32 : i32
        %mul3A_580 = arith.constant 16 : i32
        %mul3A_581 = arith.muli %sub3A_579, %mul3A_580 : i32
        %swap3A_582 = arith.index_cast %mul3A_581 : i32 to index
        %swap3A_583 = tpu.vector_load %arg13[%swap3A_582] {strides = array<i32>} : memref<8192xf32, #tpu.memory_space<vmem>>, vector<16xf32>,
        %swap3A_584 = vector.shape_cast %swap3A_583 : vector<16xf32> to vector<16xf32>
        %swap3A_585 = vector.shape_cast %broadcast_in_dim3A_74 : vector<16xf32> to vector<16xf32>
        tpu.vector_store %arg13[%swap3A_582], %swap3A_585 {add = true, strides = array<i32>} : memref<8192xf32, #tpu.memory_space<vmem>>, vector<16xf32>,
        %slice3A_586 = vector.extract_strided_slice %get3A_340 {offsets = [12], sizes = [1], strides = [1]} : vector<16xf32> to vector<1xf32>
        %squeeze3A_587 = vector.extract %slice3A_586[0] : f32 from vector<1xf32>
        %broadcast_in_dim3A_588 = vector.broadcast %squeeze3A_587 : f32 to vector<16xf32>
        %get3A_589 = arith.index_cast %mul3A_581 : i32 to index
        %get3A_590 = tpu.vector_load %arg11[%get3A_589] {strides = array<i32>} : memref<8192xf32, #tpu.memory_space<vmem>>, vector<16xf32>,
        %get3A_591 = vector.shape_cast %get3A_590 : vector<16xf32> to vector<16xf32>
        %max3A_592 = arith.maximumf %get3A_591, %broadcast_in_dim3A_588 : vector<16xf32>
        %swap3A_593 = arith.index_cast %mul3A_581 : i32 to index
        %swap3A_594 = tpu.vector_load %arg11[%swap3A_593] {strides = array<i32>} : memref<8192xf32, #tpu.memory_space<vmem>>, vector<16xf32>,
        %swap3A_595 = vector.shape_cast %swap3A_594 : vector<16xf32> to vector<16xf32>
        %swap3A_596 = vector.shape_cast %max3A_592 : vector<16xf32> to vector<16xf32>
        tpu.vector_store %arg11[%swap3A_593], %swap3A_596 {strides = array<i32>} : memref<8192xf32, #tpu.memory_space<vmem>>, vector<16xf32>,
        %slice3A_597 = vector.extract_strided_slice %get3A_335 {offsets = [13], sizes = [1], strides = [1]} : vector<16xi32> to vector<1xi32>
        %squeeze3A_598 = vector.extract %slice3A_597[0] : i32 from vector<1xi32>
        %sub3A_599 = arith.subi %squeeze3A_598, %mul3A_32 : i32
        %mul3A_600 = arith.constant 16 : i32
        %mul3A_601 = arith.muli %sub3A_599, %mul3A_600 : i32
        %swap3A_602 = arith.index_cast %mul3A_601 : i32 to index
        %swap3A_603 = tpu.vector_load %arg13[%swap3A_602] {strides = array<i32>} : memref<8192xf32, #tpu.memory_space<vmem>>, vector<16xf32>,
        %swap3A_604 = vector.shape_cast %swap3A_603 : vector<16xf32> to vector<16xf32>
        %swap3A_605 = vector.shape_cast %broadcast_in_dim3A_74 : vector<16xf32> to vector<16xf32>
        tpu.vector_store %arg13[%swap3A_602], %swap3A_605 {add = true, strides = array<i32>} : memref<8192xf32, #tpu.memory_space<vmem>>, vector<16xf32>,
        %slice3A_606 = vector.extract_strided_slice %get3A_340 {offsets = [13], sizes = [1], strides = [1]} : vector<16xf32> to vector<1xf32>
        %squeeze3A_607 = vector.extract %slice3A_606[0] : f32 from vector<1xf32>
        %broadcast_in_dim3A_608 = vector.broadcast %squeeze3A_607 : f32 to vector<16xf32>
        %get3A_609 = arith.index_cast %mul3A_601 : i32 to index
        %get3A_610 = tpu.vector_load %arg12[%get3A_609] {strides = array<i32>} : memref<8192xf32, #tpu.memory_space<vmem>>, vector<16xf32>,
        %get3A_611 = vector.shape_cast %get3A_610 : vector<16xf32> to vector<16xf32>
        %max3A_612 = arith.maximumf %get3A_611, %broadcast_in_dim3A_608 : vector<16xf32>
        %swap3A_613 = arith.index_cast %mul3A_601 : i32 to index
        %swap3A_614 = tpu.vector_load %arg12[%swap3A_613] {strides = array<i32>} : memref<8192xf32, #tpu.memory_space<vmem>>, vector<16xf32>,
        %swap3A_615 = vector.shape_cast %swap3A_614 : vector<16xf32> to vector<16xf32>
        %swap3A_616 = vector.shape_cast %max3A_612 : vector<16xf32> to vector<16xf32>
        tpu.vector_store %arg12[%swap3A_613], %swap3A_616 {strides = array<i32>} : memref<8192xf32, #tpu.memory_space<vmem>>, vector<16xf32>,
        %slice3A_617 = vector.extract_strided_slice %get3A_335 {offsets = [14], sizes = [1], strides = [1]} : vector<16xi32> to vector<1xi32>
        %squeeze3A_618 = vector.extract %slice3A_617[0] : i32 from vector<1xi32>
        %sub3A_619 = arith.subi %squeeze3A_618, %mul3A_32 : i32
        %mul3A_620 = arith.constant 16 : i32
        %mul3A_621 = arith.muli %sub3A_619, %mul3A_620 : i32
        %swap3A_622 = arith.index_cast %mul3A_621 : i32 to index
        %swap3A_623 = tpu.vector_load %arg13[%swap3A_622] {strides = array<i32>} : memref<8192xf32, #tpu.memory_space<vmem>>, vector<16xf32>,
        %swap3A_624 = vector.shape_cast %swap3A_623 : vector<16xf32> to vector<16xf32>
        %swap3A_625 = vector.shape_cast %broadcast_in_dim3A_74 : vector<16xf32> to vector<16xf32>
        tpu.vector_store %arg13[%swap3A_622], %swap3A_625 {add = true, strides = array<i32>} : memref<8192xf32, #tpu.memory_space<vmem>>, vector<16xf32>,
        %slice3A_626 = vector.extract_strided_slice %get3A_340 {offsets = [14], sizes = [1], strides = [1]} : vector<16xf32> to vector<1xf32>
        %squeeze3A_627 = vector.extract %slice3A_626[0] : f32 from vector<1xf32>
        %broadcast_in_dim3A_628 = vector.broadcast %squeeze3A_627 : f32 to vector<16xf32>
        %get3A_629 = arith.index_cast %mul3A_621 : i32 to index
        %get3A_630 = tpu.vector_load %arg11[%get3A_629] {strides = array<i32>} : memref<8192xf32, #tpu.memory_space<vmem>>, vector<16xf32>,
        %get3A_631 = vector.shape_cast %get3A_630 : vector<16xf32> to vector<16xf32>
        %max3A_632 = arith.maximumf %get3A_631, %broadcast_in_dim3A_628 : vector<16xf32>
        %swap3A_633 = arith.index_cast %mul3A_621 : i32 to index
        %swap3A_634 = tpu.vector_load %arg11[%swap3A_633] {strides = array<i32>} : memref<8192xf32, #tpu.memory_space<vmem>>, vector<16xf32>,
        %swap3A_635 = vector.shape_cast %swap3A_634 : vector<16xf32> to vector<16xf32>
        %swap3A_636 = vector.shape_cast %max3A_632 : vector<16xf32> to vector<16xf32>
        tpu.vector_store %arg11[%swap3A_633], %swap3A_636 {strides = array<i32>} : memref<8192xf32, #tpu.memory_space<vmem>>, vector<16xf32>,
        %slice3A_637 = vector.extract_strided_slice %get3A_335 {offsets = [15], sizes = [1], strides = [1]} : vector<16xi32> to vector<1xi32>
        %squeeze3A_638 = vector.extract %slice3A_637[0] : i32 from vector<1xi32>
        %sub3A_639 = arith.subi %squeeze3A_638, %mul3A_32 : i32
        %mul3A_640 = arith.constant 16 : i32
        %mul3A_641 = arith.muli %sub3A_639, %mul3A_640 : i32
        %swap3A_642 = arith.index_cast %mul3A_641 : i32 to index
        %swap3A_643 = tpu.vector_load %arg13[%swap3A_642] {strides = array<i32>} : memref<8192xf32, #tpu.memory_space<vmem>>, vector<16xf32>,
        %swap3A_644 = vector.shape_cast %swap3A_643 : vector<16xf32> to vector<16xf32>
        %swap3A_645 = vector.shape_cast %broadcast_in_dim3A_74 : vector<16xf32> to vector<16xf32>
        tpu.vector_store %arg13[%swap3A_642], %swap3A_645 {add = true, strides = array<i32>} : memref<8192xf32, #tpu.memory_space<vmem>>, vector<16xf32>,
        %slice3A_646 = vector.extract_strided_slice %get3A_340 {offsets = [15], sizes = [1], strides = [1]} : vector<16xf32> to vector<1xf32>
        %squeeze3A_647 = vector.extract %slice3A_646[0] : f32 from vector<1xf32>
        %broadcast_in_dim3A_648 = vector.broadcast %squeeze3A_647 : f32 to vector<16xf32>
        %get3A_649 = arith.index_cast %mul3A_641 : i32 to index
        %get3A_650 = tpu.vector_load %arg12[%get3A_649] {strides = array<i32>} : memref<8192xf32, #tpu.memory_space<vmem>>, vector<16xf32>,
        %get3A_651 = vector.shape_cast %get3A_650 : vector<16xf32> to vector<16xf32>
        %max3A_652 = arith.maximumf %get3A_651, %broadcast_in_dim3A_648 : vector<16xf32>
        %swap3A_653 = arith.index_cast %mul3A_641 : i32 to index
        %swap3A_654 = tpu.vector_load %arg12[%swap3A_653] {strides = array<i32>} : memref<8192xf32, #tpu.memory_space<vmem>>, vector<16xf32>,
        %swap3A_655 = vector.shape_cast %swap3A_654 : vector<16xf32> to vector<16xf32>
        %swap3A_656 = vector.shape_cast %max3A_652 : vector<16xf32> to vector<16xf32>
        tpu.vector_store %arg12[%swap3A_653], %swap3A_656 {strides = array<i32>} : memref<8192xf32, #tpu.memory_space<vmem>>, vector<16xf32>,
        %scan3A_657 = arith.constant 0 : i32
        scf.yield %scan3A_657 : i32
      }
      %scan3A_278 = arith.constant 8 : i32
      %dma_wait3A_279 = arith.constant 0 : i32
      %dma_wait3A_280 = tpu.memref_slice %arg7[%add3A_263, %dma_wait3A_279] : memref<8x128xi32, #tpu.memory_space<vmem>> -> memref<1x128xi32, #tpu.memory_space<vmem>>
      %dma_wait3A_281 = tpu.memref_squeeze %dma_wait3A_280 : memref<1x128xi32, #tpu.memory_space<vmem>> -> memref<128xi32, #tpu.memory_space<vmem>>
      %dma_wait3A_282 = arith.constant 0 : i32
      %dma_wait3A_283 = arith.constant 0 : i32
      %dma_wait3A_284 = tpu.memref_slice %arg16[%dma_wait3A_282, %dma_wait3A_283] : memref<4096x128xf32, #tpu.memory_space<vmem_shared>> -> memref<4096x128xf32, #tpu.memory_space<vmem_shared>>
      tpu.wait_indirect_dma semaphore(%arg21 : memref<!tpu.dma_semaphore, #tpu.memory_space<semaphore_mem>>) src(%arg9 : memref<128x128xf32, #tpu.memory_space<vmem>>) dst(%dma_wait3A_284 : memref<4096x128xf32, #tpu.memory_space<vmem_shared>>)
      %scan3A_285 = arith.constant 0 : i32
      scf.yield %scan3A_285 : i32
    }
    %scan3A_81 = arith.constant 4 : i32
    %scan3A_82 = arith.constant 0 : i32
    %scan3A_83 = arith.constant 0 : i32
    %scan3A_84 = arith.constant 512 : i32
    %scan3A_85 = arith.addi %scan3A_83, %scan3A_84 : i32
    %scan3A_86 = arith.constant 1 : i32
    %scan3A_87 = scf.for %scan3A_205 = %scan3A_83 to %scan3A_85 step %scan3A_86 iter_args(%scan3A_206 = %scan3A_82) -> (i32)  : i32 {
      %mul3A_207 = arith.constant 16 : i32
      %mul3A_208 = arith.muli %scan3A_205, %mul3A_207 : i32
      %get3A = arith.index_cast %mul3A_208 : i32 to index
      %get3A_209 = tpu.vector_load %arg11[%get3A] {strides = array<i32>} : memref<8192xf32, #tpu.memory_space<vmem>>, vector<16xf32>,
      %get3A_210 = vector.shape_cast %get3A_209 : vector<16xf32> to vector<16xf32>
      %get3A_211 = arith.index_cast %mul3A_208 : i32 to index
      %get3A_212 = tpu.vector_load %arg12[%get3A_211] {strides = array<i32>} : memref<8192xf32, #tpu.memory_space<vmem>>, vector<16xf32>,
      %get3A_213 = vector.shape_cast %get3A_212 : vector<16xf32> to vector<16xf32>
      %max3A = arith.maximumf %get3A_210, %get3A_213 : vector<16xf32>
      %swap3A = arith.index_cast %mul3A_208 : i32 to index
      %swap3A_214 = tpu.vector_load %arg11[%swap3A] {strides = array<i32>} : memref<8192xf32, #tpu.memory_space<vmem>>, vector<16xf32>,
      %swap3A_215 = vector.shape_cast %swap3A_214 : vector<16xf32> to vector<16xf32>
      %swap3A_216 = vector.shape_cast %max3A : vector<16xf32> to vector<16xf32>
      tpu.vector_store %arg11[%swap3A], %swap3A_216 {strides = array<i32>} : memref<8192xf32, #tpu.memory_space<vmem>>, vector<16xf32>,
      %scan3A_217 = arith.constant 0 : i32
      scf.yield %scan3A_217 : i32
    }
    %scan3A_88 = arith.constant 512 : i32
    %sub3A_89 = arith.constant 1 : i32
    %sub3A_90 = arith.subi %sub3A_89, %select_n3A_28 : i32
    %mul3A_91 = arith.constant 4096 : i32
    %mul3A_92 = arith.muli %sub3A_90, %mul3A_91 : i32
    "tpu.region"() ({
      %run_scoped3A = tpu.sem_alloc : memref<!tpu.dma_semaphore, #tpu.memory_space<semaphore_mem>>
      %dma_start3A_205 = tpu.memref_slice %arg11[%mul3A_92] : memref<8192xf32, #tpu.memory_space<vmem>> -> memref<4096xf32, #tpu.memory_space<vmem>>
      %dma_start3A_206 = arith.constant 0 : i32
      %dma_start3A_207 = tpu.memref_slice %arg17[%arg1, %dma_start3A_206] : memref<16x4096xf32, #tpu.memory_space<vmem_shared>> -> memref<1x4096xf32, #tpu.memory_space<vmem_shared>>
      %dma_start3A_208 = tpu.memref_squeeze %dma_start3A_207 : memref<1x4096xf32, #tpu.memory_space<vmem_shared>> -> memref<4096xf32, #tpu.memory_space<vmem_shared>>
      %dma_start3A_209 = arith.constant 0 : i32
      %dma_start3A_210 = tpu.memref_slice %arg17[%arg1, %dma_start3A_209] : memref<16x4096xf32, #tpu.memory_space<vmem_shared>> -> memref<1x4096xf32, #tpu.memory_space<vmem_shared>>
      %dma_start3A_211 = tpu.memref_squeeze %dma_start3A_210 : memref<1x4096xf32, #tpu.memory_space<vmem_shared>> -> memref<4096xf32, #tpu.memory_space<vmem_shared>>
      %dma_start3A_212 = tpu.memref_slice %arg11[%mul3A_92] : memref<8192xf32, #tpu.memory_space<vmem>> -> memref<4096xf32, #tpu.memory_space<vmem>>
      tpu.enqueue_dma source(%dma_start3A_212 : memref<4096xf32, #tpu.memory_space<vmem>>) target(%dma_start3A_211 : memref<4096xf32, #tpu.memory_space<vmem_shared>>) target_semaphore(%run_scoped3A : memref<!tpu.dma_semaphore, #tpu.memory_space<semaphore_mem>>)
      %dma_wait3A_213 = tpu.memref_slice %arg11[%mul3A_92] : memref<8192xf32, #tpu.memory_space<vmem>> -> memref<4096xf32, #tpu.memory_space<vmem>>
      %dma_wait3A_214 = arith.constant 0 : i32
      %dma_wait3A_215 = tpu.memref_slice %arg17[%arg1, %dma_wait3A_214] : memref<16x4096xf32, #tpu.memory_space<vmem_shared>> -> memref<1x4096xf32, #tpu.memory_space<vmem_shared>>
      %dma_wait3A_216 = tpu.memref_squeeze %dma_wait3A_215 : memref<1x4096xf32, #tpu.memory_space<vmem_shared>> -> memref<4096xf32, #tpu.memory_space<vmem_shared>>
      %dma_wait3A_217 = arith.constant 0 : i32
      %dma_wait3A_218 = tpu.memref_slice %arg17[%arg1, %dma_wait3A_217] : memref<16x4096xf32, #tpu.memory_space<vmem_shared>> -> memref<1x4096xf32, #tpu.memory_space<vmem_shared>>
      %dma_wait3A_219 = tpu.memref_squeeze %dma_wait3A_218 : memref<1x4096xf32, #tpu.memory_space<vmem_shared>> -> memref<4096xf32, #tpu.memory_space<vmem_shared>>
      %dma_wait3A_220 = tpu.memref_slice %arg11[%mul3A_92] : memref<8192xf32, #tpu.memory_space<vmem>> -> memref<4096xf32, #tpu.memory_space<vmem>>
      tpu.wait_dma2 semaphore(%run_scoped3A : memref<!tpu.dma_semaphore, #tpu.memory_space<semaphore_mem>>) src(%dma_wait3A_220 : memref<4096xf32, #tpu.memory_space<vmem>>) dst(%dma_wait3A_219 : memref<4096xf32, #tpu.memory_space<vmem_shared>>)
      tpu.yield
    }) : () -> ()
    %mul3A_93 = arith.constant 4096 : i32
    %mul3A_94 = arith.muli %sub3A_90, %mul3A_93 : i32
    "tpu.region"() ({
      %run_scoped3A = tpu.sem_alloc : memref<!tpu.dma_semaphore, #tpu.memory_space<semaphore_mem>>
      %dma_start3A_205 = tpu.memref_slice %arg13[%mul3A_94] : memref<8192xf32, #tpu.memory_space<vmem>> -> memref<4096xf32, #tpu.memory_space<vmem>>
      %dma_start3A_206 = arith.constant 0 : i32
      %dma_start3A_207 = tpu.memref_slice %arg18[%arg1, %dma_start3A_206] : memref<16x4096xf32, #tpu.memory_space<vmem_shared>> -> memref<1x4096xf32, #tpu.memory_space<vmem_shared>>
      %dma_start3A_208 = tpu.memref_squeeze %dma_start3A_207 : memref<1x4096xf32, #tpu.memory_space<vmem_shared>> -> memref<4096xf32, #tpu.memory_space<vmem_shared>>
      %dma_start3A_209 = arith.constant 0 : i32
      %dma_start3A_210 = tpu.memref_slice %arg18[%arg1, %dma_start3A_209] : memref<16x4096xf32, #tpu.memory_space<vmem_shared>> -> memref<1x4096xf32, #tpu.memory_space<vmem_shared>>
      %dma_start3A_211 = tpu.memref_squeeze %dma_start3A_210 : memref<1x4096xf32, #tpu.memory_space<vmem_shared>> -> memref<4096xf32, #tpu.memory_space<vmem_shared>>
      %dma_start3A_212 = tpu.memref_slice %arg13[%mul3A_94] : memref<8192xf32, #tpu.memory_space<vmem>> -> memref<4096xf32, #tpu.memory_space<vmem>>
      tpu.enqueue_dma source(%dma_start3A_212 : memref<4096xf32, #tpu.memory_space<vmem>>) target(%dma_start3A_211 : memref<4096xf32, #tpu.memory_space<vmem_shared>>) target_semaphore(%run_scoped3A : memref<!tpu.dma_semaphore, #tpu.memory_space<semaphore_mem>>)
      %dma_wait3A_213 = tpu.memref_slice %arg13[%mul3A_94] : memref<8192xf32, #tpu.memory_space<vmem>> -> memref<4096xf32, #tpu.memory_space<vmem>>
      %dma_wait3A_214 = arith.constant 0 : i32
      %dma_wait3A_215 = tpu.memref_slice %arg18[%arg1, %dma_wait3A_214] : memref<16x4096xf32, #tpu.memory_space<vmem_shared>> -> memref<1x4096xf32, #tpu.memory_space<vmem_shared>>
      %dma_wait3A_216 = tpu.memref_squeeze %dma_wait3A_215 : memref<1x4096xf32, #tpu.memory_space<vmem_shared>> -> memref<4096xf32, #tpu.memory_space<vmem_shared>>
      %dma_wait3A_217 = arith.constant 0 : i32
      %dma_wait3A_218 = tpu.memref_slice %arg18[%arg1, %dma_wait3A_217] : memref<16x4096xf32, #tpu.memory_space<vmem_shared>> -> memref<1x4096xf32, #tpu.memory_space<vmem_shared>>
      %dma_wait3A_219 = tpu.memref_squeeze %dma_wait3A_218 : memref<1x4096xf32, #tpu.memory_space<vmem_shared>> -> memref<4096xf32, #tpu.memory_space<vmem_shared>>
      %dma_wait3A_220 = tpu.memref_slice %arg13[%mul3A_94] : memref<8192xf32, #tpu.memory_space<vmem>> -> memref<4096xf32, #tpu.memory_space<vmem>>
      tpu.wait_dma2 semaphore(%run_scoped3A : memref<!tpu.dma_semaphore, #tpu.memory_space<semaphore_mem>>) src(%dma_wait3A_220 : memref<4096xf32, #tpu.memory_space<vmem>>) dst(%dma_wait3A_219 : memref<4096xf32, #tpu.memory_space<vmem_shared>>)
      tpu.yield
    }) : () -> ()
    %barrier3A_95 = arith.constant 0 : index
    tpu.barrier barrier_id(%barrier3A_95)
    %mul3A_96 = arith.constant 2 : i32
    %mul3A_97 = arith.muli %mul3A_96, %select_n3A_28 : i32
    %sub3A_98 = arith.subi %arg1, %mul3A_97 : i32
    %add3A_99 = arith.constant 1 : i32
    %add3A_100 = arith.addi %sub3A_98, %add3A_99 : i32
    %mul3A_101 = arith.constant 256 : i32
    %mul3A_102 = arith.muli %select_n3A_28, %mul3A_101 : i32
    %add3A_103 = arith.addi %mul3A_32, %mul3A_102 : i32
    %dma_start3A_104 = arith.constant 0 : i32
    %dma_start3A_105 = tpu.memref_slice %arg16[%add3A_103, %dma_start3A_104] : memref<4096x128xf32, #tpu.memory_space<vmem_shared>> -> memref<128x128xf32, #tpu.memory_space<vmem_shared>>
    %dma_start3A_106 = arith.constant 0 : i32
    %dma_start3A_107 = tpu.memref_slice %arg16[%add3A_103, %dma_start3A_106] : memref<4096x128xf32, #tpu.memory_space<vmem_shared>> -> memref<128x128xf32, #tpu.memory_space<vmem_shared>>
    tpu.enqueue_dma source(%dma_start3A_107 : memref<128x128xf32, #tpu.memory_space<vmem_shared>>) target(%arg9 : memref<128x128xf32, #tpu.memory_space<vmem>>) target_semaphore(%arg19 : memref<!tpu.dma_semaphore, #tpu.memory_space<semaphore_mem>>)
    %add3A_108 = arith.addi %mul3A_32, %mul3A_102 : i32
    %add3A_109 = arith.constant 128 : i32
    %add3A_110 = arith.addi %add3A_108, %add3A_109 : i32
    %dma_start3A_111 = arith.constant 0 : i32
    %dma_start3A_112 = tpu.memref_slice %arg16[%add3A_110, %dma_start3A_111] : memref<4096x128xf32, #tpu.memory_space<vmem_shared>> -> memref<128x128xf32, #tpu.memory_space<vmem_shared>>
    %dma_start3A_113 = arith.constant 0 : i32
    %dma_start3A_114 = tpu.memref_slice %arg16[%add3A_110, %dma_start3A_113] : memref<4096x128xf32, #tpu.memory_space<vmem_shared>> -> memref<128x128xf32, #tpu.memory_space<vmem_shared>>
    tpu.enqueue_dma source(%dma_start3A_114 : memref<128x128xf32, #tpu.memory_space<vmem_shared>>) target(%arg10 : memref<128x128xf32, #tpu.memory_space<vmem>>) target_semaphore(%arg20 : memref<!tpu.dma_semaphore, #tpu.memory_space<semaphore_mem>>)
    %dma_start3A_115 = arith.constant 0 : i32
    %dma_start3A_116 = tpu.memref_slice %arg18[%add3A_100, %dma_start3A_115] : memref<16x4096xf32, #tpu.memory_space<vmem_shared>> -> memref<1x4096xf32, #tpu.memory_space<vmem_shared>>
    %dma_start3A_117 = tpu.memref_squeeze %dma_start3A_116 : memref<1x4096xf32, #tpu.memory_space<vmem_shared>> -> memref<4096xf32, #tpu.memory_space<vmem_shared>>
    %dma_start3A_118 = arith.constant 0 : i32
    %dma_start3A_119 = tpu.memref_slice %arg18[%add3A_100, %dma_start3A_118] : memref<16x4096xf32, #tpu.memory_space<vmem_shared>> -> memref<1x4096xf32, #tpu.memory_space<vmem_shared>>
    %dma_start3A_120 = tpu.memref_squeeze %dma_start3A_119 : memref<1x4096xf32, #tpu.memory_space<vmem_shared>> -> memref<4096xf32, #tpu.memory_space<vmem_shared>>
    tpu.enqueue_dma source(%dma_start3A_120 : memref<4096xf32, #tpu.memory_space<vmem_shared>>) target(%arg14 : memref<4096xf32, #tpu.memory_space<vmem>>) target_semaphore(%arg21 : memref<!tpu.dma_semaphore, #tpu.memory_space<semaphore_mem>>)
    %dma_start3A_121 = arith.constant 0 : i32
    %dma_start3A_122 = tpu.memref_slice %arg12[%dma_start3A_121] : memref<8192xf32, #tpu.memory_space<vmem>> -> memref<4096xf32, #tpu.memory_space<vmem>>
    %dma_start3A_123 = arith.constant 0 : i32
    %dma_start3A_124 = tpu.memref_slice %arg17[%add3A_100, %dma_start3A_123] : memref<16x4096xf32, #tpu.memory_space<vmem_shared>> -> memref<1x4096xf32, #tpu.memory_space<vmem_shared>>
    %dma_start3A_125 = tpu.memref_squeeze %dma_start3A_124 : memref<1x4096xf32, #tpu.memory_space<vmem_shared>> -> memref<4096xf32, #tpu.memory_space<vmem_shared>>
    %dma_start3A_126 = arith.constant 0 : i32
    %dma_start3A_127 = tpu.memref_slice %arg12[%dma_start3A_126] : memref<8192xf32, #tpu.memory_space<vmem>> -> memref<4096xf32, #tpu.memory_space<vmem>>
    %dma_start3A_128 = arith.constant 0 : i32
    %dma_start3A_129 = tpu.memref_slice %arg17[%add3A_100, %dma_start3A_128] : memref<16x4096xf32, #tpu.memory_space<vmem_shared>> -> memref<1x4096xf32, #tpu.memory_space<vmem_shared>>
    %dma_start3A_130 = tpu.memref_squeeze %dma_start3A_129 : memref<1x4096xf32, #tpu.memory_space<vmem_shared>> -> memref<4096xf32, #tpu.memory_space<vmem_shared>>
    tpu.enqueue_dma source(%dma_start3A_130 : memref<4096xf32, #tpu.memory_space<vmem_shared>>) target(%dma_start3A_127 : memref<4096xf32, #tpu.memory_space<vmem>>) target_semaphore(%arg22 : memref<!tpu.dma_semaphore, #tpu.memory_space<semaphore_mem>>)
    %dma_wait3A = arith.constant 0 : i32
    %dma_wait3A_131 = tpu.memref_slice %arg18[%add3A_100, %dma_wait3A] : memref<16x4096xf32, #tpu.memory_space<vmem_shared>> -> memref<1x4096xf32, #tpu.memory_space<vmem_shared>>
    %dma_wait3A_132 = tpu.memref_squeeze %dma_wait3A_131 : memref<1x4096xf32, #tpu.memory_space<vmem_shared>> -> memref<4096xf32, #tpu.memory_space<vmem_shared>>
    %dma_wait3A_133 = arith.constant 0 : i32
    %dma_wait3A_134 = tpu.memref_slice %arg18[%add3A_100, %dma_wait3A_133] : memref<16x4096xf32, #tpu.memory_space<vmem_shared>> -> memref<1x4096xf32, #tpu.memory_space<vmem_shared>>
    %dma_wait3A_135 = tpu.memref_squeeze %dma_wait3A_134 : memref<1x4096xf32, #tpu.memory_space<vmem_shared>> -> memref<4096xf32, #tpu.memory_space<vmem_shared>>
    tpu.wait_dma2 semaphore(%arg21 : memref<!tpu.dma_semaphore, #tpu.memory_space<semaphore_mem>>) src(%dma_wait3A_135 : memref<4096xf32, #tpu.memory_space<vmem_shared>>) dst(%arg14 : memref<4096xf32, #tpu.memory_space<vmem>>)
    %add3A_136 = arith.constant 0 : i32
    %add3A_137 = arith.addi %mul3A_102, %add3A_136 : i32
    %dma_wait3A_138 = arith.constant 0 : i32
    %dma_wait3A_139 = tpu.memref_slice %arg16[%add3A_103, %dma_wait3A_138] : memref<4096x128xf32, #tpu.memory_space<vmem_shared>> -> memref<128x128xf32, #tpu.memory_space<vmem_shared>>
    %dma_wait3A_140 = arith.constant 0 : i32
    %dma_wait3A_141 = tpu.memref_slice %arg16[%add3A_103, %dma_wait3A_140] : memref<4096x128xf32, #tpu.memory_space<vmem_shared>> -> memref<128x128xf32, #tpu.memory_space<vmem_shared>>
    tpu.wait_dma2 semaphore(%arg19 : memref<!tpu.dma_semaphore, #tpu.memory_space<semaphore_mem>>) src(%dma_wait3A_141 : memref<128x128xf32, #tpu.memory_space<vmem_shared>>) dst(%arg9 : memref<128x128xf32, #tpu.memory_space<vmem>>)
    %scan3A_142 = arith.constant 0 : i32
    %scan3A_143 = arith.constant 0 : i32
    %scan3A_144 = arith.constant 128 : i32
    %scan3A_145 = arith.addi %scan3A_143, %scan3A_144 : i32
    %scan3A_146 = arith.constant 1 : i32
    %scan3A_147 = scf.for %scan3A_205 = %scan3A_143 to %scan3A_145 step %scan3A_146 iter_args(%scan3A_206 = %scan3A_142) -> (i32)  : i32 {
      %add3A_207 = arith.addi %add3A_137, %scan3A_205 : i32
      %mul3A_208 = arith.constant 16 : i32
      %mul3A_209 = arith.muli %add3A_207, %mul3A_208 : i32
      %get3A = arith.index_cast %mul3A_209 : i32 to index
      %get3A_210 = tpu.vector_load %arg13[%get3A] {strides = array<i32>} : memref<8192xf32, #tpu.memory_space<vmem>>, vector<16xf32>,
      %get3A_211 = vector.shape_cast %get3A_210 : vector<16xf32> to vector<16xf32>
      %add3A_212 = arith.constant 0 : i32
      %add3A_213 = arith.addi %add3A_212, %scan3A_205 : i32
      %mul3A_214 = arith.constant 16 : i32
      %mul3A_215 = arith.muli %add3A_213, %mul3A_214 : i32
      %get3A_216 = arith.index_cast %mul3A_215 : i32 to index
      %get3A_217 = tpu.vector_load %arg14[%get3A_216] {strides = array<i32>} : memref<4096xf32, #tpu.memory_space<vmem>>, vector<16xf32>,
      %get3A_218 = vector.shape_cast %get3A_217 : vector<16xf32> to vector<16xf32>
      %add3A_219 = arith.addf %get3A_211, %get3A_218 : vector<16xf32>
      %max3A = arith.constant 1.000000e+00 : f32
      %max3A_220 = vector.broadcast %max3A : f32 to vector<16xf32>
      %max3A_221 = arith.maximumf %add3A_219, %max3A_220 : vector<16xf32>
      %div3A_222 = arith.constant 1.000000e+00 : f32
      %div3A_223 = vector.broadcast %div3A_222 : f32 to vector<16xf32>
      %div3A_224 = arith.divf %div3A_223, %max3A_221 : vector<16xf32>
      %get3A_225 = arith.index_cast %scan3A_205 : i32 to index
      %get3A_226 = arith.constant 0 : index
      %get3A_227 = tpu.vector_load %arg9[%get3A_225, %get3A_226] {strides = array<i32>} : memref<128x128xf32, #tpu.memory_space<vmem>>, vector<1x16xf32>,
      %get3A_228 = vector.shape_cast %get3A_227 : vector<1x16xf32> to vector<16xf32>
      %mul3A_229 = arith.mulf %get3A_228, %div3A_224 : vector<16xf32>
      %swap3A = arith.index_cast %scan3A_205 : i32 to index
      %swap3A_230 = arith.constant 0 : index
      %swap3A_231 = tpu.vector_load %arg9[%swap3A, %swap3A_230] {strides = array<i32>} : memref<128x128xf32, #tpu.memory_space<vmem>>, vector<1x16xf32>,
      %swap3A_232 = vector.shape_cast %swap3A_231 : vector<1x16xf32> to vector<16xf32>
      %swap3A_233 = vector.shape_cast %mul3A_229 : vector<16xf32> to vector<1x16xf32>
      tpu.vector_store %arg9[%swap3A, %swap3A_230], %swap3A_233 {strides = array<i32>} : memref<128x128xf32, #tpu.memory_space<vmem>>, vector<1x16xf32>,
      %get3A_234 = arith.index_cast %scan3A_205 : i32 to index
      %get3A_235 = arith.constant 16 : index
      %get3A_236 = tpu.vector_load %arg9[%get3A_234, %get3A_235] {strides = array<i32>} : memref<128x128xf32, #tpu.memory_space<vmem>>, vector<1x16xf32>,
      %get3A_237 = vector.shape_cast %get3A_236 : vector<1x16xf32> to vector<16xf32>
      %mul3A_238 = arith.mulf %get3A_237, %div3A_224 : vector<16xf32>
      %swap3A_239 = arith.index_cast %scan3A_205 : i32 to index
      %swap3A_240 = arith.constant 16 : index
      %swap3A_241 = tpu.vector_load %arg9[%swap3A_239, %swap3A_240] {strides = array<i32>} : memref<128x128xf32, #tpu.memory_space<vmem>>, vector<1x16xf32>,
      %swap3A_242 = vector.shape_cast %swap3A_241 : vector<1x16xf32> to vector<16xf32>
      %swap3A_243 = vector.shape_cast %mul3A_238 : vector<16xf32> to vector<1x16xf32>
      tpu.vector_store %arg9[%swap3A_239, %swap3A_240], %swap3A_243 {strides = array<i32>} : memref<128x128xf32, #tpu.memory_space<vmem>>, vector<1x16xf32>,
      %get3A_244 = arith.index_cast %scan3A_205 : i32 to index
      %get3A_245 = arith.constant 32 : index
      %get3A_246 = tpu.vector_load %arg9[%get3A_244, %get3A_245] {strides = array<i32>} : memref<128x128xf32, #tpu.memory_space<vmem>>, vector<1x16xf32>,
      %get3A_247 = vector.shape_cast %get3A_246 : vector<1x16xf32> to vector<16xf32>
      %mul3A_248 = arith.mulf %get3A_247, %div3A_224 : vector<16xf32>
      %swap3A_249 = arith.index_cast %scan3A_205 : i32 to index
      %swap3A_250 = arith.constant 32 : index
      %swap3A_251 = tpu.vector_load %arg9[%swap3A_249, %swap3A_250] {strides = array<i32>} : memref<128x128xf32, #tpu.memory_space<vmem>>, vector<1x16xf32>,
      %swap3A_252 = vector.shape_cast %swap3A_251 : vector<1x16xf32> to vector<16xf32>
      %swap3A_253 = vector.shape_cast %mul3A_248 : vector<16xf32> to vector<1x16xf32>
      tpu.vector_store %arg9[%swap3A_249, %swap3A_250], %swap3A_253 {strides = array<i32>} : memref<128x128xf32, #tpu.memory_space<vmem>>, vector<1x16xf32>,
      %get3A_254 = arith.index_cast %scan3A_205 : i32 to index
      %get3A_255 = arith.constant 48 : index
      %get3A_256 = tpu.vector_load %arg9[%get3A_254, %get3A_255] {strides = array<i32>} : memref<128x128xf32, #tpu.memory_space<vmem>>, vector<1x16xf32>,
      %get3A_257 = vector.shape_cast %get3A_256 : vector<1x16xf32> to vector<16xf32>
      %mul3A_258 = arith.mulf %get3A_257, %div3A_224 : vector<16xf32>
      %swap3A_259 = arith.index_cast %scan3A_205 : i32 to index
      %swap3A_260 = arith.constant 48 : index
      %swap3A_261 = tpu.vector_load %arg9[%swap3A_259, %swap3A_260] {strides = array<i32>} : memref<128x128xf32, #tpu.memory_space<vmem>>, vector<1x16xf32>,
      %swap3A_262 = vector.shape_cast %swap3A_261 : vector<1x16xf32> to vector<16xf32>
      %swap3A_263 = vector.shape_cast %mul3A_258 : vector<16xf32> to vector<1x16xf32>
      tpu.vector_store %arg9[%swap3A_259, %swap3A_260], %swap3A_263 {strides = array<i32>} : memref<128x128xf32, #tpu.memory_space<vmem>>, vector<1x16xf32>,
      %get3A_264 = arith.index_cast %scan3A_205 : i32 to index
      %get3A_265 = arith.constant 64 : index
      %get3A_266 = tpu.vector_load %arg9[%get3A_264, %get3A_265] {strides = array<i32>} : memref<128x128xf32, #tpu.memory_space<vmem>>, vector<1x16xf32>,
      %get3A_267 = vector.shape_cast %get3A_266 : vector<1x16xf32> to vector<16xf32>
      %mul3A_268 = arith.mulf %get3A_267, %div3A_224 : vector<16xf32>
      %swap3A_269 = arith.index_cast %scan3A_205 : i32 to index
      %swap3A_270 = arith.constant 64 : index
      %swap3A_271 = tpu.vector_load %arg9[%swap3A_269, %swap3A_270] {strides = array<i32>} : memref<128x128xf32, #tpu.memory_space<vmem>>, vector<1x16xf32>,
      %swap3A_272 = vector.shape_cast %swap3A_271 : vector<1x16xf32> to vector<16xf32>
      %swap3A_273 = vector.shape_cast %mul3A_268 : vector<16xf32> to vector<1x16xf32>
      tpu.vector_store %arg9[%swap3A_269, %swap3A_270], %swap3A_273 {strides = array<i32>} : memref<128x128xf32, #tpu.memory_space<vmem>>, vector<1x16xf32>,
      %get3A_274 = arith.index_cast %scan3A_205 : i32 to index
      %get3A_275 = arith.constant 80 : index
      %get3A_276 = tpu.vector_load %arg9[%get3A_274, %get3A_275] {strides = array<i32>} : memref<128x128xf32, #tpu.memory_space<vmem>>, vector<1x16xf32>,
      %get3A_277 = vector.shape_cast %get3A_276 : vector<1x16xf32> to vector<16xf32>
      %mul3A_278 = arith.mulf %get3A_277, %div3A_224 : vector<16xf32>
      %swap3A_279 = arith.index_cast %scan3A_205 : i32 to index
      %swap3A_280 = arith.constant 80 : index
      %swap3A_281 = tpu.vector_load %arg9[%swap3A_279, %swap3A_280] {strides = array<i32>} : memref<128x128xf32, #tpu.memory_space<vmem>>, vector<1x16xf32>,
      %swap3A_282 = vector.shape_cast %swap3A_281 : vector<1x16xf32> to vector<16xf32>
      %swap3A_283 = vector.shape_cast %mul3A_278 : vector<16xf32> to vector<1x16xf32>
      tpu.vector_store %arg9[%swap3A_279, %swap3A_280], %swap3A_283 {strides = array<i32>} : memref<128x128xf32, #tpu.memory_space<vmem>>, vector<1x16xf32>,
      %get3A_284 = arith.index_cast %scan3A_205 : i32 to index
      %get3A_285 = arith.constant 96 : index
      %get3A_286 = tpu.vector_load %arg9[%get3A_284, %get3A_285] {strides = array<i32>} : memref<128x128xf32, #tpu.memory_space<vmem>>, vector<1x16xf32>,
      %get3A_287 = vector.shape_cast %get3A_286 : vector<1x16xf32> to vector<16xf32>
      %mul3A_288 = arith.mulf %get3A_287, %div3A_224 : vector<16xf32>
      %swap3A_289 = arith.index_cast %scan3A_205 : i32 to index
      %swap3A_290 = arith.constant 96 : index
      %swap3A_291 = tpu.vector_load %arg9[%swap3A_289, %swap3A_290] {strides = array<i32>} : memref<128x128xf32, #tpu.memory_space<vmem>>, vector<1x16xf32>,
      %swap3A_292 = vector.shape_cast %swap3A_291 : vector<1x16xf32> to vector<16xf32>
      %swap3A_293 = vector.shape_cast %mul3A_288 : vector<16xf32> to vector<1x16xf32>
      tpu.vector_store %arg9[%swap3A_289, %swap3A_290], %swap3A_293 {strides = array<i32>} : memref<128x128xf32, #tpu.memory_space<vmem>>, vector<1x16xf32>,
      %get3A_294 = arith.index_cast %scan3A_205 : i32 to index
      %get3A_295 = arith.constant 112 : index
      %get3A_296 = tpu.vector_load %arg9[%get3A_294, %get3A_295] {strides = array<i32>} : memref<128x128xf32, #tpu.memory_space<vmem>>, vector<1x16xf32>,
      %get3A_297 = vector.shape_cast %get3A_296 : vector<1x16xf32> to vector<16xf32>
      %mul3A_298 = arith.mulf %get3A_297, %div3A_224 : vector<16xf32>
      %swap3A_299 = arith.index_cast %scan3A_205 : i32 to index
      %swap3A_300 = arith.constant 112 : index
      %swap3A_301 = tpu.vector_load %arg9[%swap3A_299, %swap3A_300] {strides = array<i32>} : memref<128x128xf32, #tpu.memory_space<vmem>>, vector<1x16xf32>,
      %swap3A_302 = vector.shape_cast %swap3A_301 : vector<1x16xf32> to vector<16xf32>
      %swap3A_303 = vector.shape_cast %mul3A_298 : vector<16xf32> to vector<1x16xf32>
      tpu.vector_store %arg9[%swap3A_299, %swap3A_300], %swap3A_303 {strides = array<i32>} : memref<128x128xf32, #tpu.memory_space<vmem>>, vector<1x16xf32>,
      %scan3A_304 = arith.constant 0 : i32
      scf.yield %scan3A_304 : i32
    }
    %scan3A_148 = arith.constant 128 : i32
    %dma_start3A_149 = arith.constant 0 : i32
    %dma_start3A_150 = tpu.memref_slice %arg5[%add3A_30, %add3A_137, %dma_start3A_149] : memref<16x512x128xf32, #tpu.memory_space<hbm>> -> memref<1x128x128xf32, #tpu.memory_space<hbm>>
    %dma_start3A_151 = tpu.memref_squeeze %dma_start3A_150 : memref<1x128x128xf32, #tpu.memory_space<hbm>> -> memref<128x128xf32, #tpu.memory_space<hbm>>
    %dma_start3A_152 = arith.constant 0 : i32
    %dma_start3A_153 = tpu.memref_slice %arg5[%add3A_30, %add3A_137, %dma_start3A_152] : memref<16x512x128xf32, #tpu.memory_space<hbm>> -> memref<1x128x128xf32, #tpu.memory_space<hbm>>
    %dma_start3A_154 = tpu.memref_squeeze %dma_start3A_153 : memref<1x128x128xf32, #tpu.memory_space<hbm>> -> memref<128x128xf32, #tpu.memory_space<hbm>>
    tpu.enqueue_dma source(%arg9 : memref<128x128xf32, #tpu.memory_space<vmem>>) target(%dma_start3A_154 : memref<128x128xf32, #tpu.memory_space<hbm>>) target_semaphore(%arg19 : memref<!tpu.dma_semaphore, #tpu.memory_space<semaphore_mem>>)
    %add3A_155 = arith.constant 128 : i32
    %add3A_156 = arith.addi %mul3A_102, %add3A_155 : i32
    %dma_wait3A_157 = arith.constant 0 : i32
    %dma_wait3A_158 = tpu.memref_slice %arg16[%add3A_110, %dma_wait3A_157] : memref<4096x128xf32, #tpu.memory_space<vmem_shared>> -> memref<128x128xf32, #tpu.memory_space<vmem_shared>>
    %dma_wait3A_159 = arith.constant 0 : i32
    %dma_wait3A_160 = tpu.memref_slice %arg16[%add3A_110, %dma_wait3A_159] : memref<4096x128xf32, #tpu.memory_space<vmem_shared>> -> memref<128x128xf32, #tpu.memory_space<vmem_shared>>
    tpu.wait_dma2 semaphore(%arg20 : memref<!tpu.dma_semaphore, #tpu.memory_space<semaphore_mem>>) src(%dma_wait3A_160 : memref<128x128xf32, #tpu.memory_space<vmem_shared>>) dst(%arg10 : memref<128x128xf32, #tpu.memory_space<vmem>>)
    %scan3A_161 = arith.constant 0 : i32
    %scan3A_162 = arith.constant 0 : i32
    %scan3A_163 = arith.constant 128 : i32
    %scan3A_164 = arith.addi %scan3A_162, %scan3A_163 : i32
    %scan3A_165 = arith.constant 1 : i32
    %scan3A_166 = scf.for %scan3A_205 = %scan3A_162 to %scan3A_164 step %scan3A_165 iter_args(%scan3A_206 = %scan3A_161) -> (i32)  : i32 {
      %add3A_207 = arith.addi %add3A_156, %scan3A_205 : i32
      %mul3A_208 = arith.constant 16 : i32
      %mul3A_209 = arith.muli %add3A_207, %mul3A_208 : i32
      %get3A = arith.index_cast %mul3A_209 : i32 to index
      %get3A_210 = tpu.vector_load %arg13[%get3A] {strides = array<i32>} : memref<8192xf32, #tpu.memory_space<vmem>>, vector<16xf32>,
      %get3A_211 = vector.shape_cast %get3A_210 : vector<16xf32> to vector<16xf32>
      %add3A_212 = arith.constant 128 : i32
      %add3A_213 = arith.addi %add3A_212, %scan3A_205 : i32
      %mul3A_214 = arith.constant 16 : i32
      %mul3A_215 = arith.muli %add3A_213, %mul3A_214 : i32
      %get3A_216 = arith.index_cast %mul3A_215 : i32 to index
      %get3A_217 = tpu.vector_load %arg14[%get3A_216] {strides = array<i32>} : memref<4096xf32, #tpu.memory_space<vmem>>, vector<16xf32>,
      %get3A_218 = vector.shape_cast %get3A_217 : vector<16xf32> to vector<16xf32>
      %add3A_219 = arith.addf %get3A_211, %get3A_218 : vector<16xf32>
      %max3A = arith.constant 1.000000e+00 : f32
      %max3A_220 = vector.broadcast %max3A : f32 to vector<16xf32>
      %max3A_221 = arith.maximumf %add3A_219, %max3A_220 : vector<16xf32>
      %div3A_222 = arith.constant 1.000000e+00 : f32
      %div3A_223 = vector.broadcast %div3A_222 : f32 to vector<16xf32>
      %div3A_224 = arith.divf %div3A_223, %max3A_221 : vector<16xf32>
      %get3A_225 = arith.index_cast %scan3A_205 : i32 to index
      %get3A_226 = arith.constant 0 : index
      %get3A_227 = tpu.vector_load %arg10[%get3A_225, %get3A_226] {strides = array<i32>} : memref<128x128xf32, #tpu.memory_space<vmem>>, vector<1x16xf32>,
      %get3A_228 = vector.shape_cast %get3A_227 : vector<1x16xf32> to vector<16xf32>
      %mul3A_229 = arith.mulf %get3A_228, %div3A_224 : vector<16xf32>
      %swap3A = arith.index_cast %scan3A_205 : i32 to index
      %swap3A_230 = arith.constant 0 : index
      %swap3A_231 = tpu.vector_load %arg10[%swap3A, %swap3A_230] {strides = array<i32>} : memref<128x128xf32, #tpu.memory_space<vmem>>, vector<1x16xf32>,
      %swap3A_232 = vector.shape_cast %swap3A_231 : vector<1x16xf32> to vector<16xf32>
      %swap3A_233 = vector.shape_cast %mul3A_229 : vector<16xf32> to vector<1x16xf32>
      tpu.vector_store %arg10[%swap3A, %swap3A_230], %swap3A_233 {strides = array<i32>} : memref<128x128xf32, #tpu.memory_space<vmem>>, vector<1x16xf32>,
      %get3A_234 = arith.index_cast %scan3A_205 : i32 to index
      %get3A_235 = arith.constant 16 : index
      %get3A_236 = tpu.vector_load %arg10[%get3A_234, %get3A_235] {strides = array<i32>} : memref<128x128xf32, #tpu.memory_space<vmem>>, vector<1x16xf32>,
      %get3A_237 = vector.shape_cast %get3A_236 : vector<1x16xf32> to vector<16xf32>
      %mul3A_238 = arith.mulf %get3A_237, %div3A_224 : vector<16xf32>
      %swap3A_239 = arith.index_cast %scan3A_205 : i32 to index
      %swap3A_240 = arith.constant 16 : index
      %swap3A_241 = tpu.vector_load %arg10[%swap3A_239, %swap3A_240] {strides = array<i32>} : memref<128x128xf32, #tpu.memory_space<vmem>>, vector<1x16xf32>,
      %swap3A_242 = vector.shape_cast %swap3A_241 : vector<1x16xf32> to vector<16xf32>
      %swap3A_243 = vector.shape_cast %mul3A_238 : vector<16xf32> to vector<1x16xf32>
      tpu.vector_store %arg10[%swap3A_239, %swap3A_240], %swap3A_243 {strides = array<i32>} : memref<128x128xf32, #tpu.memory_space<vmem>>, vector<1x16xf32>,
      %get3A_244 = arith.index_cast %scan3A_205 : i32 to index
      %get3A_245 = arith.constant 32 : index
      %get3A_246 = tpu.vector_load %arg10[%get3A_244, %get3A_245] {strides = array<i32>} : memref<128x128xf32, #tpu.memory_space<vmem>>, vector<1x16xf32>,
      %get3A_247 = vector.shape_cast %get3A_246 : vector<1x16xf32> to vector<16xf32>
      %mul3A_248 = arith.mulf %get3A_247, %div3A_224 : vector<16xf32>
      %swap3A_249 = arith.index_cast %scan3A_205 : i32 to index
      %swap3A_250 = arith.constant 32 : index
      %swap3A_251 = tpu.vector_load %arg10[%swap3A_249, %swap3A_250] {strides = array<i32>} : memref<128x128xf32, #tpu.memory_space<vmem>>, vector<1x16xf32>,
      %swap3A_252 = vector.shape_cast %swap3A_251 : vector<1x16xf32> to vector<16xf32>
      %swap3A_253 = vector.shape_cast %mul3A_248 : vector<16xf32> to vector<1x16xf32>
      tpu.vector_store %arg10[%swap3A_249, %swap3A_250], %swap3A_253 {strides = array<i32>} : memref<128x128xf32, #tpu.memory_space<vmem>>, vector<1x16xf32>,
      %get3A_254 = arith.index_cast %scan3A_205 : i32 to index
      %get3A_255 = arith.constant 48 : index
      %get3A_256 = tpu.vector_load %arg10[%get3A_254, %get3A_255] {strides = array<i32>} : memref<128x128xf32, #tpu.memory_space<vmem>>, vector<1x16xf32>,
      %get3A_257 = vector.shape_cast %get3A_256 : vector<1x16xf32> to vector<16xf32>
      %mul3A_258 = arith.mulf %get3A_257, %div3A_224 : vector<16xf32>
      %swap3A_259 = arith.index_cast %scan3A_205 : i32 to index
      %swap3A_260 = arith.constant 48 : index
      %swap3A_261 = tpu.vector_load %arg10[%swap3A_259, %swap3A_260] {strides = array<i32>} : memref<128x128xf32, #tpu.memory_space<vmem>>, vector<1x16xf32>,
      %swap3A_262 = vector.shape_cast %swap3A_261 : vector<1x16xf32> to vector<16xf32>
      %swap3A_263 = vector.shape_cast %mul3A_258 : vector<16xf32> to vector<1x16xf32>
      tpu.vector_store %arg10[%swap3A_259, %swap3A_260], %swap3A_263 {strides = array<i32>} : memref<128x128xf32, #tpu.memory_space<vmem>>, vector<1x16xf32>,
      %get3A_264 = arith.index_cast %scan3A_205 : i32 to index
      %get3A_265 = arith.constant 64 : index
      %get3A_266 = tpu.vector_load %arg10[%get3A_264, %get3A_265] {strides = array<i32>} : memref<128x128xf32, #tpu.memory_space<vmem>>, vector<1x16xf32>,
      %get3A_267 = vector.shape_cast %get3A_266 : vector<1x16xf32> to vector<16xf32>
      %mul3A_268 = arith.mulf %get3A_267, %div3A_224 : vector<16xf32>
      %swap3A_269 = arith.index_cast %scan3A_205 : i32 to index
      %swap3A_270 = arith.constant 64 : index
      %swap3A_271 = tpu.vector_load %arg10[%swap3A_269, %swap3A_270] {strides = array<i32>} : memref<128x128xf32, #tpu.memory_space<vmem>>, vector<1x16xf32>,
      %swap3A_272 = vector.shape_cast %swap3A_271 : vector<1x16xf32> to vector<16xf32>
      %swap3A_273 = vector.shape_cast %mul3A_268 : vector<16xf32> to vector<1x16xf32>
      tpu.vector_store %arg10[%swap3A_269, %swap3A_270], %swap3A_273 {strides = array<i32>} : memref<128x128xf32, #tpu.memory_space<vmem>>, vector<1x16xf32>,
      %get3A_274 = arith.index_cast %scan3A_205 : i32 to index
      %get3A_275 = arith.constant 80 : index
      %get3A_276 = tpu.vector_load %arg10[%get3A_274, %get3A_275] {strides = array<i32>} : memref<128x128xf32, #tpu.memory_space<vmem>>, vector<1x16xf32>,
      %get3A_277 = vector.shape_cast %get3A_276 : vector<1x16xf32> to vector<16xf32>
      %mul3A_278 = arith.mulf %get3A_277, %div3A_224 : vector<16xf32>
      %swap3A_279 = arith.index_cast %scan3A_205 : i32 to index
      %swap3A_280 = arith.constant 80 : index
      %swap3A_281 = tpu.vector_load %arg10[%swap3A_279, %swap3A_280] {strides = array<i32>} : memref<128x128xf32, #tpu.memory_space<vmem>>, vector<1x16xf32>,
      %swap3A_282 = vector.shape_cast %swap3A_281 : vector<1x16xf32> to vector<16xf32>
      %swap3A_283 = vector.shape_cast %mul3A_278 : vector<16xf32> to vector<1x16xf32>
      tpu.vector_store %arg10[%swap3A_279, %swap3A_280], %swap3A_283 {strides = array<i32>} : memref<128x128xf32, #tpu.memory_space<vmem>>, vector<1x16xf32>,
      %get3A_284 = arith.index_cast %scan3A_205 : i32 to index
      %get3A_285 = arith.constant 96 : index
      %get3A_286 = tpu.vector_load %arg10[%get3A_284, %get3A_285] {strides = array<i32>} : memref<128x128xf32, #tpu.memory_space<vmem>>, vector<1x16xf32>,
      %get3A_287 = vector.shape_cast %get3A_286 : vector<1x16xf32> to vector<16xf32>
      %mul3A_288 = arith.mulf %get3A_287, %div3A_224 : vector<16xf32>
      %swap3A_289 = arith.index_cast %scan3A_205 : i32 to index
      %swap3A_290 = arith.constant 96 : index
      %swap3A_291 = tpu.vector_load %arg10[%swap3A_289, %swap3A_290] {strides = array<i32>} : memref<128x128xf32, #tpu.memory_space<vmem>>, vector<1x16xf32>,
      %swap3A_292 = vector.shape_cast %swap3A_291 : vector<1x16xf32> to vector<16xf32>
      %swap3A_293 = vector.shape_cast %mul3A_288 : vector<16xf32> to vector<1x16xf32>
      tpu.vector_store %arg10[%swap3A_289, %swap3A_290], %swap3A_293 {strides = array<i32>} : memref<128x128xf32, #tpu.memory_space<vmem>>, vector<1x16xf32>,
      %get3A_294 = arith.index_cast %scan3A_205 : i32 to index
      %get3A_295 = arith.constant 112 : index
      %get3A_296 = tpu.vector_load %arg10[%get3A_294, %get3A_295] {strides = array<i32>} : memref<128x128xf32, #tpu.memory_space<vmem>>, vector<1x16xf32>,
      %get3A_297 = vector.shape_cast %get3A_296 : vector<1x16xf32> to vector<16xf32>
      %mul3A_298 = arith.mulf %get3A_297, %div3A_224 : vector<16xf32>
      %swap3A_299 = arith.index_cast %scan3A_205 : i32 to index
      %swap3A_300 = arith.constant 112 : index
      %swap3A_301 = tpu.vector_load %arg10[%swap3A_299, %swap3A_300] {strides = array<i32>} : memref<128x128xf32, #tpu.memory_space<vmem>>, vector<1x16xf32>,
      %swap3A_302 = vector.shape_cast %swap3A_301 : vector<1x16xf32> to vector<16xf32>
      %swap3A_303 = vector.shape_cast %mul3A_298 : vector<16xf32> to vector<1x16xf32>
      tpu.vector_store %arg10[%swap3A_299, %swap3A_300], %swap3A_303 {strides = array<i32>} : memref<128x128xf32, #tpu.memory_space<vmem>>, vector<1x16xf32>,
      %scan3A_304 = arith.constant 0 : i32
      scf.yield %scan3A_304 : i32
    }
    %scan3A_167 = arith.constant 128 : i32
    %dma_start3A_168 = arith.constant 0 : i32
    %dma_start3A_169 = tpu.memref_slice %arg5[%add3A_30, %add3A_156, %dma_start3A_168] : memref<16x512x128xf32, #tpu.memory_space<hbm>> -> memref<1x128x128xf32, #tpu.memory_space<hbm>>
    %dma_start3A_170 = tpu.memref_squeeze %dma_start3A_169 : memref<1x128x128xf32, #tpu.memory_space<hbm>> -> memref<128x128xf32, #tpu.memory_space<hbm>>
    %dma_start3A_171 = arith.constant 0 : i32
    %dma_start3A_172 = tpu.memref_slice %arg5[%add3A_30, %add3A_156, %dma_start3A_171] : memref<16x512x128xf32, #tpu.memory_space<hbm>> -> memref<1x128x128xf32, #tpu.memory_space<hbm>>
    %dma_start3A_173 = tpu.memref_squeeze %dma_start3A_172 : memref<1x128x128xf32, #tpu.memory_space<hbm>> -> memref<128x128xf32, #tpu.memory_space<hbm>>
    tpu.enqueue_dma source(%arg10 : memref<128x128xf32, #tpu.memory_space<vmem>>) target(%dma_start3A_173 : memref<128x128xf32, #tpu.memory_space<hbm>>) target_semaphore(%arg20 : memref<!tpu.dma_semaphore, #tpu.memory_space<semaphore_mem>>)
    %dma_wait3A_174 = arith.constant 0 : i32
    %dma_wait3A_175 = tpu.memref_slice %arg12[%dma_wait3A_174] : memref<8192xf32, #tpu.memory_space<vmem>> -> memref<4096xf32, #tpu.memory_space<vmem>>
    %dma_wait3A_176 = arith.constant 0 : i32
    %dma_wait3A_177 = tpu.memref_slice %arg17[%add3A_100, %dma_wait3A_176] : memref<16x4096xf32, #tpu.memory_space<vmem_shared>> -> memref<1x4096xf32, #tpu.memory_space<vmem_shared>>
    %dma_wait3A_178 = tpu.memref_squeeze %dma_wait3A_177 : memref<1x4096xf32, #tpu.memory_space<vmem_shared>> -> memref<4096xf32, #tpu.memory_space<vmem_shared>>
    %dma_wait3A_179 = arith.constant 0 : i32
    %dma_wait3A_180 = tpu.memref_slice %arg12[%dma_wait3A_179] : memref<8192xf32, #tpu.memory_space<vmem>> -> memref<4096xf32, #tpu.memory_space<vmem>>
    %dma_wait3A_181 = arith.constant 0 : i32
    %dma_wait3A_182 = tpu.memref_slice %arg17[%add3A_100, %dma_wait3A_181] : memref<16x4096xf32, #tpu.memory_space<vmem_shared>> -> memref<1x4096xf32, #tpu.memory_space<vmem_shared>>
    %dma_wait3A_183 = tpu.memref_squeeze %dma_wait3A_182 : memref<1x4096xf32, #tpu.memory_space<vmem_shared>> -> memref<4096xf32, #tpu.memory_space<vmem_shared>>
    tpu.wait_dma2 semaphore(%arg22 : memref<!tpu.dma_semaphore, #tpu.memory_space<semaphore_mem>>) src(%dma_wait3A_183 : memref<4096xf32, #tpu.memory_space<vmem_shared>>) dst(%dma_wait3A_180 : memref<4096xf32, #tpu.memory_space<vmem>>)
    %iota3A = tpu.iota {dimensions = array<i32: 0>} : vector<16xi32>
    %mul3A_184 = arith.constant 256 : i32
    %mul3A_185 = arith.muli %select_n3A_28, %mul3A_184 : i32
    %scan3A_186 = arith.constant 0 : i32
    %scan3A_187 = arith.constant 0 : i32
    %scan3A_188 = arith.constant 16 : i32
    %scan3A_189 = arith.addi %scan3A_187, %scan3A_188 : i32
    %scan3A_190 = arith.constant 1 : i32
    %scan3A_191 = scf.for %scan3A_205 = %scan3A_187 to %scan3A_189 step %scan3A_190 iter_args(%scan3A_206 = %scan3A_186) -> (i32)  : i32 {
      %broadcast_in_dim3A_207 = arith.constant 0.000000e+00 : f32
      %broadcast_in_dim3A_208 = vector.broadcast %broadcast_in_dim3A_207 : f32 to vector<16xf32>
      %broadcast_in_dim3A_209 = arith.constant 0.000000e+00 : f32
      %broadcast_in_dim3A_210 = vector.broadcast %broadcast_in_dim3A_209 : f32 to vector<16xf32>
      %mul3A_211 = arith.constant 16 : i32
      %mul3A_212 = arith.muli %scan3A_205, %mul3A_211 : i32
      %add3A_213 = arith.constant 0 : i32
      %add3A_214 = arith.addi %mul3A_212, %add3A_213 : i32
      %add3A_215 = arith.addi %mul3A_185, %add3A_214 : i32
      %mul3A_216 = arith.constant 16 : i32
      %mul3A_217 = arith.muli %add3A_215, %mul3A_216 : i32
      %mul3A_218 = arith.constant 16 : i32
      %mul3A_219 = arith.muli %add3A_214, %mul3A_218 : i32
      %eq3A_220 = arith.constant 0 : i32
      %eq3A_221 = vector.broadcast %eq3A_220 : i32 to vector<16xi32>
      %eq3A_222 = arith.cmpi eq, %iota3A, %eq3A_221 : vector<16xi32>
      %get3A = arith.index_cast %mul3A_217 : i32 to index
      %get3A_223 = tpu.vector_load %arg11[%get3A] {strides = array<i32>} : memref<8192xf32, #tpu.memory_space<vmem>>, vector<16xf32>,
      %get3A_224 = vector.shape_cast %get3A_223 : vector<16xf32> to vector<16xf32>
      %get3A_225 = arith.index_cast %mul3A_219 : i32 to index
      %get3A_226 = tpu.vector_load %arg12[%get3A_225] {strides = array<i32>} : memref<8192xf32, #tpu.memory_space<vmem>>, vector<16xf32>,
      %get3A_227 = vector.shape_cast %get3A_226 : vector<16xf32> to vector<16xf32>
      %max3A = arith.maximumf %get3A_224, %get3A_227 : vector<16xf32>
      %select_n3A_228 = arith.select %eq3A_222, %max3A, %broadcast_in_dim3A_208 : vector<16xi1>, vector<16xf32>
      %get3A_229 = arith.index_cast %mul3A_217 : i32 to index
      %get3A_230 = tpu.vector_load %arg13[%get3A_229] {strides = array<i32>} : memref<8192xf32, #tpu.memory_space<vmem>>, vector<16xf32>,
      %get3A_231 = vector.shape_cast %get3A_230 : vector<16xf32> to vector<16xf32>
      %get3A_232 = arith.index_cast %mul3A_219 : i32 to index
      %get3A_233 = tpu.vector_load %arg14[%get3A_232] {strides = array<i32>} : memref<4096xf32, #tpu.memory_space<vmem>>, vector<16xf32>,
      %get3A_234 = vector.shape_cast %get3A_233 : vector<16xf32> to vector<16xf32>
      %add3A_235 = arith.addf %get3A_231, %get3A_234 : vector<16xf32>
      %select_n3A_236 = arith.select %eq3A_222, %add3A_235, %broadcast_in_dim3A_210 : vector<16xi1>, vector<16xf32>
      %mul3A_237 = arith.constant 16 : i32
      %mul3A_238 = arith.muli %scan3A_205, %mul3A_237 : i32
      %add3A_239 = arith.constant 1 : i32
      %add3A_240 = arith.addi %mul3A_238, %add3A_239 : i32
      %add3A_241 = arith.addi %mul3A_185, %add3A_240 : i32
      %mul3A_242 = arith.constant 16 : i32
      %mul3A_243 = arith.muli %add3A_241, %mul3A_242 : i32
      %mul3A_244 = arith.constant 16 : i32
      %mul3A_245 = arith.muli %add3A_240, %mul3A_244 : i32
      %eq3A_246 = arith.constant 1 : i32
      %eq3A_247 = vector.broadcast %eq3A_246 : i32 to vector<16xi32>
      %eq3A_248 = arith.cmpi eq, %iota3A, %eq3A_247 : vector<16xi32>
      %get3A_249 = arith.index_cast %mul3A_243 : i32 to index
      %get3A_250 = tpu.vector_load %arg11[%get3A_249] {strides = array<i32>} : memref<8192xf32, #tpu.memory_space<vmem>>, vector<16xf32>,
      %get3A_251 = vector.shape_cast %get3A_250 : vector<16xf32> to vector<16xf32>
      %get3A_252 = arith.index_cast %mul3A_245 : i32 to index
      %get3A_253 = tpu.vector_load %arg12[%get3A_252] {strides = array<i32>} : memref<8192xf32, #tpu.memory_space<vmem>>, vector<16xf32>,
      %get3A_254 = vector.shape_cast %get3A_253 : vector<16xf32> to vector<16xf32>
      %max3A_255 = arith.maximumf %get3A_251, %get3A_254 : vector<16xf32>
      %select_n3A_256 = arith.select %eq3A_248, %max3A_255, %select_n3A_228 : vector<16xi1>, vector<16xf32>
      %get3A_257 = arith.index_cast %mul3A_243 : i32 to index
      %get3A_258 = tpu.vector_load %arg13[%get3A_257] {strides = array<i32>} : memref<8192xf32, #tpu.memory_space<vmem>>, vector<16xf32>,
      %get3A_259 = vector.shape_cast %get3A_258 : vector<16xf32> to vector<16xf32>
      %get3A_260 = arith.index_cast %mul3A_245 : i32 to index
      %get3A_261 = tpu.vector_load %arg14[%get3A_260] {strides = array<i32>} : memref<4096xf32, #tpu.memory_space<vmem>>, vector<16xf32>,
      %get3A_262 = vector.shape_cast %get3A_261 : vector<16xf32> to vector<16xf32>
      %add3A_263 = arith.addf %get3A_259, %get3A_262 : vector<16xf32>
      %select_n3A_264 = arith.select %eq3A_248, %add3A_263, %select_n3A_236 : vector<16xi1>, vector<16xf32>
      %mul3A_265 = arith.constant 16 : i32
      %mul3A_266 = arith.muli %scan3A_205, %mul3A_265 : i32
      %add3A_267 = arith.constant 2 : i32
      %add3A_268 = arith.addi %mul3A_266, %add3A_267 : i32
      %add3A_269 = arith.addi %mul3A_185, %add3A_268 : i32
      %mul3A_270 = arith.constant 16 : i32
      %mul3A_271 = arith.muli %add3A_269, %mul3A_270 : i32
      %mul3A_272 = arith.constant 16 : i32
      %mul3A_273 = arith.muli %add3A_268, %mul3A_272 : i32
      %eq3A_274 = arith.constant 2 : i32
      %eq3A_275 = vector.broadcast %eq3A_274 : i32 to vector<16xi32>
      %eq3A_276 = arith.cmpi eq, %iota3A, %eq3A_275 : vector<16xi32>
      %get3A_277 = arith.index_cast %mul3A_271 : i32 to index
      %get3A_278 = tpu.vector_load %arg11[%get3A_277] {strides = array<i32>} : memref<8192xf32, #tpu.memory_space<vmem>>, vector<16xf32>,
      %get3A_279 = vector.shape_cast %get3A_278 : vector<16xf32> to vector<16xf32>
      %get3A_280 = arith.index_cast %mul3A_273 : i32 to index
      %get3A_281 = tpu.vector_load %arg12[%get3A_280] {strides = array<i32>} : memref<8192xf32, #tpu.memory_space<vmem>>, vector<16xf32>,
      %get3A_282 = vector.shape_cast %get3A_281 : vector<16xf32> to vector<16xf32>
      %max3A_283 = arith.maximumf %get3A_279, %get3A_282 : vector<16xf32>
      %select_n3A_284 = arith.select %eq3A_276, %max3A_283, %select_n3A_256 : vector<16xi1>, vector<16xf32>
      %get3A_285 = arith.index_cast %mul3A_271 : i32 to index
      %get3A_286 = tpu.vector_load %arg13[%get3A_285] {strides = array<i32>} : memref<8192xf32, #tpu.memory_space<vmem>>, vector<16xf32>,
      %get3A_287 = vector.shape_cast %get3A_286 : vector<16xf32> to vector<16xf32>
      %get3A_288 = arith.index_cast %mul3A_273 : i32 to index
      %get3A_289 = tpu.vector_load %arg14[%get3A_288] {strides = array<i32>} : memref<4096xf32, #tpu.memory_space<vmem>>, vector<16xf32>,
      %get3A_290 = vector.shape_cast %get3A_289 : vector<16xf32> to vector<16xf32>
      %add3A_291 = arith.addf %get3A_287, %get3A_290 : vector<16xf32>
      %select_n3A_292 = arith.select %eq3A_276, %add3A_291, %select_n3A_264 : vector<16xi1>, vector<16xf32>
      %mul3A_293 = arith.constant 16 : i32
      %mul3A_294 = arith.muli %scan3A_205, %mul3A_293 : i32
      %add3A_295 = arith.constant 3 : i32
      %add3A_296 = arith.addi %mul3A_294, %add3A_295 : i32
      %add3A_297 = arith.addi %mul3A_185, %add3A_296 : i32
      %mul3A_298 = arith.constant 16 : i32
      %mul3A_299 = arith.muli %add3A_297, %mul3A_298 : i32
      %mul3A_300 = arith.constant 16 : i32
      %mul3A_301 = arith.muli %add3A_296, %mul3A_300 : i32
      %eq3A_302 = arith.constant 3 : i32
      %eq3A_303 = vector.broadcast %eq3A_302 : i32 to vector<16xi32>
      %eq3A_304 = arith.cmpi eq, %iota3A, %eq3A_303 : vector<16xi32>
      %get3A_305 = arith.index_cast %mul3A_299 : i32 to index
      %get3A_306 = tpu.vector_load %arg11[%get3A_305] {strides = array<i32>} : memref<8192xf32, #tpu.memory_space<vmem>>, vector<16xf32>,
      %get3A_307 = vector.shape_cast %get3A_306 : vector<16xf32> to vector<16xf32>
      %get3A_308 = arith.index_cast %mul3A_301 : i32 to index
      %get3A_309 = tpu.vector_load %arg12[%get3A_308] {strides = array<i32>} : memref<8192xf32, #tpu.memory_space<vmem>>, vector<16xf32>,
      %get3A_310 = vector.shape_cast %get3A_309 : vector<16xf32> to vector<16xf32>
      %max3A_311 = arith.maximumf %get3A_307, %get3A_310 : vector<16xf32>
      %select_n3A_312 = arith.select %eq3A_304, %max3A_311, %select_n3A_284 : vector<16xi1>, vector<16xf32>
      %get3A_313 = arith.index_cast %mul3A_299 : i32 to index
      %get3A_314 = tpu.vector_load %arg13[%get3A_313] {strides = array<i32>} : memref<8192xf32, #tpu.memory_space<vmem>>, vector<16xf32>,
      %get3A_315 = vector.shape_cast %get3A_314 : vector<16xf32> to vector<16xf32>
      %get3A_316 = arith.index_cast %mul3A_301 : i32 to index
      %get3A_317 = tpu.vector_load %arg14[%get3A_316] {strides = array<i32>} : memref<4096xf32, #tpu.memory_space<vmem>>, vector<16xf32>,
      %get3A_318 = vector.shape_cast %get3A_317 : vector<16xf32> to vector<16xf32>
      %add3A_319 = arith.addf %get3A_315, %get3A_318 : vector<16xf32>
      %select_n3A_320 = arith.select %eq3A_304, %add3A_319, %select_n3A_292 : vector<16xi1>, vector<16xf32>
      %mul3A_321 = arith.constant 16 : i32
      %mul3A_322 = arith.muli %scan3A_205, %mul3A_321 : i32
      %add3A_323 = arith.constant 4 : i32
      %add3A_324 = arith.addi %mul3A_322, %add3A_323 : i32
      %add3A_325 = arith.addi %mul3A_185, %add3A_324 : i32
      %mul3A_326 = arith.constant 16 : i32
      %mul3A_327 = arith.muli %add3A_325, %mul3A_326 : i32
      %mul3A_328 = arith.constant 16 : i32
      %mul3A_329 = arith.muli %add3A_324, %mul3A_328 : i32
      %eq3A_330 = arith.constant 4 : i32
      %eq3A_331 = vector.broadcast %eq3A_330 : i32 to vector<16xi32>
      %eq3A_332 = arith.cmpi eq, %iota3A, %eq3A_331 : vector<16xi32>
      %get3A_333 = arith.index_cast %mul3A_327 : i32 to index
      %get3A_334 = tpu.vector_load %arg11[%get3A_333] {strides = array<i32>} : memref<8192xf32, #tpu.memory_space<vmem>>, vector<16xf32>,
      %get3A_335 = vector.shape_cast %get3A_334 : vector<16xf32> to vector<16xf32>
      %get3A_336 = arith.index_cast %mul3A_329 : i32 to index
      %get3A_337 = tpu.vector_load %arg12[%get3A_336] {strides = array<i32>} : memref<8192xf32, #tpu.memory_space<vmem>>, vector<16xf32>,
      %get3A_338 = vector.shape_cast %get3A_337 : vector<16xf32> to vector<16xf32>
      %max3A_339 = arith.maximumf %get3A_335, %get3A_338 : vector<16xf32>
      %select_n3A_340 = arith.select %eq3A_332, %max3A_339, %select_n3A_312 : vector<16xi1>, vector<16xf32>
      %get3A_341 = arith.index_cast %mul3A_327 : i32 to index
      %get3A_342 = tpu.vector_load %arg13[%get3A_341] {strides = array<i32>} : memref<8192xf32, #tpu.memory_space<vmem>>, vector<16xf32>,
      %get3A_343 = vector.shape_cast %get3A_342 : vector<16xf32> to vector<16xf32>
      %get3A_344 = arith.index_cast %mul3A_329 : i32 to index
      %get3A_345 = tpu.vector_load %arg14[%get3A_344] {strides = array<i32>} : memref<4096xf32, #tpu.memory_space<vmem>>, vector<16xf32>,
      %get3A_346 = vector.shape_cast %get3A_345 : vector<16xf32> to vector<16xf32>
      %add3A_347 = arith.addf %get3A_343, %get3A_346 : vector<16xf32>
      %select_n3A_348 = arith.select %eq3A_332, %add3A_347, %select_n3A_320 : vector<16xi1>, vector<16xf32>
      %mul3A_349 = arith.constant 16 : i32
      %mul3A_350 = arith.muli %scan3A_205, %mul3A_349 : i32
      %add3A_351 = arith.constant 5 : i32
      %add3A_352 = arith.addi %mul3A_350, %add3A_351 : i32
      %add3A_353 = arith.addi %mul3A_185, %add3A_352 : i32
      %mul3A_354 = arith.constant 16 : i32
      %mul3A_355 = arith.muli %add3A_353, %mul3A_354 : i32
      %mul3A_356 = arith.constant 16 : i32
      %mul3A_357 = arith.muli %add3A_352, %mul3A_356 : i32
      %eq3A_358 = arith.constant 5 : i32
      %eq3A_359 = vector.broadcast %eq3A_358 : i32 to vector<16xi32>
      %eq3A_360 = arith.cmpi eq, %iota3A, %eq3A_359 : vector<16xi32>
      %get3A_361 = arith.index_cast %mul3A_355 : i32 to index
      %get3A_362 = tpu.vector_load %arg11[%get3A_361] {strides = array<i32>} : memref<8192xf32, #tpu.memory_space<vmem>>, vector<16xf32>,
      %get3A_363 = vector.shape_cast %get3A_362 : vector<16xf32> to vector<16xf32>
      %get3A_364 = arith.index_cast %mul3A_357 : i32 to index
      %get3A_365 = tpu.vector_load %arg12[%get3A_364] {strides = array<i32>} : memref<8192xf32, #tpu.memory_space<vmem>>, vector<16xf32>,
      %get3A_366 = vector.shape_cast %get3A_365 : vector<16xf32> to vector<16xf32>
      %max3A_367 = arith.maximumf %get3A_363, %get3A_366 : vector<16xf32>
      %select_n3A_368 = arith.select %eq3A_360, %max3A_367, %select_n3A_340 : vector<16xi1>, vector<16xf32>
      %get3A_369 = arith.index_cast %mul3A_355 : i32 to index
      %get3A_370 = tpu.vector_load %arg13[%get3A_369] {strides = array<i32>} : memref<8192xf32, #tpu.memory_space<vmem>>, vector<16xf32>,
      %get3A_371 = vector.shape_cast %get3A_370 : vector<16xf32> to vector<16xf32>
      %get3A_372 = arith.index_cast %mul3A_357 : i32 to index
      %get3A_373 = tpu.vector_load %arg14[%get3A_372] {strides = array<i32>} : memref<4096xf32, #tpu.memory_space<vmem>>, vector<16xf32>,
      %get3A_374 = vector.shape_cast %get3A_373 : vector<16xf32> to vector<16xf32>
      %add3A_375 = arith.addf %get3A_371, %get3A_374 : vector<16xf32>
      %select_n3A_376 = arith.select %eq3A_360, %add3A_375, %select_n3A_348 : vector<16xi1>, vector<16xf32>
      %mul3A_377 = arith.constant 16 : i32
      %mul3A_378 = arith.muli %scan3A_205, %mul3A_377 : i32
      %add3A_379 = arith.constant 6 : i32
      %add3A_380 = arith.addi %mul3A_378, %add3A_379 : i32
      %add3A_381 = arith.addi %mul3A_185, %add3A_380 : i32
      %mul3A_382 = arith.constant 16 : i32
      %mul3A_383 = arith.muli %add3A_381, %mul3A_382 : i32
      %mul3A_384 = arith.constant 16 : i32
      %mul3A_385 = arith.muli %add3A_380, %mul3A_384 : i32
      %eq3A_386 = arith.constant 6 : i32
      %eq3A_387 = vector.broadcast %eq3A_386 : i32 to vector<16xi32>
      %eq3A_388 = arith.cmpi eq, %iota3A, %eq3A_387 : vector<16xi32>
      %get3A_389 = arith.index_cast %mul3A_383 : i32 to index
      %get3A_390 = tpu.vector_load %arg11[%get3A_389] {strides = array<i32>} : memref<8192xf32, #tpu.memory_space<vmem>>, vector<16xf32>,
      %get3A_391 = vector.shape_cast %get3A_390 : vector<16xf32> to vector<16xf32>
      %get3A_392 = arith.index_cast %mul3A_385 : i32 to index
      %get3A_393 = tpu.vector_load %arg12[%get3A_392] {strides = array<i32>} : memref<8192xf32, #tpu.memory_space<vmem>>, vector<16xf32>,
      %get3A_394 = vector.shape_cast %get3A_393 : vector<16xf32> to vector<16xf32>
      %max3A_395 = arith.maximumf %get3A_391, %get3A_394 : vector<16xf32>
      %select_n3A_396 = arith.select %eq3A_388, %max3A_395, %select_n3A_368 : vector<16xi1>, vector<16xf32>
      %get3A_397 = arith.index_cast %mul3A_383 : i32 to index
      %get3A_398 = tpu.vector_load %arg13[%get3A_397] {strides = array<i32>} : memref<8192xf32, #tpu.memory_space<vmem>>, vector<16xf32>,
      %get3A_399 = vector.shape_cast %get3A_398 : vector<16xf32> to vector<16xf32>
      %get3A_400 = arith.index_cast %mul3A_385 : i32 to index
      %get3A_401 = tpu.vector_load %arg14[%get3A_400] {strides = array<i32>} : memref<4096xf32, #tpu.memory_space<vmem>>, vector<16xf32>,
      %get3A_402 = vector.shape_cast %get3A_401 : vector<16xf32> to vector<16xf32>
      %add3A_403 = arith.addf %get3A_399, %get3A_402 : vector<16xf32>
      %select_n3A_404 = arith.select %eq3A_388, %add3A_403, %select_n3A_376 : vector<16xi1>, vector<16xf32>
      %mul3A_405 = arith.constant 16 : i32
      %mul3A_406 = arith.muli %scan3A_205, %mul3A_405 : i32
      %add3A_407 = arith.constant 7 : i32
      %add3A_408 = arith.addi %mul3A_406, %add3A_407 : i32
      %add3A_409 = arith.addi %mul3A_185, %add3A_408 : i32
      %mul3A_410 = arith.constant 16 : i32
      %mul3A_411 = arith.muli %add3A_409, %mul3A_410 : i32
      %mul3A_412 = arith.constant 16 : i32
      %mul3A_413 = arith.muli %add3A_408, %mul3A_412 : i32
      %eq3A_414 = arith.constant 7 : i32
      %eq3A_415 = vector.broadcast %eq3A_414 : i32 to vector<16xi32>
      %eq3A_416 = arith.cmpi eq, %iota3A, %eq3A_415 : vector<16xi32>
      %get3A_417 = arith.index_cast %mul3A_411 : i32 to index
      %get3A_418 = tpu.vector_load %arg11[%get3A_417] {strides = array<i32>} : memref<8192xf32, #tpu.memory_space<vmem>>, vector<16xf32>,
      %get3A_419 = vector.shape_cast %get3A_418 : vector<16xf32> to vector<16xf32>
      %get3A_420 = arith.index_cast %mul3A_413 : i32 to index
      %get3A_421 = tpu.vector_load %arg12[%get3A_420] {strides = array<i32>} : memref<8192xf32, #tpu.memory_space<vmem>>, vector<16xf32>,
      %get3A_422 = vector.shape_cast %get3A_421 : vector<16xf32> to vector<16xf32>
      %max3A_423 = arith.maximumf %get3A_419, %get3A_422 : vector<16xf32>
      %select_n3A_424 = arith.select %eq3A_416, %max3A_423, %select_n3A_396 : vector<16xi1>, vector<16xf32>
      %get3A_425 = arith.index_cast %mul3A_411 : i32 to index
      %get3A_426 = tpu.vector_load %arg13[%get3A_425] {strides = array<i32>} : memref<8192xf32, #tpu.memory_space<vmem>>, vector<16xf32>,
      %get3A_427 = vector.shape_cast %get3A_426 : vector<16xf32> to vector<16xf32>
      %get3A_428 = arith.index_cast %mul3A_413 : i32 to index
      %get3A_429 = tpu.vector_load %arg14[%get3A_428] {strides = array<i32>} : memref<4096xf32, #tpu.memory_space<vmem>>, vector<16xf32>,
      %get3A_430 = vector.shape_cast %get3A_429 : vector<16xf32> to vector<16xf32>
      %add3A_431 = arith.addf %get3A_427, %get3A_430 : vector<16xf32>
      %select_n3A_432 = arith.select %eq3A_416, %add3A_431, %select_n3A_404 : vector<16xi1>, vector<16xf32>
      %mul3A_433 = arith.constant 16 : i32
      %mul3A_434 = arith.muli %scan3A_205, %mul3A_433 : i32
      %add3A_435 = arith.constant 8 : i32
      %add3A_436 = arith.addi %mul3A_434, %add3A_435 : i32
      %add3A_437 = arith.addi %mul3A_185, %add3A_436 : i32
      %mul3A_438 = arith.constant 16 : i32
      %mul3A_439 = arith.muli %add3A_437, %mul3A_438 : i32
      %mul3A_440 = arith.constant 16 : i32
      %mul3A_441 = arith.muli %add3A_436, %mul3A_440 : i32
      %eq3A_442 = arith.constant 8 : i32
      %eq3A_443 = vector.broadcast %eq3A_442 : i32 to vector<16xi32>
      %eq3A_444 = arith.cmpi eq, %iota3A, %eq3A_443 : vector<16xi32>
      %get3A_445 = arith.index_cast %mul3A_439 : i32 to index
      %get3A_446 = tpu.vector_load %arg11[%get3A_445] {strides = array<i32>} : memref<8192xf32, #tpu.memory_space<vmem>>, vector<16xf32>,
      %get3A_447 = vector.shape_cast %get3A_446 : vector<16xf32> to vector<16xf32>
      %get3A_448 = arith.index_cast %mul3A_441 : i32 to index
      %get3A_449 = tpu.vector_load %arg12[%get3A_448] {strides = array<i32>} : memref<8192xf32, #tpu.memory_space<vmem>>, vector<16xf32>,
      %get3A_450 = vector.shape_cast %get3A_449 : vector<16xf32> to vector<16xf32>
      %max3A_451 = arith.maximumf %get3A_447, %get3A_450 : vector<16xf32>
      %select_n3A_452 = arith.select %eq3A_444, %max3A_451, %select_n3A_424 : vector<16xi1>, vector<16xf32>
      %get3A_453 = arith.index_cast %mul3A_439 : i32 to index
      %get3A_454 = tpu.vector_load %arg13[%get3A_453] {strides = array<i32>} : memref<8192xf32, #tpu.memory_space<vmem>>, vector<16xf32>,
      %get3A_455 = vector.shape_cast %get3A_454 : vector<16xf32> to vector<16xf32>
      %get3A_456 = arith.index_cast %mul3A_441 : i32 to index
      %get3A_457 = tpu.vector_load %arg14[%get3A_456] {strides = array<i32>} : memref<4096xf32, #tpu.memory_space<vmem>>, vector<16xf32>,
      %get3A_458 = vector.shape_cast %get3A_457 : vector<16xf32> to vector<16xf32>
      %add3A_459 = arith.addf %get3A_455, %get3A_458 : vector<16xf32>
      %select_n3A_460 = arith.select %eq3A_444, %add3A_459, %select_n3A_432 : vector<16xi1>, vector<16xf32>
      %mul3A_461 = arith.constant 16 : i32
      %mul3A_462 = arith.muli %scan3A_205, %mul3A_461 : i32
      %add3A_463 = arith.constant 9 : i32
      %add3A_464 = arith.addi %mul3A_462, %add3A_463 : i32
      %add3A_465 = arith.addi %mul3A_185, %add3A_464 : i32
      %mul3A_466 = arith.constant 16 : i32
      %mul3A_467 = arith.muli %add3A_465, %mul3A_466 : i32
      %mul3A_468 = arith.constant 16 : i32
      %mul3A_469 = arith.muli %add3A_464, %mul3A_468 : i32
      %eq3A_470 = arith.constant 9 : i32
      %eq3A_471 = vector.broadcast %eq3A_470 : i32 to vector<16xi32>
      %eq3A_472 = arith.cmpi eq, %iota3A, %eq3A_471 : vector<16xi32>
      %get3A_473 = arith.index_cast %mul3A_467 : i32 to index
      %get3A_474 = tpu.vector_load %arg11[%get3A_473] {strides = array<i32>} : memref<8192xf32, #tpu.memory_space<vmem>>, vector<16xf32>,
      %get3A_475 = vector.shape_cast %get3A_474 : vector<16xf32> to vector<16xf32>
      %get3A_476 = arith.index_cast %mul3A_469 : i32 to index
      %get3A_477 = tpu.vector_load %arg12[%get3A_476] {strides = array<i32>} : memref<8192xf32, #tpu.memory_space<vmem>>, vector<16xf32>,
      %get3A_478 = vector.shape_cast %get3A_477 : vector<16xf32> to vector<16xf32>
      %max3A_479 = arith.maximumf %get3A_475, %get3A_478 : vector<16xf32>
      %select_n3A_480 = arith.select %eq3A_472, %max3A_479, %select_n3A_452 : vector<16xi1>, vector<16xf32>
      %get3A_481 = arith.index_cast %mul3A_467 : i32 to index
      %get3A_482 = tpu.vector_load %arg13[%get3A_481] {strides = array<i32>} : memref<8192xf32, #tpu.memory_space<vmem>>, vector<16xf32>,
      %get3A_483 = vector.shape_cast %get3A_482 : vector<16xf32> to vector<16xf32>
      %get3A_484 = arith.index_cast %mul3A_469 : i32 to index
      %get3A_485 = tpu.vector_load %arg14[%get3A_484] {strides = array<i32>} : memref<4096xf32, #tpu.memory_space<vmem>>, vector<16xf32>,
      %get3A_486 = vector.shape_cast %get3A_485 : vector<16xf32> to vector<16xf32>
      %add3A_487 = arith.addf %get3A_483, %get3A_486 : vector<16xf32>
      %select_n3A_488 = arith.select %eq3A_472, %add3A_487, %select_n3A_460 : vector<16xi1>, vector<16xf32>
      %mul3A_489 = arith.constant 16 : i32
      %mul3A_490 = arith.muli %scan3A_205, %mul3A_489 : i32
      %add3A_491 = arith.constant 10 : i32
      %add3A_492 = arith.addi %mul3A_490, %add3A_491 : i32
      %add3A_493 = arith.addi %mul3A_185, %add3A_492 : i32
      %mul3A_494 = arith.constant 16 : i32
      %mul3A_495 = arith.muli %add3A_493, %mul3A_494 : i32
      %mul3A_496 = arith.constant 16 : i32
      %mul3A_497 = arith.muli %add3A_492, %mul3A_496 : i32
      %eq3A_498 = arith.constant 10 : i32
      %eq3A_499 = vector.broadcast %eq3A_498 : i32 to vector<16xi32>
      %eq3A_500 = arith.cmpi eq, %iota3A, %eq3A_499 : vector<16xi32>
      %get3A_501 = arith.index_cast %mul3A_495 : i32 to index
      %get3A_502 = tpu.vector_load %arg11[%get3A_501] {strides = array<i32>} : memref<8192xf32, #tpu.memory_space<vmem>>, vector<16xf32>,
      %get3A_503 = vector.shape_cast %get3A_502 : vector<16xf32> to vector<16xf32>
      %get3A_504 = arith.index_cast %mul3A_497 : i32 to index
      %get3A_505 = tpu.vector_load %arg12[%get3A_504] {strides = array<i32>} : memref<8192xf32, #tpu.memory_space<vmem>>, vector<16xf32>,
      %get3A_506 = vector.shape_cast %get3A_505 : vector<16xf32> to vector<16xf32>
      %max3A_507 = arith.maximumf %get3A_503, %get3A_506 : vector<16xf32>
      %select_n3A_508 = arith.select %eq3A_500, %max3A_507, %select_n3A_480 : vector<16xi1>, vector<16xf32>
      %get3A_509 = arith.index_cast %mul3A_495 : i32 to index
      %get3A_510 = tpu.vector_load %arg13[%get3A_509] {strides = array<i32>} : memref<8192xf32, #tpu.memory_space<vmem>>, vector<16xf32>,
      %get3A_511 = vector.shape_cast %get3A_510 : vector<16xf32> to vector<16xf32>
      %get3A_512 = arith.index_cast %mul3A_497 : i32 to index
      %get3A_513 = tpu.vector_load %arg14[%get3A_512] {strides = array<i32>} : memref<4096xf32, #tpu.memory_space<vmem>>, vector<16xf32>,
      %get3A_514 = vector.shape_cast %get3A_513 : vector<16xf32> to vector<16xf32>
      %add3A_515 = arith.addf %get3A_511, %get3A_514 : vector<16xf32>
      %select_n3A_516 = arith.select %eq3A_500, %add3A_515, %select_n3A_488 : vector<16xi1>, vector<16xf32>
      %mul3A_517 = arith.constant 16 : i32
      %mul3A_518 = arith.muli %scan3A_205, %mul3A_517 : i32
      %add3A_519 = arith.constant 11 : i32
      %add3A_520 = arith.addi %mul3A_518, %add3A_519 : i32
      %add3A_521 = arith.addi %mul3A_185, %add3A_520 : i32
      %mul3A_522 = arith.constant 16 : i32
      %mul3A_523 = arith.muli %add3A_521, %mul3A_522 : i32
      %mul3A_524 = arith.constant 16 : i32
      %mul3A_525 = arith.muli %add3A_520, %mul3A_524 : i32
      %eq3A_526 = arith.constant 11 : i32
      %eq3A_527 = vector.broadcast %eq3A_526 : i32 to vector<16xi32>
      %eq3A_528 = arith.cmpi eq, %iota3A, %eq3A_527 : vector<16xi32>
      %get3A_529 = arith.index_cast %mul3A_523 : i32 to index
      %get3A_530 = tpu.vector_load %arg11[%get3A_529] {strides = array<i32>} : memref<8192xf32, #tpu.memory_space<vmem>>, vector<16xf32>,
      %get3A_531 = vector.shape_cast %get3A_530 : vector<16xf32> to vector<16xf32>
      %get3A_532 = arith.index_cast %mul3A_525 : i32 to index
      %get3A_533 = tpu.vector_load %arg12[%get3A_532] {strides = array<i32>} : memref<8192xf32, #tpu.memory_space<vmem>>, vector<16xf32>,
      %get3A_534 = vector.shape_cast %get3A_533 : vector<16xf32> to vector<16xf32>
      %max3A_535 = arith.maximumf %get3A_531, %get3A_534 : vector<16xf32>
      %select_n3A_536 = arith.select %eq3A_528, %max3A_535, %select_n3A_508 : vector<16xi1>, vector<16xf32>
      %get3A_537 = arith.index_cast %mul3A_523 : i32 to index
      %get3A_538 = tpu.vector_load %arg13[%get3A_537] {strides = array<i32>} : memref<8192xf32, #tpu.memory_space<vmem>>, vector<16xf32>,
      %get3A_539 = vector.shape_cast %get3A_538 : vector<16xf32> to vector<16xf32>
      %get3A_540 = arith.index_cast %mul3A_525 : i32 to index
      %get3A_541 = tpu.vector_load %arg14[%get3A_540] {strides = array<i32>} : memref<4096xf32, #tpu.memory_space<vmem>>, vector<16xf32>,
      %get3A_542 = vector.shape_cast %get3A_541 : vector<16xf32> to vector<16xf32>
      %add3A_543 = arith.addf %get3A_539, %get3A_542 : vector<16xf32>
      %select_n3A_544 = arith.select %eq3A_528, %add3A_543, %select_n3A_516 : vector<16xi1>, vector<16xf32>
      %mul3A_545 = arith.constant 16 : i32
      %mul3A_546 = arith.muli %scan3A_205, %mul3A_545 : i32
      %add3A_547 = arith.constant 12 : i32
      %add3A_548 = arith.addi %mul3A_546, %add3A_547 : i32
      %add3A_549 = arith.addi %mul3A_185, %add3A_548 : i32
      %mul3A_550 = arith.constant 16 : i32
      %mul3A_551 = arith.muli %add3A_549, %mul3A_550 : i32
      %mul3A_552 = arith.constant 16 : i32
      %mul3A_553 = arith.muli %add3A_548, %mul3A_552 : i32
      %eq3A_554 = arith.constant 12 : i32
      %eq3A_555 = vector.broadcast %eq3A_554 : i32 to vector<16xi32>
      %eq3A_556 = arith.cmpi eq, %iota3A, %eq3A_555 : vector<16xi32>
      %get3A_557 = arith.index_cast %mul3A_551 : i32 to index
      %get3A_558 = tpu.vector_load %arg11[%get3A_557] {strides = array<i32>} : memref<8192xf32, #tpu.memory_space<vmem>>, vector<16xf32>,
      %get3A_559 = vector.shape_cast %get3A_558 : vector<16xf32> to vector<16xf32>
      %get3A_560 = arith.index_cast %mul3A_553 : i32 to index
      %get3A_561 = tpu.vector_load %arg12[%get3A_560] {strides = array<i32>} : memref<8192xf32, #tpu.memory_space<vmem>>, vector<16xf32>,
      %get3A_562 = vector.shape_cast %get3A_561 : vector<16xf32> to vector<16xf32>
      %max3A_563 = arith.maximumf %get3A_559, %get3A_562 : vector<16xf32>
      %select_n3A_564 = arith.select %eq3A_556, %max3A_563, %select_n3A_536 : vector<16xi1>, vector<16xf32>
      %get3A_565 = arith.index_cast %mul3A_551 : i32 to index
      %get3A_566 = tpu.vector_load %arg13[%get3A_565] {strides = array<i32>} : memref<8192xf32, #tpu.memory_space<vmem>>, vector<16xf32>,
      %get3A_567 = vector.shape_cast %get3A_566 : vector<16xf32> to vector<16xf32>
      %get3A_568 = arith.index_cast %mul3A_553 : i32 to index
      %get3A_569 = tpu.vector_load %arg14[%get3A_568] {strides = array<i32>} : memref<4096xf32, #tpu.memory_space<vmem>>, vector<16xf32>,
      %get3A_570 = vector.shape_cast %get3A_569 : vector<16xf32> to vector<16xf32>
      %add3A_571 = arith.addf %get3A_567, %get3A_570 : vector<16xf32>
      %select_n3A_572 = arith.select %eq3A_556, %add3A_571, %select_n3A_544 : vector<16xi1>, vector<16xf32>
      %mul3A_573 = arith.constant 16 : i32
      %mul3A_574 = arith.muli %scan3A_205, %mul3A_573 : i32
      %add3A_575 = arith.constant 13 : i32
      %add3A_576 = arith.addi %mul3A_574, %add3A_575 : i32
      %add3A_577 = arith.addi %mul3A_185, %add3A_576 : i32
      %mul3A_578 = arith.constant 16 : i32
      %mul3A_579 = arith.muli %add3A_577, %mul3A_578 : i32
      %mul3A_580 = arith.constant 16 : i32
      %mul3A_581 = arith.muli %add3A_576, %mul3A_580 : i32
      %eq3A_582 = arith.constant 13 : i32
      %eq3A_583 = vector.broadcast %eq3A_582 : i32 to vector<16xi32>
      %eq3A_584 = arith.cmpi eq, %iota3A, %eq3A_583 : vector<16xi32>
      %get3A_585 = arith.index_cast %mul3A_579 : i32 to index
      %get3A_586 = tpu.vector_load %arg11[%get3A_585] {strides = array<i32>} : memref<8192xf32, #tpu.memory_space<vmem>>, vector<16xf32>,
      %get3A_587 = vector.shape_cast %get3A_586 : vector<16xf32> to vector<16xf32>
      %get3A_588 = arith.index_cast %mul3A_581 : i32 to index
      %get3A_589 = tpu.vector_load %arg12[%get3A_588] {strides = array<i32>} : memref<8192xf32, #tpu.memory_space<vmem>>, vector<16xf32>,
      %get3A_590 = vector.shape_cast %get3A_589 : vector<16xf32> to vector<16xf32>
      %max3A_591 = arith.maximumf %get3A_587, %get3A_590 : vector<16xf32>
      %select_n3A_592 = arith.select %eq3A_584, %max3A_591, %select_n3A_564 : vector<16xi1>, vector<16xf32>
      %get3A_593 = arith.index_cast %mul3A_579 : i32 to index
      %get3A_594 = tpu.vector_load %arg13[%get3A_593] {strides = array<i32>} : memref<8192xf32, #tpu.memory_space<vmem>>, vector<16xf32>,
      %get3A_595 = vector.shape_cast %get3A_594 : vector<16xf32> to vector<16xf32>
      %get3A_596 = arith.index_cast %mul3A_581 : i32 to index
      %get3A_597 = tpu.vector_load %arg14[%get3A_596] {strides = array<i32>} : memref<4096xf32, #tpu.memory_space<vmem>>, vector<16xf32>,
      %get3A_598 = vector.shape_cast %get3A_597 : vector<16xf32> to vector<16xf32>
      %add3A_599 = arith.addf %get3A_595, %get3A_598 : vector<16xf32>
      %select_n3A_600 = arith.select %eq3A_584, %add3A_599, %select_n3A_572 : vector<16xi1>, vector<16xf32>
      %mul3A_601 = arith.constant 16 : i32
      %mul3A_602 = arith.muli %scan3A_205, %mul3A_601 : i32
      %add3A_603 = arith.constant 14 : i32
      %add3A_604 = arith.addi %mul3A_602, %add3A_603 : i32
      %add3A_605 = arith.addi %mul3A_185, %add3A_604 : i32
      %mul3A_606 = arith.constant 16 : i32
      %mul3A_607 = arith.muli %add3A_605, %mul3A_606 : i32
      %mul3A_608 = arith.constant 16 : i32
      %mul3A_609 = arith.muli %add3A_604, %mul3A_608 : i32
      %eq3A_610 = arith.constant 14 : i32
      %eq3A_611 = vector.broadcast %eq3A_610 : i32 to vector<16xi32>
      %eq3A_612 = arith.cmpi eq, %iota3A, %eq3A_611 : vector<16xi32>
      %get3A_613 = arith.index_cast %mul3A_607 : i32 to index
      %get3A_614 = tpu.vector_load %arg11[%get3A_613] {strides = array<i32>} : memref<8192xf32, #tpu.memory_space<vmem>>, vector<16xf32>,
      %get3A_615 = vector.shape_cast %get3A_614 : vector<16xf32> to vector<16xf32>
      %get3A_616 = arith.index_cast %mul3A_609 : i32 to index
      %get3A_617 = tpu.vector_load %arg12[%get3A_616] {strides = array<i32>} : memref<8192xf32, #tpu.memory_space<vmem>>, vector<16xf32>,
      %get3A_618 = vector.shape_cast %get3A_617 : vector<16xf32> to vector<16xf32>
      %max3A_619 = arith.maximumf %get3A_615, %get3A_618 : vector<16xf32>
      %select_n3A_620 = arith.select %eq3A_612, %max3A_619, %select_n3A_592 : vector<16xi1>, vector<16xf32>
      %get3A_621 = arith.index_cast %mul3A_607 : i32 to index
      %get3A_622 = tpu.vector_load %arg13[%get3A_621] {strides = array<i32>} : memref<8192xf32, #tpu.memory_space<vmem>>, vector<16xf32>,
      %get3A_623 = vector.shape_cast %get3A_622 : vector<16xf32> to vector<16xf32>
      %get3A_624 = arith.index_cast %mul3A_609 : i32 to index
      %get3A_625 = tpu.vector_load %arg14[%get3A_624] {strides = array<i32>} : memref<4096xf32, #tpu.memory_space<vmem>>, vector<16xf32>,
      %get3A_626 = vector.shape_cast %get3A_625 : vector<16xf32> to vector<16xf32>
      %add3A_627 = arith.addf %get3A_623, %get3A_626 : vector<16xf32>
      %select_n3A_628 = arith.select %eq3A_612, %add3A_627, %select_n3A_600 : vector<16xi1>, vector<16xf32>
      %mul3A_629 = arith.constant 16 : i32
      %mul3A_630 = arith.muli %scan3A_205, %mul3A_629 : i32
      %add3A_631 = arith.constant 15 : i32
      %add3A_632 = arith.addi %mul3A_630, %add3A_631 : i32
      %add3A_633 = arith.addi %mul3A_185, %add3A_632 : i32
      %mul3A_634 = arith.constant 16 : i32
      %mul3A_635 = arith.muli %add3A_633, %mul3A_634 : i32
      %mul3A_636 = arith.constant 16 : i32
      %mul3A_637 = arith.muli %add3A_632, %mul3A_636 : i32
      %eq3A_638 = arith.constant 15 : i32
      %eq3A_639 = vector.broadcast %eq3A_638 : i32 to vector<16xi32>
      %eq3A_640 = arith.cmpi eq, %iota3A, %eq3A_639 : vector<16xi32>
      %get3A_641 = arith.index_cast %mul3A_635 : i32 to index
      %get3A_642 = tpu.vector_load %arg11[%get3A_641] {strides = array<i32>} : memref<8192xf32, #tpu.memory_space<vmem>>, vector<16xf32>,
      %get3A_643 = vector.shape_cast %get3A_642 : vector<16xf32> to vector<16xf32>
      %get3A_644 = arith.index_cast %mul3A_637 : i32 to index
      %get3A_645 = tpu.vector_load %arg12[%get3A_644] {strides = array<i32>} : memref<8192xf32, #tpu.memory_space<vmem>>, vector<16xf32>,
      %get3A_646 = vector.shape_cast %get3A_645 : vector<16xf32> to vector<16xf32>
      %max3A_647 = arith.maximumf %get3A_643, %get3A_646 : vector<16xf32>
      %select_n3A_648 = arith.select %eq3A_640, %max3A_647, %select_n3A_620 : vector<16xi1>, vector<16xf32>
      %get3A_649 = arith.index_cast %mul3A_635 : i32 to index
      %get3A_650 = tpu.vector_load %arg13[%get3A_649] {strides = array<i32>} : memref<8192xf32, #tpu.memory_space<vmem>>, vector<16xf32>,
      %get3A_651 = vector.shape_cast %get3A_650 : vector<16xf32> to vector<16xf32>
      %get3A_652 = arith.index_cast %mul3A_637 : i32 to index
      %get3A_653 = tpu.vector_load %arg14[%get3A_652] {strides = array<i32>} : memref<4096xf32, #tpu.memory_space<vmem>>, vector<16xf32>,
      %get3A_654 = vector.shape_cast %get3A_653 : vector<16xf32> to vector<16xf32>
      %add3A_655 = arith.addf %get3A_651, %get3A_654 : vector<16xf32>
      %select_n3A_656 = arith.select %eq3A_640, %add3A_655, %select_n3A_628 : vector<16xi1>, vector<16xf32>
      %gt3A = arith.constant 0.000000e+00 : f32
      %gt3A_657 = vector.broadcast %gt3A : f32 to vector<16xf32>
      %gt3A_658 = arith.cmpf ogt, %select_n3A_656, %gt3A_657 : vector<16xf32>
      %jit3A_659 = arith.constant 0.000000e+00 : f32
      %broadcast_in_dim3A_660 = vector.broadcast %jit3A_659 : f32 to vector<16xf32>
      %select_n3A_661 = arith.select %gt3A_658, %select_n3A_648, %broadcast_in_dim3A_660 : vector<16xi1>, vector<16xf32>
      %mul3A_662 = arith.constant 16 : i32
      %mul3A_663 = arith.muli %scan3A_205, %mul3A_662 : i32
      %swap3A = arith.index_cast %mul3A_663 : i32 to index
      %swap3A_664 = tpu.vector_load %arg15[%swap3A] {strides = array<i32>} : memref<512xf32, #tpu.memory_space<vmem>>, vector<16xf32>,
      %swap3A_665 = vector.shape_cast %swap3A_664 : vector<16xf32> to vector<16xf32>
      %swap3A_666 = vector.shape_cast %select_n3A_661 : vector<16xf32> to vector<16xf32>
      tpu.vector_store %arg15[%swap3A], %swap3A_666 {strides = array<i32>} : memref<512xf32, #tpu.memory_space<vmem>>, vector<16xf32>,
      %scan3A_667 = arith.constant 0 : i32
      scf.yield %scan3A_667 : i32
    }
    %scan3A_192 = arith.constant 16 : i32
    "tpu.region"() ({
      %run_scoped3A = tpu.sem_alloc : memref<!tpu.dma_semaphore, #tpu.memory_space<semaphore_mem>>
      %dma_start3A_205 = arith.constant 0 : i32
      %dma_start3A_206 = tpu.memref_slice %arg15[%dma_start3A_205] : memref<512xf32, #tpu.memory_space<vmem>> -> memref<256xf32, #tpu.memory_space<vmem>>
      %dma_start3A_207 = tpu.memref_slice %arg6[%add3A_30, %mul3A_185] : memref<16x512xf32, #tpu.memory_space<hbm>> -> memref<1x256xf32, #tpu.memory_space<hbm>>
      %dma_start3A_208 = tpu.memref_squeeze %dma_start3A_207 : memref<1x256xf32, #tpu.memory_space<hbm>> -> memref<256xf32, #tpu.memory_space<hbm>>
      %dma_start3A_209 = tpu.memref_slice %arg6[%add3A_30, %mul3A_185] : memref<16x512xf32, #tpu.memory_space<hbm>> -> memref<1x256xf32, #tpu.memory_space<hbm>>
      %dma_start3A_210 = tpu.memref_squeeze %dma_start3A_209 : memref<1x256xf32, #tpu.memory_space<hbm>> -> memref<256xf32, #tpu.memory_space<hbm>>
      %dma_start3A_211 = arith.constant 0 : i32
      %dma_start3A_212 = tpu.memref_slice %arg15[%dma_start3A_211] : memref<512xf32, #tpu.memory_space<vmem>> -> memref<256xf32, #tpu.memory_space<vmem>>
      tpu.enqueue_dma source(%dma_start3A_212 : memref<256xf32, #tpu.memory_space<vmem>>) target(%dma_start3A_210 : memref<256xf32, #tpu.memory_space<hbm>>) target_semaphore(%run_scoped3A : memref<!tpu.dma_semaphore, #tpu.memory_space<semaphore_mem>>)
      %dma_wait3A_213 = arith.constant 0 : i32
      %dma_wait3A_214 = tpu.memref_slice %arg15[%dma_wait3A_213] : memref<512xf32, #tpu.memory_space<vmem>> -> memref<256xf32, #tpu.memory_space<vmem>>
      %dma_wait3A_215 = tpu.memref_slice %arg6[%add3A_30, %mul3A_185] : memref<16x512xf32, #tpu.memory_space<hbm>> -> memref<1x256xf32, #tpu.memory_space<hbm>>
      %dma_wait3A_216 = tpu.memref_squeeze %dma_wait3A_215 : memref<1x256xf32, #tpu.memory_space<hbm>> -> memref<256xf32, #tpu.memory_space<hbm>>
      %dma_wait3A_217 = tpu.memref_slice %arg6[%add3A_30, %mul3A_185] : memref<16x512xf32, #tpu.memory_space<hbm>> -> memref<1x256xf32, #tpu.memory_space<hbm>>
      %dma_wait3A_218 = tpu.memref_squeeze %dma_wait3A_217 : memref<1x256xf32, #tpu.memory_space<hbm>> -> memref<256xf32, #tpu.memory_space<hbm>>
      %dma_wait3A_219 = arith.constant 0 : i32
      %dma_wait3A_220 = tpu.memref_slice %arg15[%dma_wait3A_219] : memref<512xf32, #tpu.memory_space<vmem>> -> memref<256xf32, #tpu.memory_space<vmem>>
      tpu.wait_dma2 semaphore(%run_scoped3A : memref<!tpu.dma_semaphore, #tpu.memory_space<semaphore_mem>>) src(%dma_wait3A_220 : memref<256xf32, #tpu.memory_space<vmem>>) dst(%dma_wait3A_218 : memref<256xf32, #tpu.memory_space<hbm>>)
      tpu.yield
    }) : () -> ()
    %dma_wait3A_193 = arith.constant 0 : i32
    %dma_wait3A_194 = tpu.memref_slice %arg5[%add3A_30, %add3A_137, %dma_wait3A_193] : memref<16x512x128xf32, #tpu.memory_space<hbm>> -> memref<1x128x128xf32, #tpu.memory_space<hbm>>
    %dma_wait3A_195 = tpu.memref_squeeze %dma_wait3A_194 : memref<1x128x128xf32, #tpu.memory_space<hbm>> -> memref<128x128xf32, #tpu.memory_space<hbm>>
    %dma_wait3A_196 = arith.constant 0 : i32
    %dma_wait3A_197 = tpu.memref_slice %arg5[%add3A_30, %add3A_137, %dma_wait3A_196] : memref<16x512x128xf32, #tpu.memory_space<hbm>> -> memref<1x128x128xf32, #tpu.memory_space<hbm>>
    %dma_wait3A_198 = tpu.memref_squeeze %dma_wait3A_197 : memref<1x128x128xf32, #tpu.memory_space<hbm>> -> memref<128x128xf32, #tpu.memory_space<hbm>>
    tpu.wait_dma2 semaphore(%arg19 : memref<!tpu.dma_semaphore, #tpu.memory_space<semaphore_mem>>) src(%arg9 : memref<128x128xf32, #tpu.memory_space<vmem>>) dst(%dma_wait3A_198 : memref<128x128xf32, #tpu.memory_space<hbm>>)
    %dma_wait3A_199 = arith.constant 0 : i32
    %dma_wait3A_200 = tpu.memref_slice %arg5[%add3A_30, %add3A_156, %dma_wait3A_199] : memref<16x512x128xf32, #tpu.memory_space<hbm>> -> memref<1x128x128xf32, #tpu.memory_space<hbm>>
    %dma_wait3A_201 = tpu.memref_squeeze %dma_wait3A_200 : memref<1x128x128xf32, #tpu.memory_space<hbm>> -> memref<128x128xf32, #tpu.memory_space<hbm>>
    %dma_wait3A_202 = arith.constant 0 : i32
    %dma_wait3A_203 = tpu.memref_slice %arg5[%add3A_30, %add3A_156, %dma_wait3A_202] : memref<16x512x128xf32, #tpu.memory_space<hbm>> -> memref<1x128x128xf32, #tpu.memory_space<hbm>>
    %dma_wait3A_204 = tpu.memref_squeeze %dma_wait3A_203 : memref<1x128x128xf32, #tpu.memory_space<hbm>> -> memref<128x128xf32, #tpu.memory_space<hbm>>
    tpu.wait_dma2 semaphore(%arg20 : memref<!tpu.dma_semaphore, #tpu.memory_space<semaphore_mem>>) src(%arg10 : memref<128x128xf32, #tpu.memory_space<vmem>>) dst(%dma_wait3A_204 : memref<128x128xf32, #tpu.memory_space<hbm>>)
    return
  }
}

</mosaic_0001>

<sc_bundles>
// kernel: _tagop.3.cloned.1.call-start
scs
__scs_entry_jumppad:
0x0: {  	(pc) =	sbr.rel $0x88, $3  }
0x1: {  	(tag) =	ssettag $0x0;
	lr =	simm.s32 $0x1  }
0x2: {  	[smem:$0x3F9E] =	sst lr;
	_ =	strace $0xD0000000  }
0x3: {  	_ = 	snop  }
0x4: {  	_ = 	snop  }
0x5: {  	_ = 	snop  }
0x6: {  	_ = 	snop  }
0x7: {  	_ = 	snop  }
__scs_overlays_trampoline_lowered:
0x8: {  	[smem:$0x3FAD] =	sst s0  }
0x9: {  	[smem:$0x3FAE] =	sst s1  }
0xa: {  	[smem:$0x3FAF] =	sst s2  }
0xb: {  	[smem:$0x3FB0] =	sst s3  }
0xc: {  	[smem:$0x3FB1] =	sst s4  }
0xd: {  	[smem:$0x3FB2] =	sst s5  }
0xe: {  	[smem:$0x3FB3] =	sst s6  }
0xf: {  	[smem:$0x3FB4] =	sst s7  }
0x10: {  	[smem:$0x3FB5] =	sst s8  }
0x11: {  	[smem:$0x3FB6] =	sst s9;
	s0 =	simm.s32 @!p0 $0x0  }
0x12: {  	s1 =	sld [smem:$0x3F9C];
	s0 =	simm.s32 @p0 $0x1  }
0x13: {  	[smem:$0x3FB7] =	sst s0;
	s0 =	simm.s32 @!p1 $0x0  }
0x14: {  	s2 =	sld [smem:$0x3F9B];
	s0 =	simm.s32 @p1 $0x1  }
0x15: {  	[smem:$0x3FB8] =	sst s0;
	s0 =	simm.s32 @!p2 $0x0  }
0x16: {  	s3 =	sld [smem:$0x3FDB];
	s0 =	simm.s32 @p2 $0x1  }
0x17: {  	s4 =	simm.s32 $0x1BF5;
	[smem:$0x3FBA] =	sst s0  }
0x18: {  	s0 =	sld [smem:$0x3F9D];
	_ =	swait.ge [sflag:s4], $0x0  }
0x19: {  	s7 =	sld [smem:$0x3F9E]  }
0x1a: {  	s8 =	sadd.s32 $0xFFFFE003, lr  }
0x1b: {  	s9 =	sadd.s32 $0xFFFFFEF7, lr;
	s5 =	simm.s32 $0xFFFFFFFF;
	p2 =	slt.u32 s8, $0xFFFFF086  }
0x1c: {  	p1 =	slt.u32 s9, $0xF7A;
	s5 =	simm.s32 @!p2 $0x0  }
0x1d: {  	s5 =	simm.s32 @p1 $0x1;
	p0 =	seq.s32 s7, s2  }
0x1e: {  	s7 =	smul.u32 @!p0 $0xF7A, s2;
	p2 =	seq.s32 @!p0 s5, $0x0  }
0x1f: {  	s9 =	smul.u32 $0xF7A, s1;
	s8 =	simm.s32 @!p0 $0x1BF5;
	p2 =	por !p2, p0  }
0x20: {  	[sflag:s8] =	ssyncset.s32 @!p0 $0xFFFFF086;
	s6 =	sadd.s32 @!p0 s3, s7;
	s7 =	simm.s32 @!p0 $0x108  }
0x21: {  	s3 =	sadd.s32 s3, s9;
	s6 =	sadd.s32 @!p0 $0x88, s6;
	s7 =	simm.s32 @p2 $0x1082  }
0x22: {  	[simem:s7], [sflag:s8] =	dma.local @!p0 [hbm:s6], $0xF7A  }
0x23: {  	s9 =	sor.u32 $0xD0000000, s2;
	s6 =	simm.s32 $0x108;
	_ =	swait.ge @!p0 [sflag:s8], $0x0  }
0x24: {  	s3 =	sadd.s32 $0x88, s3;
	s6 =	simm.s32 @!p1 $0x1082;
	[sflag:s4] =	ssyncset.s32 $0xFFFFF086  }
0x25: {  	[simem:s6], [sflag:s4] =	dma.local [hbm:s3], $0xF7A  }
0x26: {  	[smem:$0x3F9E] =	sst s1;
	(tag) =	ssettag s2;
	_ =	strace s9  }
0x27: {  	s1 =	sld [smem:$0x3FAE]  }
0x28: {  	s2 =	sld [smem:$0x3FAF]  }
0x29: {  	s4 =	sld [smem:$0x3FB1]  }
0x2a: {  	p0 =	seq.s32 s5, $0x0;
	s5 =	sld [smem:$0x3FB2]  }
0x2b: {  	s6 =	sld [smem:$0x3FB3]  }
0x2c: {  	s7 =	sld [smem:$0x3FB4]  }
0x2d: {  	s3 =	simm.s32 $0x108;
	s8 =	sld [smem:$0x3FB5]  }
0x2e: {  	s3 =	simm.s32 @!p0 $0x1082;
	s9 =	sld [smem:$0x3FB6]  }
0x2f: {  	lr =	sadd.s32 s0, s3;
	s0 =	sld [smem:$0x3FAD]  }
0x30: {  	s3 =	sld [smem:$0x3FB0]  }
0x31: {  	[smem:$0x3FB9] =	sst s10  }
0x32: {  	s10 =	sld [smem:$0x3FB7];
	_ =	sdelay $0x3  }
0x33: {  	p0 =	seq.s32 s10, $0x1;
	s10 =	sld [smem:$0x3FB9];
	_ =	sdelay $0x3  }
0x34: {  	[smem:$0x3FB9] =	sst s10  }
0x35: {  	s10 =	sld [smem:$0x3FB8];
	_ =	sdelay $0x3  }
0x36: {  	p1 =	seq.s32 s10, $0x1;
	s10 =	sld [smem:$0x3FB9];
	_ =	sdelay $0x3  }
0x37: {  	[smem:$0x3FB9] =	sst s10  }
0x38: {  	s10 =	sld [smem:$0x3FBA]  }
0x39: {  	_ = 	snop;
	(pc) =	sbr.ind lr, $3  }
0x3a: {  	_ = 	snop  }
0x3b: {  	_ = 	snop  }
0x3c: {  	p2 =	seq.s32 s10, $0x1;
	s10 =	sld [smem:$0x3FB9]  }
0x3d: {  	_ =	shalt  }
0x3e: {  	_ =	shalt  }
0x3f: {  	_ =	shalt  }
0x40: {  	_ =	shalt  }
0x41: {  	_ =	shalt  }
0x42: {  	_ =	shalt  }
0x43: {  	_ =	shalt  }
0x44: {  	_ =	shalt  }
0x45: {  	_ =	shalt  }
0x46: {  	_ =	shalt  }
0x47: {  	_ =	shalt  }
0x48: {  	_ =	shalt  }
0x49: {  	_ =	shalt  }
0x4a: {  	_ =	shalt  }
0x4b: {  	_ =	shalt  }
0x4c: {  	_ =	shalt  }
0x4d: {  	_ =	shalt  }
0x4e: {  	_ =	shalt  }
0x4f: {  	_ =	shalt  }
0x50: {  	_ =	shalt  }
0x51: {  	_ =	shalt  }
0x52: {  	_ =	shalt  }
0x53: {  	_ =	shalt  }
0x54: {  	_ =	shalt  }
0x55: {  	_ =	shalt  }
0x56: {  	_ =	shalt  }
0x57: {  	_ =	shalt  }
0x58: {  	_ =	shalt  }
0x59: {  	_ =	shalt  }
0x5a: {  	_ =	shalt  }
0x5b: {  	_ =	shalt  }
0x5c: {  	_ =	shalt  }
0x5d: {  	_ =	shalt  }
0x5e: {  	_ =	shalt  }
0x5f: {  	_ =	shalt  }
0x60: {  	_ =	shalt  }
0x61: {  	_ =	shalt  }
0x62: {  	_ =	shalt  }
0x63: {  	_ =	shalt  }
0x64: {  	_ =	shalt  }
0x65: {  	_ =	shalt  }
0x66: {  	_ =	shalt  }
0x67: {  	_ =	shalt  }
0x68: {  	_ =	shalt  }
0x69: {  	_ =	shalt  }
0x6a: {  	_ =	shalt  }
0x6b: {  	_ =	shalt  }
0x6c: {  	_ =	shalt  }
0x6d: {  	_ =	shalt  }
0x6e: {  	_ =	shalt  }
0x6f: {  	_ =	shalt  }
0x70: {  	_ =	shalt  }
0x71: {  	_ =	shalt  }
0x72: {  	_ =	shalt  }
0x73: {  	_ =	shalt  }
0x74: {  	_ =	shalt  }
0x75: {  	_ =	shalt  }
0x76: {  	_ =	shalt  }
0x77: {  	_ =	shalt  }
0x78: {  	_ =	shalt  }
0x79: {  	_ =	shalt  }
0x7a: {  	_ =	shalt  }
0x7b: {  	_ =	shalt  }
0x7c: {  	_ =	shalt  }
0x7d: {  	_ =	shalt  }
0x7e: {  	_ =	shalt  }
0x7f: {  	_ =	shalt  }
0x80: {  	_ =	shalt  }
0x81: {  	_ =	shalt  }
0x82: {  	_ =	shalt  }
0x83: {  	_ =	shalt  }
0x84: {  	_ =	shalt  }
0x85: {  	_ =	shalt  }
0x86: {  	_ =	shalt  }
0x87: {  	_ =	shalt  }
.Lfunc_end0:
.L_simem_size_0:
called_computation_lowered:
.L_overlay_start_0:
0x88: {  	s2 =	sld [smem:$0x3FD9]  }
0x89: {  	s3 =	sld [smem:$0x3FFE];
	_ =	sdelay $0x1  }
0x8a: {  	s1 =	srdreg.scid  }
0x8b: {  	s0 =	sand.u32 $0x1, s1  }
0x8c: {  	s14 =	sshll.u32 s0, $0xA;
	s2 =	sadd.s32 s3, s2  }
0x8d: {  	s2 =	sadd.s32 s2, s14  }
0x8e: {  	[smem:$0x3FC5] =	sst s2  }
0x8f: {  	_ = 	snop  }
0x90: {  	s2 =	sld [smem:$0x3FD0];
	_ =	sdelay $0x1  }
0x91: {  	s15 =	sld [smem:$0x3FC9]  }
0x92: {  	s5 =	simm.s32 $0xA;
	s6 =	simm.s32 $0x10;
	s4 =	sld [smem:$0x3FC8]  }
0x93: {  	[smem:s6], [sflag:s5] =	dma.local [hbm:s2], $0x1  }
0x94: {  	_ =	swait.eq [sflag:s5], $0x1  }
0x95: {  	[sflag:s5] =	ssyncset.done $0x0  }
0x96: {  	s16 =	sld [smem:$0x10];
	[sflag:s5] =	ssyncadd.s32 $0xFFFFFFFF  }
0x97: {  	s17 =	sld [smem:$0x11];
	(tm) =	ssettm $0x1  }
0x98: {  	s18 =	sld [smem:$0x3FFB];
	_ =	sdelay $0x3  }
0x99: {  	_ =	strace s18  }
0x9a: {  	s6 =	sld [smem:$0x3FFC];
	_ =	sdelay $0x3  }
0x9b: {  	_ =	strace s6  }
0x9c: {  	s6 =	sld [smem:$0x3FFD];
	_ =	sdelay $0x3  }
0x9d: {  	_ =	strace s6  }
0x9e: {  	_ =	strace $0x8FFFFFFF  }
0x9f: {  	s19 =	sld [smem:$0x3FDB];
	_ =	sdelay $0x1  }
0xa0: {  	s7 =	simm.s32 $_scs_section_size  }
0xa1: {  	s8 =	simm.s32 $_size__tile_overlayer_lowered;
	s9 =	simm.s32 $_tile_overlayer_lowered  }
0xa2: {  	s22 =	simm.s32 $0x1BFF;
	s21 =	sshll.u32 s9, $0x1;
	s6 =	sadd.s32 s7, s19  }
0xa3: {  	s10 =	simm.s32 $0x0;
	s20 =	sshll.u32 s8, $0x1;
	s8 =	sadd.s32 s21, s6  }
0xa4: {  	[timem:s10], [sflag:s22] =	dma.local [hbm:s8], s20  }
0xa5: {  	_ =	swait.ge [sflag:s22], s20  }
0xa6: {  	s7 =	ssub.s32 $0x0, s20;
	[sflag:s22] =	ssyncset.done $0x0  }
0xa7: {  	[sflag:s22] =	ssyncadd.s32 s7;
	_ =	sdelay $0x1  }
0xa8: {  	s23 =	simm.s32 $0x1B8B  }
0xa9: {  	_ =	swait.ge [sflag:s23], $0x1  }
0xaa: {  	[sflag:s23] =	ssyncset.done $0x0  }
0xab: {  	s25 =	simm.s32 $0x1B8E;
	s24 =	sld [smem:$0x3FFE];
	[sflag:s23] =	ssyncadd.s32 $0xFFFFFFFF  }
0xac: {  	s26 =	simm.s32 $execute0_lowered;
	[smem:$0x3FD2] =	sst s25  }
0xad: {  	s8 =	sshll.u32 s26, $0x1;
	_ =	strace $0x80000046;
	[dreg:$0x1] =	wrdreg $0xFFFFFFFF  }
0xae: {  	s28 =	simm.s32 $_size_execute0_lowered;
	s6 =	sadd.s32 s6, s8;
	[dreg:$0x0] =	wrdreg $0x0  }
0xaf: {  	s8 =	sshll.u32 s28, $0x1;
	[dreg:$0x2] =	wrdreg s6  }
0xb0: {  	[dreg:$0x3] =	wrdreg s8  }
0xb1: {  	[dreg:$0x4] =	wrdreg $0xC0  }
0xb2: {  	_ =	task [dreg:s10], $0x5FFFF  }
0xb3: {  	[dreg:$0x1] =	wrdreg $0xFFFFFFFF  }
0xb4: {  	[dreg:$0x0] =	wrdreg $0x60  }
0xb5: {  	[dreg:$0x2] =	wrdreg s15  }
0xb6: {  	[dreg:$0x3] =	wrdreg s4  }
0xb7: {  	[dreg:$0x4] =	wrdreg s24  }
0xb8: {  	[dreg:$0x5] =	wrdreg s16  }
0xb9: {  	[dreg:$0x6] =	wrdreg s17  }
0xba: {  	[dreg:$0x7] =	wrdreg $0xFA000  }
0xbb: {  	[dreg:$0x8] =	wrdreg $0x17A000  }
0xbc: {  	[dreg:$0x9] =	wrdreg $0x18A000  }
0xbd: {  	[dreg:$0xa] =	wrdreg $0x9  }
0xbe: {  	_ =	task.clear_ibuf [dreg:s10], $0xBFFFF;
	_ =	strace $0x90000046  }
0xbf: {  	s29 =	simm.s32 $0x9;
	_ =	strace $0x80000048  }
0xc0: {  	_ =	swait.ge [sflag:s29], $0x1  }
0xc1: {  	[sflag:s29] =	ssyncadd.s32 $0xFFFFFFFF  }
0xc2: {  	_ =	strace $0x90000048  }
0xc3: {  	_ =	sfence  }
0xc4: {  	s30 =	sld [smem:$0x0];
	_ =	sdelay $0x2  }
0xc5: {  	s31 =	sshll.u32 s1, $0xD;
	s1 =	sshrl.u32 s1, $0x2  }
0xc6: {  	s3 =	sand.u32 $0x4000, s31;
	s1 =	sadd.s32 s1, s30  }
0xc7: {  	s0 =	sor.u32 s3, s0;
	s1 =	sshll.u32 s1, $0x11  }
0xc8: {  	s0 =	sor.u32 s1, s0  }
0xc9: {  	s0 =	sadd.s32 $0x8F2B, s0  }
0xca: {  	[sflag:s0] =	ssyncadd.remote.s32 $0x1  }
0xcb: {  	_ =	sfence.sel $0xFFFF  }
0xcc: {  	[dreg:$0x0] =	wrdreg $0xFFFFFFFF;
	(pc) =	sbr.abs _section_cstart, $3  }
0xcd: {  	[dreg:$0x1] =	wrdreg $0xFFFFFFFF  }
0xce: {  	_ =	task.clear_ibuf [dreg:s10], $0x2FFFF;
	_ =	strace $0x9FFFFFFF  }
0xcf: {  	(tm) =	ssettm $0x7FFFFFFF  }
tec
execute0_lowered:
.L_overlay_start_1:
0x0: {  	(tag) =	ssettag $0x1  }
0x1: {  	s0 =	rddreg [dreg:$0x0]  }
0x2: {  	s5 =	rddreg [dreg:$0x1]  }
0x3: {  	s4 =	rddreg [dreg:$0x2]  }
0x4: {  	s3 =	rddreg [dreg:$0x3]  }
0x5: {  	s1 =	rddreg [dreg:$0x4]  }
0x6: {  	s2 =	rddreg [dreg:$0x5]  }
0x7: {  	s7 =	rddreg [dreg:$0x6]  }
0x8: {  	s8 =	rddreg [dreg:$0x7];
	s9 =	simm.s32 $0x0  }
0x9: {  	s19 =	stileid.u32;
	s6 =	srdreg.scid;
	s28 =	simm.s32 $0x800  }
0xa: {  	s29 =	simm.s32 $0x2;
	s30 =	simm.s32 $0x3;
	s31 =	simm.s32 $0x1  }
0xb: {  	[smem:$0x7FF] =	sst s9;
	s12 =	sand.u32 $0x1, s19;
	s13 =	sand.u32 $0x1, s6  }
0xc: {  	s11 =	sshrl.u32 s19, $0x1;
	_ =	strace $0x80000047;
	s23 =	sshll.u32 s12, $0x7  }
0xd: {  	s24 =	ssub.s32 $0x2, s13;
	s14 =	sshll.u32 s13, $0x3;
	s26 =	sshll.u32 s13, $0xE  }
0xe: {  	s15 =	sshll.u32 s12, $0xD;
	s16 =	sshll.u32 s11, $0x7;
	s20 =	sshll.u32 s12, $0x11  }
0xf: {  	s21 =	sshll.u32 s11, $0x10;
	s10 =	sshrl.u32 s24, $0x1;
	s14 =	sor.u32 s11, s14  }
0x10: {  	s6 =	sadd.s32 s23, s4;
	s4 =	ssub.s32 s24, s10;
	s25 =	sshll.u32 s14, $0x8  }
0x11: {  	s10 =	sor.u32 s26, s15;
	s15 =	sshll.u32 s11, $0x9;
	s18 =	sshll.u32 s14, $0x12  }
0x12: {  	s24 =	sshll.u32 s12, $0x1;
	s6 =	sadd.s32 s25, s6;
	s17 =	sor.u32 s16, s10  }
0x13: {  	s6 =	sadd.s32 $0x600, s6;
	s9 =	sshrl.u32 s17, $0x3;
	s17 =	sshll.u32 s12, $0xF  }
0x14: {  	[dreg:$0x9] =	wrdreg s6;
	s6 =	sor.u32 s20, s18;
	s5 =	sadd.s32 s5, s9  }
0x15: {  	s23 =	sor.u32 s21, s17;
	s18 =	sshll.u32 s19, $0xC;
	s22 =	sshrl.u32 s6, $0x3  }
0x16: {  	s20 =	sshll.u32 s13, $0xC;
	[dreg:$0xa] =	wrdreg s5;
	s5 =	sadd.s32 s0, s22  }
0x17: {  	[dreg:$0xb] =	wrdreg s5;
	s5 =	ssub.s32 s19, s24;
	s19 =	sshll.u32 s19, $0x7  }
0x18: {  	s9 =	sadd.s32 s23, s2;
	s5 =	sadd.s32 $0x1, s5;
	s18 =	sor.u32 s19, s18  }
0x19: {  	s11 =	sor.u32 $0x8000, s6;
	s25 =	sshll.u32 s5, $0xC;
	s18 =	sand.u32 $0x8380, s18  }
0x1a: {  	s5 =	sshll.u32 s5, $0x7;
	s19 =	sand.u32 $0xFFFF8000, s25;
	s26 =	sadd.s32 s18, s7  }
0x1b: {  	s5 =	sand.u32 $0x380, s5;
	s18 =	sadd.s32 s18, s8;
	[dreg:$0xc] =	wrdreg s26  }
0x1c: {  	s10 =	sadd.s32 $0x4000, s9;
	s5 =	sor.u32 s5, s19;
	[dreg:$0xd] =	wrdreg s18  }
0x1d: {  	s18 =	sshll.u32 s12, $0xC;
	s19 =	sshll.u32 s14, $0x10;
	s12 =	sshll.u32 s12, $0xB  }
0x1e: {  	s8 =	sadd.s32 s5, s8;
	s5 =	sadd.s32 s5, s7;
	s7 =	sor.u32 s17, s19  }
0x1f: {  	s21 =	sxor.u32 $0x1000, s18;
	s25 =	sor.u32 $0xC800, s18;
	[dreg:$0xe] =	wrdreg s8  }
0x20: {  	s26 =	sor.u32 $0x8800, s18;
	[dreg:$0xf] =	wrdreg s5;
	s8 =	sor.u32 s20, s12  }
0x21: {  	v1 =	vimm.f32 $0.0e+00;
	v2 =	vimm.f32 $-Inf;
	v3 =	vimm.f32 $1.000000000e+00;
	s22 =	sor.u32 $0x8800, s21;
	s23 =	sor.u32 $0x4000, s7;
	s13 =	sor.u32 $0xC800, s21  }
0x22: {  	vm0 =	vmmov $0x1;
	vm1 =	vmmov $0x3;
	s7 =	sshrl.u32 s7, $0x3;
	s21 =	smax.u32 s4, $0x1;
	v4 =	vmov s25;
	s25 =	simm.s32 $0x400  }
0x23: {  	vm2 =	vmmov $0x7;
	vm3 =	vmmov $0xf;
	v5 =	vmov s26;
	s26 =	simm.s32 $0x4800;
	[dreg:$0x10] =	wrdreg s22;
	s8 =	sor.u32 s16, s8  }
0x24: {  	vm4 =	vmmov $0x1f;
	vm5 =	vmmov $0x3f;
	vm6 =	vmmov $0x7f;
	[dreg:$0x11] =	wrdreg s13;
	s12 =	sshrl.u32 s23, $0x3;
	s7 =	sadd.s32 s3, s7  }
0x25: {  	vm7 =	vmmov $0xff;
	vm8 =	vmmov $0x1ff;
	vm9 =	vmmov $0x3ff;
	s22 =	sadd.s32 $0xD000, s18;
	s23 =	simm.s32 $0x5;
	[dreg:$0x12] =	wrdreg s7  }
0x26: {  	vm10 =	vmmov $0x7ff;
	vm11 =	vmmov $0xfff;
	vm12 =	vmmov $0x1fff;
	s19 =	sadd.s32 s3, s12;
	s24 =	sshrl.u32 s8, $0x3;
	s3 =	simm.s32 $0x0  }
0x27: {  	vm13 =	vmmov $0x3fff;
	vm14 =	vmmov $0x7fff;
	v0 =	vmov s15;
	s20 =	sadd.s32 s1, s24;
	s24 =	simm.s32 $0x80;
	s1 =	simm.s32 $0x4  }
.LBB2_1:
0x28: {  	s4 =	simm.s32 $0x0;
	s5 =	rddreg [dreg:$0x9]  }
0x29: {  	[tilespmem:s4], [sflag:$0x5] =	stream.linear.gather [hbm4b:s5+s4], $0x400, $0x38;
	[tilespmem:$0x19A00] =	vst v63  }
0x2a: {  	_ =	swait.ge [sflag:s23], $0x400  }
0x2b: {  	[sflag:s23] =	ssyncset.done $0x0  }
0x2c: {  	s17 =	rddreg [dreg:$0xa];
	[sflag:s23] =	ssyncadd.s32 $0xFFFFFC00  }
0x2d: {  	[tilespmem:s25], [sflag:$0x5] =	stream.strided.gather [hbm4b:s17+s24], $0x400, s25, s24, $0x38;
	[tilespmem:$0x19A00] =	vst v63  }
0x2e: {  	_ =	swait.ge [sflag:s23], $0x400  }
0x2f: {  	[sflag:s23] =	ssyncset.done $0x0  }
0x30: {  	s18 =	rddreg [dreg:$0xb];
	[sflag:s23] =	ssyncadd.s32 $0xFFFFFC00  }
0x31: {  	[tilespmem:s26], [sflag:$0x2] =	stream.linear.gather [hbm4b:s18+s4], $0x4000, $0x38;
	[tilespmem:$0x19A00] =	vst v63  }
0x32: {  	s5 =	simm.s32 $0x200;
	s4 =	simm.s32 $0x0  }
.LBB2_2:
0x33: {  	p0 =	sne.s32 s5, $0xFE00;
	[tilespmem:s4+$0x870] =	vst v1  }
0x34: {  	[tilespmem:s4+$0x800] =	vst v1  }
0x35: {  	[tilespmem:s4+$0x810] =	vst v1  }
.Ltmp0:
0x36: {  	[tilespmem:s4+$0x820] =	vst v1;
	(pc) =	sbr.rel @p0 .LBB2_2-.Ltmp0, $4  }
0x37: {  	[tilespmem:s4+$0x830] =	vst v1  }
0x38: {  	[tilespmem:s4+$0x840] =	vst v1  }
0x39: {  	[tilespmem:s4+$0x850] =	vst v1  }
0x3a: {  	[tilespmem:s4+$0x860] =	vst v1;
	s4 =	sshra.s32 s5, $0x2;
	s5 =	sadd.s32 $0x200, s5  }
0x3b: {  	[tilespmem:s4+$0x870] =	vst v1  }
0x3c: {  	[tilespmem:s4+$0x800] =	vst v1  }
0x3d: {  	[tilespmem:s4+$0x810] =	vst v1  }
0x3e: {  	[tilespmem:s4+$0x820] =	vst v1  }
0x3f: {  	[tilespmem:s4+$0x830] =	vst v1  }
0x40: {  	[tilespmem:s4+$0x840] =	vst v1  }
0x41: {  	[tilespmem:s4+$0x850] =	vst v1  }
0x42: {  	[tilespmem:s4+$0x860] =	vst v1  }
0x43: {  	[spmem:s9] =	stream.linear.scatter [tilespmem:s28], [sflag:$0x5], $0x4000, $0x38;
	[tilespmem:$0x19A00] =	vst v63  }
0x44: {  	_ =	swait.ge [sflag:s23], $0x4000  }
0x45: {  	[sflag:s23] =	ssyncset.done $0x0  }
0x46: {  	[sflag:s23] =	ssyncadd.s32 $0xFFFFC000  }
0x47: {  	[spmem:s10] =	stream.linear.scatter [tilespmem:s28], [sflag:$0x5], $0x4000, $0x38;
	[tilespmem:$0x19A00] =	vst v63  }
0x48: {  	_ =	swait.ge [sflag:s23], $0x4000  }
0x49: {  	[sflag:s23] =	ssyncset.done $0x0  }
0x4a: {  	s4 =	simm.s32 $0x0;
	[sflag:s23] =	ssyncadd.s32 $0xFFFFC000  }
0x4b: {  	v8 =	vld [tilespmem:s4+$0x0]  }
0x4c: {  	v10 =	vld [tilespmem:s4+$0x10]  }
0x4d: {  	v9 =	vld [tilespmem:s4+$0x20]  }
0x4e: {  	v7 =	vld [tilespmem:s4+$0x30]  }
0x4f: {  	v6 =	vld [tilespmem:s4+$0x40]  }
0x50: {  	v11 =	vadd.s32 v0, v8;
	v8 =	vld [tilespmem:s4+$0x50]  }
0x51: {  	s5 =	simm.s32 $0x200;
	[tilespmem:s4+$0x0] =	vst v11;
	v11 =	vadd.s32 v0, v10;
	v10 =	vld [tilespmem:s4+$0x60]  }
.LBB2_4:
0x52: {  	s7 =	sshra.s32 s5, $0x2;
	p0 =	sne.s32 s5, $0xE00;
	[tilespmem:s4+$0x10] =	vst v11;
	v9 =	vadd.s32 v0, v9;
	v11 =	vld [tilespmem:s4+$0x70]  }
0x53: {  	v12 =	vld [tilespmem:s7+$0x0];
	[tilespmem:s4+$0x20] =	vst v9;
	v7 =	vadd.s32 v0, v7  }
0x54: {  	v13 =	vld [tilespmem:s7+$0x10];
	[tilespmem:s4+$0x30] =	vst v7;
	v6 =	vadd.s32 v0, v6  }
.Ltmp1:
0x55: {  	v9 =	vld [tilespmem:s7+$0x20];
	[tilespmem:s4+$0x40] =	vst v6;
	v6 =	vadd.s32 v0, v8;
	(pc) =	sbr.rel @p0 .LBB2_4-.Ltmp1, $4  }
0x56: {  	v7 =	vld [tilespmem:s7+$0x30];
	[tilespmem:s4+$0x50] =	vst v6;
	v8 =	vadd.s32 v0, v10  }
0x57: {  	v6 =	vld [tilespmem:s7+$0x40];
	[tilespmem:s4+$0x60] =	vst v8;
	v10 =	vadd.s32 v0, v11  }
0x58: {  	v11 =	vadd.s32 v0, v12;
	v8 =	vld [tilespmem:s7+$0x50];
	[tilespmem:s4+$0x70] =	vst v10;
	s4 =	smov.u32 s7  }
0x59: {  	s5 =	sadd.s32 $0x200, s5;
	[tilespmem:s4+$0x0] =	vst v11;
	v11 =	vadd.s32 v0, v13;
	v10 =	vld [tilespmem:s4+$0x60]  }
0x5a: {  	[tilespmem:s4+$0x10] =	vst v11;
	v9 =	vadd.s32 v0, v9;
	v63 =	vld [tilespmem:s4+$0x70]  }
0x5b: {  	[tilespmem:s4+$0x20] =	vst v9;
	v7 =	vadd.s32 v0, v7  }
0x5c: {  	[tilespmem:s4+$0x30] =	vst v7;
	v6 =	vadd.s32 v0, v6  }
0x5d: {  	[tilespmem:s4+$0x40] =	vst v6;
	v6 =	vadd.s32 v0, v8  }
0x5e: {  	[tilespmem:s4+$0x50] =	vst v6;
	v6 =	vadd.s32 v0, v10  }
0x5f: {  	[tilespmem:s4+$0x60] =	vst v6;
	v6 =	vadd.s32 v0, v63  }
0x60: {  	s5 =	simm.s32 $0x0;
	[tilespmem:s4+$0x70] =	vst v6;
	s4 =	simm.s32 $0x40  }
.LBB2_6:
0x61: {  	p0 =	sne.s32 s4, $0x7FC0;
	[tilespmem:s5+$0xC800] =	vst v1;
	s7 =	smov.u32 s4;
	s4 =	sadd.s32 $0x40, s4  }
.Ltmp2:
0x62: {  	[tilespmem:s5+$0x8800] =	vst v2;
	(pc) =	sbr.rel @p0 .LBB2_6-.Ltmp2, $2  }
0x63: {  	[tilespmem:s5+$0xA800] =	vst v2;
	_ =	sdelay $0x2  }
0x64: {  	s5 =	sshra.s32 s7, $0x2  }
0x65: {  	[tilespmem:s5+$0xC800] =	vst v1  }
0x66: {  	[tilespmem:s5+$0x8800] =	vst v2;
	s4 =	simm.s32 $0x0  }
0x67: {  	[tilespmem:s5+$0xA800] =	vst v2;
	s5 =	simm.s32 $0x400;
	s7 =	simm.s32 $0x480;
	s8 =	simm.s32 $0x80  }
0x68: {  	s12 =	simm.s32 $0x0;
	s13 =	simm.s32 $0x0;
	[bflag:$0x0] =	sbarrier.arrive $0xFFFF  }
.LBB2_8:
0x69: {  	s14 =	sshllo.u32 s13, $0x1  }
0x6a: {  	s15 =	sshll.u32 s14, $0xE  }
0x6b: {  	_ =	swait.ge [sflag:s29], $0x4000;
	s15 =	sadd.s32 s6, s15  }
0x6c: {  	v6 =	vmov s12;
	[sflag:s29] =	ssyncset.done $0x0;
	s15 =	sshrl.u32 s15, $0x3  }
0x6d: {  	s17 =	sshll.u32 s13, $0xA;
	[sflag:s29] =	ssyncadd.s32 $0xFFFFC000;
	s15 =	sadd.s32 s0, s15  }
0x6e: {  	[tilespmem:s28], [sflag:$0x1] =	stream.linear.gather [hbm4b:s15+s4], $0x4000, $0x38;
	[tilespmem:$0x19A00] =	vst v63  }
0x6f: {  	s18 =	simm.s32 $0x0;
	s15 =	sshra.s32 s17, $0x2  }
0x70: {  	[spmem:s2] =	stream.indirect.scatter.add.f32 [tilespmem:s26], [sflag:$0x3], $0x80, s15, s24, $0xb8;
	[tilespmem:$0x19A00] =	vst v63  }
0x71: {  	v7 =	vld.idx.msk [tilespmem:v6+s18+$0x0 ss:$0x1], $0xffff;
	_ =	sdelay $0x4  }
0x72: {  	v7 =	vsub.s32 v7, v0  }
0x73: {  	v8 =	vshll.u32 v7, $0x4  }
0x74: {  	(v2sf) =	vpush v8, $0x0;
	_ =	sdelay $0x6  }
0x75: {  	(v2sf) =	vpush v8, $0x1;
	_ =	sdelay $0x1  }
0x76: {  	v7 =	vmov s5;
	_ =	sdelay $0x4  }
0x77: {  	(v2sf) =	vpush v8, $0x2;
	v9 =	vld.idx.msk [tilespmem:v7+s18+$0x0 ss:$0x1], $0xffff  }
0x78: {  	s16 =	spop (v2sf)  }
0x79: {  	v10 =	vld [tilespmem:s16+$0x8800];
	_ =	sdelay $0x2  }
0x7a: {  	v11 =	vbroadcast v9, $0x0;
	_ =	sdelay $0x1  }
0x7b: {  	(v2sf) =	vpush v8, $0x3;
	[tilespmem:s16+$0xC800] =	vst.add.f32.msk $0xffff, v3;
	v10 =	vmax.f32 v10, v11  }
0x7c: {  	s17 =	spop (v2sf);
	[tilespmem:s16+$0x8800] =	vst v10  }
0x7d: {  	v10 =	vld [tilespmem:s17+$0xA800];
	_ =	sdelay $0x2  }
0x7e: {  	v11 =	vbroadcast v9, $0x1;
	_ =	sdelay $0x1  }
0x7f: {  	(v2sf) =	vpush v8, $0x4;
	[tilespmem:s17+$0xC800] =	vst.add.f32.msk $0xffff, v3;
	v10 =	vmax.f32 v10, v11  }
0x80: {  	s18 =	spop (v2sf);
	[tilespmem:s17+$0xA800] =	vst v10  }
0x81: {  	v10 =	vld [tilespmem:s18+$0x8800];
	_ =	sdelay $0x2  }
0x82: {  	v11 =	vbroadcast v9, $0x2;
	_ =	sdelay $0x1  }
0x83: {  	(v2sf) =	vpush v8, $0x5;
	[tilespmem:s18+$0xC800] =	vst.add.f32.msk $0xffff, v3;
	v10 =	vmax.f32 v10, v11  }
0x84: {  	s16 =	spop (v2sf);
	[tilespmem:s18+$0x8800] =	vst v10  }
0x85: {  	v10 =	vld [tilespmem:s16+$0xA800];
	_ =	sdelay $0x2  }
0x86: {  	v11 =	vbroadcast v9, $0x3;
	_ =	sdelay $0x1  }
0x87: {  	(v2sf) =	vpush v8, $0x6;
	[tilespmem:s16+$0xC800] =	vst.add.f32.msk $0xffff, v3;
	v10 =	vmax.f32 v10, v11  }
0x88: {  	s17 =	spop (v2sf);
	[tilespmem:s16+$0xA800] =	vst v10  }
0x89: {  	v10 =	vld [tilespmem:s17+$0x8800];
	_ =	sdelay $0x2  }
0x8a: {  	v11 =	vbroadcast v9, $0x4;
	_ =	sdelay $0x1  }
0x8b: {  	(v2sf) =	vpush v8, $0x7;
	[tilespmem:s17+$0xC800] =	vst.add.f32.msk $0xffff, v3;
	v10 =	vmax.f32 v10, v11  }
0x8c: {  	s18 =	spop (v2sf);
	[tilespmem:s17+$0x8800] =	vst v10  }
0x8d: {  	v10 =	vld [tilespmem:s18+$0xA800];
	_ =	sdelay $0x2  }
0x8e: {  	v11 =	vbroadcast v9, $0x5;
	_ =	sdelay $0x1  }
0x8f: {  	(v2sf) =	vpush v8, $0x8;
	[tilespmem:s18+$0xC800] =	vst.add.f32.msk $0xffff, v3;
	v10 =	vmax.f32 v10, v11  }
0x90: {  	s16 =	spop (v2sf);
	[tilespmem:s18+$0xA800] =	vst v10  }
0x91: {  	v10 =	vld [tilespmem:s16+$0x8800];
	_ =	sdelay $0x2  }
0x92: {  	v11 =	vbroadcast v9, $0x6;
	_ =	sdelay $0x1  }
0x93: {  	(v2sf) =	vpush v8, $0x9;
	[tilespmem:s16+$0xC800] =	vst.add.f32.msk $0xffff, v3;
	v10 =	vmax.f32 v10, v11  }
0x94: {  	s17 =	spop (v2sf);
	[tilespmem:s16+$0x8800] =	vst v10  }
0x95: {  	v10 =	vld [tilespmem:s17+$0xA800];
	_ =	sdelay $0x2  }
0x96: {  	v11 =	vbroadcast v9, $0x7;
	_ =	sdelay $0x1  }
0x97: {  	(v2sf) =	vpush v8, $0xA;
	[tilespmem:s17+$0xC800] =	vst.add.f32.msk $0xffff, v3;
	v10 =	vmax.f32 v10, v11  }
0x98: {  	s18 =	spop (v2sf);
	[tilespmem:s17+$0xA800] =	vst v10  }
0x99: {  	v10 =	vld [tilespmem:s18+$0x8800];
	_ =	sdelay $0x2  }
0x9a: {  	v11 =	vbroadcast v9, $0x8;
	_ =	sdelay $0x1  }
0x9b: {  	(v2sf) =	vpush v8, $0xB;
	[tilespmem:s18+$0xC800] =	vst.add.f32.msk $0xffff, v3;
	v10 =	vmax.f32 v10, v11  }
0x9c: {  	s16 =	spop (v2sf);
	[tilespmem:s18+$0x8800] =	vst v10  }
0x9d: {  	v10 =	vld [tilespmem:s16+$0xA800];
	_ =	sdelay $0x2  }
0x9e: {  	v11 =	vbroadcast v9, $0x9;
	_ =	sdelay $0x1  }
0x9f: {  	(v2sf) =	vpush v8, $0xC;
	[tilespmem:s16+$0xC800] =	vst.add.f32.msk $0xffff, v3;
	v10 =	vmax.f32 v10, v11  }
0xa0: {  	s17 =	spop (v2sf);
	[tilespmem:s16+$0xA800] =	vst v10  }
0xa1: {  	v10 =	vld [tilespmem:s17+$0x8800];
	_ =	sdelay $0x2  }
0xa2: {  	v11 =	vbroadcast v9, $0xA;
	_ =	sdelay $0x1  }
0xa3: {  	(v2sf) =	vpush v8, $0xD;
	[tilespmem:s17+$0xC800] =	vst.add.f32.msk $0xffff, v3;
	v10 =	vmax.f32 v10, v11  }
0xa4: {  	s18 =	spop (v2sf);
	[tilespmem:s17+$0x8800] =	vst v10  }
0xa5: {  	v10 =	vld [tilespmem:s18+$0xA800];
	_ =	sdelay $0x2  }
0xa6: {  	v11 =	vbroadcast v9, $0xB;
	_ =	sdelay $0x1  }
0xa7: {  	(v2sf) =	vpush v8, $0xE;
	[tilespmem:s18+$0xC800] =	vst.add.f32.msk $0xffff, v3;
	v10 =	vmax.f32 v10, v11  }
0xa8: {  	s16 =	spop (v2sf);
	[tilespmem:s18+$0xA800] =	vst v10  }
0xa9: {  	v10 =	vld [tilespmem:s16+$0x8800];
	_ =	sdelay $0x2  }
0xaa: {  	v11 =	vbroadcast v9, $0xC;
	_ =	sdelay $0x1  }
0xab: {  	(v2sf) =	vpush v8, $0xF;
	[tilespmem:s16+$0xC800] =	vst.add.f32.msk $0xffff, v3;
	v10 =	vmax.f32 v10, v11  }
0xac: {  	s17 =	spop (v2sf);
	[tilespmem:s16+$0x8800] =	vst v10  }
0xad: {  	v8 =	vld [tilespmem:s17+$0xA800];
	_ =	sdelay $0x2  }
0xae: {  	v10 =	vbroadcast v9, $0xD;
	_ =	sdelay $0x1  }
0xaf: {  	[tilespmem:s17+$0xC800] =	vst.add.f32.msk $0xffff, v3;
	v8 =	vmax.f32 v8, v10  }
0xb0: {  	s18 =	spop (v2sf);
	[tilespmem:s17+$0xA800] =	vst v8  }
0xb1: {  	v8 =	vld [tilespmem:s18+$0x8800];
	_ =	sdelay $0x2  }
0xb2: {  	v10 =	vbroadcast v9, $0xE;
	_ =	sdelay $0x1  }
0xb3: {  	[tilespmem:s18+$0xC800] =	vst.add.f32.msk $0xffff, v3;
	v8 =	vmax.f32 v8, v10  }
0xb4: {  	s17 =	spop (v2sf);
	[tilespmem:s18+$0x8800] =	vst v8  }
0xb5: {  	v8 =	vld [tilespmem:s17+$0xA800];
	_ =	sdelay $0x2  }
0xb6: {  	v9 =	vbroadcast v9, $0xF;
	_ =	sdelay $0x1  }
0xb7: {  	s15 =	simm.s32 $0x40;
	s16 =	simm.s32 $0x80;
	[tilespmem:s17+$0xC800] =	vst.add.f32.msk $0xffff, v3;
	v8 =	vmax.f32 v8, v9  }
.LBB2_9:
0xb8: {  	p0 =	sne.s32 s16, $0x1C0  }
0xb9: {  	s18 =	sshra.s32 s15, $0x2;
	[tilespmem:s17+$0xA800] =	vst v8;
	s15 =	smov.u32 s16;
	s16 =	sadd.s32 $0x40, s16  }
0xba: {  	v8 =	vld.idx.msk [tilespmem:v6+s18+$0x0 ss:$0x1], $0xffff;
	_ =	sdelay $0x5  }
0xbb: {  	v8 =	vsub.s32 v8, v0  }
0xbc: {  	v9 =	vshll.u32 v8, $0x4  }
0xbd: {  	(v2sf) =	vpush v9, $0x0;
	_ =	sdelay $0x6  }
0xbe: {  	(v2sf) =	vpush v9, $0x1;
	_ =	sdelay $0x5  }
0xbf: {  	v8 =	vld.idx.msk [tilespmem:v7+s18+$0x0 ss:$0x1], $0xffff  }
0xc0: {  	(v2sf) =	vpush v9, $0x2  }
0xc1: {  	s17 =	spop (v2sf)  }
0xc2: {  	v10 =	vld [tilespmem:s17+$0x8800];
	_ =	sdelay $0x2  }
0xc3: {  	v11 =	vbroadcast v8, $0x0;
	_ =	sdelay $0x1  }
0xc4: {  	[tilespmem:s17+$0xC800] =	vst.add.f32.msk $0xffff, v3;
	v10 =	vmax.f32 v10, v11;
	(v2sf) =	vpush v9, $0x3  }
0xc5: {  	[tilespmem:s17+$0x8800] =	vst v10;
	s17 =	spop (v2sf)  }
0xc6: {  	v10 =	vld [tilespmem:s17+$0xA800];
	_ =	sdelay $0x2  }
0xc7: {  	v11 =	vbroadcast v8, $0x1;
	_ =	sdelay $0x1  }
0xc8: {  	[tilespmem:s17+$0xC800] =	vst.add.f32.msk $0xffff, v3;
	v10 =	vmax.f32 v10, v11;
	(v2sf) =	vpush v9, $0x4  }
0xc9: {  	[tilespmem:s17+$0xA800] =	vst v10;
	s17 =	spop (v2sf)  }
0xca: {  	v10 =	vld [tilespmem:s17+$0x8800];
	_ =	sdelay $0x2  }
0xcb: {  	v11 =	vbroadcast v8, $0x2;
	_ =	sdelay $0x1  }
0xcc: {  	[tilespmem:s17+$0xC800] =	vst.add.f32.msk $0xffff, v3;
	v10 =	vmax.f32 v10, v11;
	(v2sf) =	vpush v9, $0x5  }
0xcd: {  	[tilespmem:s17+$0x8800] =	vst v10;
	s17 =	spop (v2sf)  }
0xce: {  	v10 =	vld [tilespmem:s17+$0xA800];
	_ =	sdelay $0x2  }
0xcf: {  	v11 =	vbroadcast v8, $0x3;
	_ =	sdelay $0x1  }
0xd0: {  	[tilespmem:s17+$0xC800] =	vst.add.f32.msk $0xffff, v3;
	v10 =	vmax.f32 v10, v11;
	(v2sf) =	vpush v9, $0x6  }
0xd1: {  	[tilespmem:s17+$0xA800] =	vst v10;
	s17 =	spop (v2sf)  }
0xd2: {  	v10 =	vld [tilespmem:s17+$0x8800];
	_ =	sdelay $0x2  }
0xd3: {  	v11 =	vbroadcast v8, $0x4;
	_ =	sdelay $0x1  }
0xd4: {  	[tilespmem:s17+$0xC800] =	vst.add.f32.msk $0xffff, v3;
	v10 =	vmax.f32 v10, v11;
	(v2sf) =	vpush v9, $0x7  }
0xd5: {  	[tilespmem:s17+$0x8800] =	vst v10;
	s17 =	spop (v2sf)  }
0xd6: {  	v10 =	vld [tilespmem:s17+$0xA800];
	_ =	sdelay $0x2  }
0xd7: {  	v11 =	vbroadcast v8, $0x5;
	_ =	sdelay $0x1  }
0xd8: {  	[tilespmem:s17+$0xC800] =	vst.add.f32.msk $0xffff, v3;
	v10 =	vmax.f32 v10, v11;
	(v2sf) =	vpush v9, $0x8  }
0xd9: {  	[tilespmem:s17+$0xA800] =	vst v10;
	s17 =	spop (v2sf)  }
0xda: {  	v10 =	vld [tilespmem:s17+$0x8800]  }
0xdb: {  	[tilespmem:s17+$0xC800] =	vst.add.f32.msk $0xffff, v3;
	_ =	sdelay $0x1  }
0xdc: {  	v11 =	vbroadcast v8, $0x6;
	_ =	sdelay $0x1  }
0xdd: {  	v10 =	vmax.f32 v10, v11;
	(v2sf) =	vpush v9, $0x9  }
0xde: {  	[tilespmem:s17+$0x8800] =	vst v10;
	s17 =	spop (v2sf)  }
0xdf: {  	v10 =	vld [tilespmem:s17+$0xA800]  }
0xe0: {  	[tilespmem:s17+$0xC800] =	vst.add.f32.msk $0xffff, v3;
	_ =	sdelay $0x1  }
0xe1: {  	v11 =	vbroadcast v8, $0x7;
	_ =	sdelay $0x1  }
0xe2: {  	v10 =	vmax.f32 v10, v11;
	(v2sf) =	vpush v9, $0xA  }
0xe3: {  	[tilespmem:s17+$0xA800] =	vst v10;
	s17 =	spop (v2sf)  }
0xe4: {  	v10 =	vld [tilespmem:s17+$0x8800]  }
0xe5: {  	[tilespmem:s17+$0xC800] =	vst.add.f32.msk $0xffff, v3;
	_ =	sdelay $0x1  }
0xe6: {  	v11 =	vbroadcast v8, $0x8;
	_ =	sdelay $0x1  }
0xe7: {  	v10 =	vmax.f32 v10, v11;
	(v2sf) =	vpush v9, $0xB  }
0xe8: {  	[tilespmem:s17+$0x8800] =	vst v10;
	s17 =	spop (v2sf)  }
0xe9: {  	v10 =	vld [tilespmem:s17+$0xA800]  }
0xea: {  	[tilespmem:s17+$0xC800] =	vst.add.f32.msk $0xffff, v3;
	_ =	sdelay $0x1  }
0xeb: {  	v11 =	vbroadcast v8, $0x9;
	_ =	sdelay $0x1  }
0xec: {  	v10 =	vmax.f32 v10, v11;
	(v2sf) =	vpush v9, $0xC  }
0xed: {  	[tilespmem:s17+$0xA800] =	vst v10;
	s17 =	spop (v2sf)  }
0xee: {  	v10 =	vld [tilespmem:s17+$0x8800]  }
0xef: {  	[tilespmem:s17+$0xC800] =	vst.add.f32.msk $0xffff, v3;
	_ =	sdelay $0x1  }
0xf0: {  	v11 =	vbroadcast v8, $0xA;
	_ =	sdelay $0x1  }
0xf1: {  	v10 =	vmax.f32 v10, v11;
	(v2sf) =	vpush v9, $0xD  }
0xf2: {  	[tilespmem:s17+$0x8800] =	vst v10;
	s17 =	spop (v2sf)  }
0xf3: {  	v10 =	vld [tilespmem:s17+$0xA800]  }
0xf4: {  	[tilespmem:s17+$0xC800] =	vst.add.f32.msk $0xffff, v3;
	_ =	sdelay $0x1  }
0xf5: {  	v11 =	vbroadcast v8, $0xB;
	_ =	sdelay $0x1  }
0xf6: {  	v10 =	vmax.f32 v10, v11;
	(v2sf) =	vpush v9, $0xE  }
0xf7: {  	[tilespmem:s17+$0xA800] =	vst v10;
	s17 =	spop (v2sf)  }
0xf8: {  	v10 =	vld [tilespmem:s17+$0x8800]  }
0xf9: {  	[tilespmem:s17+$0xC800] =	vst.add.f32.msk $0xffff, v3;
	_ =	sdelay $0x1  }
0xfa: {  	v11 =	vbroadcast v8, $0xC;
	_ =	sdelay $0x1  }
0xfb: {  	v10 =	vmax.f32 v10, v11;
	(v2sf) =	vpush v9, $0xF  }
0xfc: {  	[tilespmem:s17+$0x8800] =	vst v10;
	s17 =	spop (v2sf)  }
0xfd: {  	v9 =	vld [tilespmem:s17+$0xA800]  }
0xfe: {  	[tilespmem:s17+$0xC800] =	vst.add.f32.msk $0xffff, v3;
	_ =	sdelay $0x1  }
0xff: {  	v10 =	vbroadcast v8, $0xD;
	_ =	sdelay $0x1  }
0x100: {  	v9 =	vmax.f32 v9, v10  }
0x101: {  	[tilespmem:s17+$0xA800] =	vst v9;
	s17 =	spop (v2sf)  }
0x102: {  	v9 =	vld [tilespmem:s17+$0x8800]  }
0x103: {  	[tilespmem:s17+$0xC800] =	vst.add.f32.msk $0xffff, v3;
	_ =	sdelay $0x1  }
0x104: {  	v10 =	vbroadcast v8, $0xE;
	_ =	sdelay $0x1  }
0x105: {  	v9 =	vmax.f32 v9, v10  }
0x106: {  	[tilespmem:s17+$0x8800] =	vst v9;
	s17 =	spop (v2sf)  }
0x107: {  	v9 =	vld [tilespmem:s17+$0xA800]  }
.Ltmp3:
0x108: {  	[tilespmem:s17+$0xC800] =	vst.add.f32.msk $0xffff, v3;
	(pc) =	sbr.rel @p0 .LBB2_9-.Ltmp3, $3  }
0x109: {  	_ = 	snop  }
0x10a: {  	v8 =	vbroadcast v8, $0xF;
	_ =	sdelay $0x1  }
0x10b: {  	v8 =	vmax.f32 v9, v8  }
0x10c: {  	_ =	sdelay $0x2  }
0x10d: {  	s15 =	sshra.s32 s15, $0x2;
	[tilespmem:s17+$0xA800] =	vst v8  }
0x10e: {  	v6 =	vld.idx.msk [tilespmem:v6+s15+$0x0 ss:$0x1], $0xffff;
	_ =	sdelay $0x4  }
0x10f: {  	v6 =	vsub.s32 v6, v0  }
0x110: {  	v6 =	vshll.u32 v6, $0x4  }
0x111: {  	(v2sf) =	vpush v6, $0x0;
	_ =	sdelay $0x6  }
0x112: {  	(v2sf) =	vpush v6, $0x1;
	_ =	sdelay $0x6  }
0x113: {  	v7 =	vld.idx.msk [tilespmem:v7+s15+$0x0 ss:$0x1], $0xffff;
	(v2sf) =	vpush v6, $0x2  }
0x114: {  	s18 =	spop (v2sf)  }
0x115: {  	v8 =	vld [tilespmem:s18+$0x8800];
	_ =	sdelay $0x2  }
0x116: {  	v9 =	vbroadcast v7, $0x0;
	_ =	sdelay $0x1  }
0x117: {  	(v2sf) =	vpush v6, $0x3;
	[tilespmem:s18+$0xC800] =	vst.add.f32.msk $0xffff, v3;
	v8 =	vmax.f32 v8, v9  }
0x118: {  	s16 =	spop (v2sf);
	[tilespmem:s18+$0x8800] =	vst v8  }
0x119: {  	v8 =	vld [tilespmem:s16+$0xA800];
	_ =	sdelay $0x2  }
0x11a: {  	v9 =	vbroadcast v7, $0x1;
	_ =	sdelay $0x1  }
0x11b: {  	(v2sf) =	vpush v6, $0x4;
	[tilespmem:s16+$0xC800] =	vst.add.f32.msk $0xffff, v3;
	v8 =	vmax.f32 v8, v9  }
0x11c: {  	s17 =	spop (v2sf);
	[tilespmem:s16+$0xA800] =	vst v8  }
0x11d: {  	v8 =	vld [tilespmem:s17+$0x8800];
	_ =	sdelay $0x2  }
0x11e: {  	v9 =	vbroadcast v7, $0x2;
	_ =	sdelay $0x1  }
0x11f: {  	(v2sf) =	vpush v6, $0x5;
	[tilespmem:s17+$0xC800] =	vst.add.f32.msk $0xffff, v3;
	v8 =	vmax.f32 v8, v9  }
0x120: {  	s18 =	spop (v2sf);
	[tilespmem:s17+$0x8800] =	vst v8  }
0x121: {  	v8 =	vld [tilespmem:s18+$0xA800];
	_ =	sdelay $0x2  }
0x122: {  	v9 =	vbroadcast v7, $0x3;
	_ =	sdelay $0x1  }
0x123: {  	(v2sf) =	vpush v6, $0x6;
	[tilespmem:s18+$0xC800] =	vst.add.f32.msk $0xffff, v3;
	v8 =	vmax.f32 v8, v9  }
0x124: {  	s16 =	spop (v2sf);
	[tilespmem:s18+$0xA800] =	vst v8  }
0x125: {  	v8 =	vld [tilespmem:s16+$0x8800];
	_ =	sdelay $0x2  }
0x126: {  	v9 =	vbroadcast v7, $0x4;
	_ =	sdelay $0x1  }
0x127: {  	(v2sf) =	vpush v6, $0x7;
	[tilespmem:s16+$0xC800] =	vst.add.f32.msk $0xffff, v3;
	v8 =	vmax.f32 v8, v9  }
0x128: {  	s17 =	spop (v2sf);
	[tilespmem:s16+$0x8800] =	vst v8  }
0x129: {  	v8 =	vld [tilespmem:s17+$0xA800];
	_ =	sdelay $0x2  }
0x12a: {  	v9 =	vbroadcast v7, $0x5;
	_ =	sdelay $0x1  }
0x12b: {  	(v2sf) =	vpush v6, $0x8;
	[tilespmem:s17+$0xC800] =	vst.add.f32.msk $0xffff, v3;
	v8 =	vmax.f32 v8, v9  }
0x12c: {  	s18 =	spop (v2sf);
	[tilespmem:s17+$0xA800] =	vst v8  }
0x12d: {  	v8 =	vld [tilespmem:s18+$0x8800];
	_ =	sdelay $0x2  }
0x12e: {  	v9 =	vbroadcast v7, $0x6;
	_ =	sdelay $0x1  }
0x12f: {  	(v2sf) =	vpush v6, $0x9;
	[tilespmem:s18+$0xC800] =	vst.add.f32.msk $0xffff, v3;
	v8 =	vmax.f32 v8, v9  }
0x130: {  	s16 =	spop (v2sf);
	[tilespmem:s18+$0x8800] =	vst v8  }
0x131: {  	v8 =	vld [tilespmem:s16+$0xA800];
	_ =	sdelay $0x2  }
0x132: {  	v9 =	vbroadcast v7, $0x7;
	_ =	sdelay $0x1  }
0x133: {  	(v2sf) =	vpush v6, $0xA;
	[tilespmem:s16+$0xC800] =	vst.add.f32.msk $0xffff, v3;
	v8 =	vmax.f32 v8, v9  }
0x134: {  	s17 =	spop (v2sf);
	[tilespmem:s16+$0xA800] =	vst v8  }
0x135: {  	v8 =	vld [tilespmem:s17+$0x8800];
	_ =	sdelay $0x2  }
0x136: {  	v9 =	vbroadcast v7, $0x8;
	_ =	sdelay $0x1  }
0x137: {  	(v2sf) =	vpush v6, $0xB;
	[tilespmem:s17+$0xC800] =	vst.add.f32.msk $0xffff, v3;
	v8 =	vmax.f32 v8, v9  }
0x138: {  	s18 =	spop (v2sf);
	[tilespmem:s17+$0x8800] =	vst v8  }
0x139: {  	v8 =	vld [tilespmem:s18+$0xA800];
	_ =	sdelay $0x2  }
0x13a: {  	v9 =	vbroadcast v7, $0x9;
	_ =	sdelay $0x1  }
0x13b: {  	(v2sf) =	vpush v6, $0xC;
	[tilespmem:s18+$0xC800] =	vst.add.f32.msk $0xffff, v3;
	v8 =	vmax.f32 v8, v9  }
0x13c: {  	s16 =	spop (v2sf);
	[tilespmem:s18+$0xA800] =	vst v8  }
0x13d: {  	v8 =	vld [tilespmem:s16+$0x8800];
	_ =	sdelay $0x2  }
0x13e: {  	v9 =	vbroadcast v7, $0xA;
	_ =	sdelay $0x1  }
0x13f: {  	(v2sf) =	vpush v6, $0xD;
	[tilespmem:s16+$0xC800] =	vst.add.f32.msk $0xffff, v3;
	v8 =	vmax.f32 v8, v9  }
0x140: {  	s17 =	spop (v2sf);
	[tilespmem:s16+$0x8800] =	vst v8  }
0x141: {  	v8 =	vld [tilespmem:s17+$0xA800];
	_ =	sdelay $0x2  }
0x142: {  	v9 =	vbroadcast v7, $0xB;
	_ =	sdelay $0x1  }
0x143: {  	(v2sf) =	vpush v6, $0xE;
	[tilespmem:s17+$0xC800] =	vst.add.f32.msk $0xffff, v3;
	v8 =	vmax.f32 v8, v9  }
0x144: {  	s18 =	spop (v2sf);
	[tilespmem:s17+$0xA800] =	vst v8  }
0x145: {  	v8 =	vld [tilespmem:s18+$0x8800];
	_ =	sdelay $0x2  }
0x146: {  	v9 =	vbroadcast v7, $0xC;
	_ =	sdelay $0x1  }
0x147: {  	(v2sf) =	vpush v6, $0xF;
	[tilespmem:s18+$0xC800] =	vst.add.f32.msk $0xffff, v3;
	v8 =	vmax.f32 v8, v9  }
0x148: {  	s16 =	spop (v2sf);
	[tilespmem:s18+$0x8800] =	vst v8  }
0x149: {  	v6 =	vld [tilespmem:s16+$0xA800];
	_ =	sdelay $0x2  }
0x14a: {  	v8 =	vbroadcast v7, $0xD;
	_ =	sdelay $0x1  }
0x14b: {  	[tilespmem:s16+$0xC800] =	vst.add.f32.msk $0xffff, v3;
	v6 =	vmax.f32 v6, v8  }
0x14c: {  	s17 =	spop (v2sf);
	[tilespmem:s16+$0xA800] =	vst v6  }
0x14d: {  	v6 =	vld [tilespmem:s17+$0x8800];
	_ =	sdelay $0x2  }
0x14e: {  	v8 =	vbroadcast v7, $0xE;
	_ =	sdelay $0x1  }
0x14f: {  	[tilespmem:s17+$0xC800] =	vst.add.f32.msk $0xffff, v3;
	v6 =	vmax.f32 v6, v8  }
0x150: {  	s18 =	spop (v2sf);
	[tilespmem:s17+$0x8800] =	vst v6  }
0x151: {  	v6 =	vld [tilespmem:s18+$0xA800];
	_ =	sdelay $0x2  }
0x152: {  	v7 =	vbroadcast v7, $0xF;
	_ =	sdelay $0x1  }
0x153: {  	[tilespmem:s18+$0xC800] =	vst.add.f32.msk $0xffff, v3;
	v6 =	vmax.f32 v6, v7  }
0x154: {  	[tilespmem:s18+$0xA800] =	vst v6  }
0x155: {  	p0 =	seq.s32 s13, $0x3;
	_ =	swait.ge [sflag:s30], $0x4000  }
0x156: {  	s15 =	sshll.u32 @!p0 s13, $0xF;
	[sflag:s30] =	ssyncset.done $0x0  }
0x157: {  	s15 =	sadd.s32 @!p0 s15, s11;
	[sflag:s30] =	ssyncadd.s32 $0xFFFFC000  }
0x158: {  	s15 =	sshrl.u32 @!p0 s15, $0x3;
	_ =	swait.ge [sflag:s31], $0x4000  }
0x159: {  	s14 =	sshll.u32 s14, $0x7;
	s15 =	sadd.s32 @!p0 s0, s15;
	v6 =	vmov s8;
	[sflag:s31] =	ssyncset.done $0x0  }
0x15a: {  	s16 =	simm.s32 @!p0 $0x0;
	s17 =	simm.s32 @!p0 $0x4800;
	[sflag:s31] =	ssyncadd.s32 $0xFFFFC000  }
0x15b: {  	[tilespmem:s17], [sflag:$0x2] =	stream.linear.gather @!p0 [hbm4b:s15+s16], $0x4000, $0x38;
	[tilespmem:$0x19A00] =	vst v63  }
0x15c: {  	s14 =	sand.u32 $0x3FFFFF80, s14;
	s15 =	simm.s32 $0x0  }
0x15d: {  	[spmem:s2] =	stream.indirect.scatter.add.f32 [tilespmem:s28], [sflag:$0x3], $0x80, s14, s24, $0xb8;
	[tilespmem:$0x19A00] =	vst v63  }
0x15e: {  	v7 =	vld.idx.msk [tilespmem:v6+s15+$0x0 ss:$0x1], $0xffff;
	_ =	sdelay $0x4  }
0x15f: {  	v7 =	vsub.s32 v7, v0  }
0x160: {  	v8 =	vshll.u32 v7, $0x4  }
0x161: {  	(v2sf) =	vpush v8, $0x0;
	_ =	sdelay $0x6  }
0x162: {  	(v2sf) =	vpush v8, $0x1;
	_ =	sdelay $0x1  }
0x163: {  	v7 =	vmov s7;
	_ =	sdelay $0x4  }
0x164: {  	(v2sf) =	vpush v8, $0x2;
	v9 =	vld.idx.msk [tilespmem:v7+s15+$0x0 ss:$0x1], $0xffff  }
0x165: {  	s16 =	spop (v2sf)  }
0x166: {  	v10 =	vld [tilespmem:s16+$0x8800];
	_ =	sdelay $0x2  }
0x167: {  	v11 =	vbroadcast v9, $0x0;
	_ =	sdelay $0x1  }
0x168: {  	(v2sf) =	vpush v8, $0x3;
	[tilespmem:s16+$0xC800] =	vst.add.f32.msk $0xffff, v3;
	v10 =	vmax.f32 v10, v11  }
0x169: {  	s17 =	spop (v2sf);
	[tilespmem:s16+$0x8800] =	vst v10  }
0x16a: {  	v10 =	vld [tilespmem:s17+$0xA800];
	_ =	sdelay $0x2  }
0x16b: {  	v11 =	vbroadcast v9, $0x1;
	_ =	sdelay $0x1  }
0x16c: {  	(v2sf) =	vpush v8, $0x4;
	[tilespmem:s17+$0xC800] =	vst.add.f32.msk $0xffff, v3;
	v10 =	vmax.f32 v10, v11  }
0x16d: {  	s18 =	spop (v2sf);
	[tilespmem:s17+$0xA800] =	vst v10  }
0x16e: {  	v10 =	vld [tilespmem:s18+$0x8800];
	_ =	sdelay $0x2  }
0x16f: {  	v11 =	vbroadcast v9, $0x2;
	_ =	sdelay $0x1  }
0x170: {  	(v2sf) =	vpush v8, $0x5;
	[tilespmem:s18+$0xC800] =	vst.add.f32.msk $0xffff, v3;
	v10 =	vmax.f32 v10, v11  }
0x171: {  	s15 =	spop (v2sf);
	[tilespmem:s18+$0x8800] =	vst v10  }
0x172: {  	v10 =	vld [tilespmem:s15+$0xA800];
	_ =	sdelay $0x2  }
0x173: {  	v11 =	vbroadcast v9, $0x3;
	_ =	sdelay $0x1  }
0x174: {  	(v2sf) =	vpush v8, $0x6;
	[tilespmem:s15+$0xC800] =	vst.add.f32.msk $0xffff, v3;
	v10 =	vmax.f32 v10, v11  }
0x175: {  	s16 =	spop (v2sf);
	[tilespmem:s15+$0xA800] =	vst v10  }
0x176: {  	v10 =	vld [tilespmem:s16+$0x8800];
	_ =	sdelay $0x2  }
0x177: {  	v11 =	vbroadcast v9, $0x4;
	_ =	sdelay $0x1  }
0x178: {  	(v2sf) =	vpush v8, $0x7;
	[tilespmem:s16+$0xC800] =	vst.add.f32.msk $0xffff, v3;
	v10 =	vmax.f32 v10, v11  }
0x179: {  	s17 =	spop (v2sf);
	[tilespmem:s16+$0x8800] =	vst v10  }
0x17a: {  	v10 =	vld [tilespmem:s17+$0xA800];
	_ =	sdelay $0x2  }
0x17b: {  	v11 =	vbroadcast v9, $0x5;
	_ =	sdelay $0x1  }
0x17c: {  	(v2sf) =	vpush v8, $0x8;
	[tilespmem:s17+$0xC800] =	vst.add.f32.msk $0xffff, v3;
	v10 =	vmax.f32 v10, v11  }
0x17d: {  	s18 =	spop (v2sf);
	[tilespmem:s17+$0xA800] =	vst v10  }
0x17e: {  	v10 =	vld [tilespmem:s18+$0x8800];
	_ =	sdelay $0x2  }
0x17f: {  	v11 =	vbroadcast v9, $0x6;
	_ =	sdelay $0x1  }
0x180: {  	(v2sf) =	vpush v8, $0x9;
	[tilespmem:s18+$0xC800] =	vst.add.f32.msk $0xffff, v3;
	v10 =	vmax.f32 v10, v11  }
0x181: {  	s15 =	spop (v2sf);
	[tilespmem:s18+$0x8800] =	vst v10  }
0x182: {  	v10 =	vld [tilespmem:s15+$0xA800];
	_ =	sdelay $0x2  }
0x183: {  	v11 =	vbroadcast v9, $0x7;
	_ =	sdelay $0x1  }
0x184: {  	(v2sf) =	vpush v8, $0xA;
	[tilespmem:s15+$0xC800] =	vst.add.f32.msk $0xffff, v3;
	v10 =	vmax.f32 v10, v11  }
0x185: {  	s16 =	spop (v2sf);
	[tilespmem:s15+$0xA800] =	vst v10  }
0x186: {  	v10 =	vld [tilespmem:s16+$0x8800];
	_ =	sdelay $0x2  }
0x187: {  	v11 =	vbroadcast v9, $0x8;
	_ =	sdelay $0x1  }
0x188: {  	(v2sf) =	vpush v8, $0xB;
	[tilespmem:s16+$0xC800] =	vst.add.f32.msk $0xffff, v3;
	v10 =	vmax.f32 v10, v11  }
0x189: {  	s17 =	spop (v2sf);
	[tilespmem:s16+$0x8800] =	vst v10  }
0x18a: {  	v10 =	vld [tilespmem:s17+$0xA800];
	_ =	sdelay $0x2  }
0x18b: {  	v11 =	vbroadcast v9, $0x9;
	_ =	sdelay $0x1  }
0x18c: {  	(v2sf) =	vpush v8, $0xC;
	[tilespmem:s17+$0xC800] =	vst.add.f32.msk $0xffff, v3;
	v10 =	vmax.f32 v10, v11  }
0x18d: {  	s18 =	spop (v2sf);
	[tilespmem:s17+$0xA800] =	vst v10  }
0x18e: {  	v10 =	vld [tilespmem:s18+$0x8800];
	_ =	sdelay $0x2  }
0x18f: {  	v11 =	vbroadcast v9, $0xA;
	_ =	sdelay $0x1  }
0x190: {  	(v2sf) =	vpush v8, $0xD;
	[tilespmem:s18+$0xC800] =	vst.add.f32.msk $0xffff, v3;
	v10 =	vmax.f32 v10, v11  }
0x191: {  	s15 =	spop (v2sf);
	[tilespmem:s18+$0x8800] =	vst v10  }
0x192: {  	v10 =	vld [tilespmem:s15+$0xA800];
	_ =	sdelay $0x2  }
0x193: {  	v11 =	vbroadcast v9, $0xB;
	_ =	sdelay $0x1  }
0x194: {  	(v2sf) =	vpush v8, $0xE;
	[tilespmem:s15+$0xC800] =	vst.add.f32.msk $0xffff, v3;
	v10 =	vmax.f32 v10, v11  }
0x195: {  	s16 =	spop (v2sf);
	[tilespmem:s15+$0xA800] =	vst v10  }
0x196: {  	v10 =	vld [tilespmem:s16+$0x8800];
	_ =	sdelay $0x2  }
0x197: {  	v11 =	vbroadcast v9, $0xC;
	_ =	sdelay $0x1  }
0x198: {  	(v2sf) =	vpush v8, $0xF;
	[tilespmem:s16+$0xC800] =	vst.add.f32.msk $0xffff, v3;
	v10 =	vmax.f32 v10, v11  }
0x199: {  	s17 =	spop (v2sf);
	[tilespmem:s16+$0x8800] =	vst v10  }
0x19a: {  	v8 =	vld [tilespmem:s17+$0xA800];
	_ =	sdelay $0x2  }
0x19b: {  	v10 =	vbroadcast v9, $0xD;
	_ =	sdelay $0x1  }
0x19c: {  	[tilespmem:s17+$0xC800] =	vst.add.f32.msk $0xffff, v3;
	v8 =	vmax.f32 v8, v10  }
0x19d: {  	s18 =	spop (v2sf);
	[tilespmem:s17+$0xA800] =	vst v8  }
0x19e: {  	v8 =	vld [tilespmem:s18+$0x8800];
	_ =	sdelay $0x2  }
0x19f: {  	v10 =	vbroadcast v9, $0xE;
	_ =	sdelay $0x1  }
0x1a0: {  	[tilespmem:s18+$0xC800] =	vst.add.f32.msk $0xffff, v3;
	v8 =	vmax.f32 v8, v10  }
0x1a1: {  	s16 =	spop (v2sf);
	[tilespmem:s18+$0x8800] =	vst v8  }
0x1a2: {  	v8 =	vld [tilespmem:s16+$0xA800];
	_ =	sdelay $0x2  }
0x1a3: {  	v9 =	vbroadcast v9, $0xF;
	_ =	sdelay $0x1  }
0x1a4: {  	s14 =	simm.s32 $0x40;
	s15 =	simm.s32 $0x80;
	[tilespmem:s16+$0xC800] =	vst.add.f32.msk $0xffff, v3;
	v8 =	vmax.f32 v8, v9  }
.LBB2_11:
0x1a5: {  	p0 =	sne.s32 s15, $0x1C0  }
0x1a6: {  	s17 =	sshra.s32 s14, $0x2;
	[tilespmem:s16+$0xA800] =	vst v8;
	s14 =	smov.u32 s15;
	s15 =	sadd.s32 $0x40, s15  }
0x1a7: {  	v8 =	vld.idx.msk [tilespmem:v6+s17+$0x0 ss:$0x1], $0xffff;
	_ =	sdelay $0x5  }
0x1a8: {  	v8 =	vsub.s32 v8, v0  }
0x1a9: {  	v9 =	vshll.u32 v8, $0x4  }
0x1aa: {  	(v2sf) =	vpush v9, $0x0;
	_ =	sdelay $0x6  }
0x1ab: {  	(v2sf) =	vpush v9, $0x1;
	_ =	sdelay $0x5  }
0x1ac: {  	v8 =	vld.idx.msk [tilespmem:v7+s17+$0x0 ss:$0x1], $0xffff  }
0x1ad: {  	(v2sf) =	vpush v9, $0x2  }
0x1ae: {  	s16 =	spop (v2sf)  }
0x1af: {  	v10 =	vld [tilespmem:s16+$0x8800];
	_ =	sdelay $0x2  }
0x1b0: {  	v11 =	vbroadcast v8, $0x0;
	_ =	sdelay $0x1  }
0x1b1: {  	[tilespmem:s16+$0xC800] =	vst.add.f32.msk $0xffff, v3;
	v10 =	vmax.f32 v10, v11;
	(v2sf) =	vpush v9, $0x3  }
0x1b2: {  	[tilespmem:s16+$0x8800] =	vst v10;
	s16 =	spop (v2sf)  }
0x1b3: {  	v10 =	vld [tilespmem:s16+$0xA800];
	_ =	sdelay $0x2  }
0x1b4: {  	v11 =	vbroadcast v8, $0x1;
	_ =	sdelay $0x1  }
0x1b5: {  	[tilespmem:s16+$0xC800] =	vst.add.f32.msk $0xffff, v3;
	v10 =	vmax.f32 v10, v11;
	(v2sf) =	vpush v9, $0x4  }
0x1b6: {  	[tilespmem:s16+$0xA800] =	vst v10;
	s16 =	spop (v2sf)  }
0x1b7: {  	v10 =	vld [tilespmem:s16+$0x8800];
	_ =	sdelay $0x2  }
0x1b8: {  	v11 =	vbroadcast v8, $0x2;
	_ =	sdelay $0x1  }
0x1b9: {  	[tilespmem:s16+$0xC800] =	vst.add.f32.msk $0xffff, v3;
	v10 =	vmax.f32 v10, v11;
	(v2sf) =	vpush v9, $0x5  }
0x1ba: {  	[tilespmem:s16+$0x8800] =	vst v10;
	s16 =	spop (v2sf)  }
0x1bb: {  	v10 =	vld [tilespmem:s16+$0xA800];
	_ =	sdelay $0x2  }
0x1bc: {  	v11 =	vbroadcast v8, $0x3;
	_ =	sdelay $0x1  }
0x1bd: {  	[tilespmem:s16+$0xC800] =	vst.add.f32.msk $0xffff, v3;
	v10 =	vmax.f32 v10, v11;
	(v2sf) =	vpush v9, $0x6  }
0x1be: {  	[tilespmem:s16+$0xA800] =	vst v10;
	s16 =	spop (v2sf)  }
0x1bf: {  	v10 =	vld [tilespmem:s16+$0x8800];
	_ =	sdelay $0x2  }
0x1c0: {  	v11 =	vbroadcast v8, $0x4;
	_ =	sdelay $0x1  }
0x1c1: {  	[tilespmem:s16+$0xC800] =	vst.add.f32.msk $0xffff, v3;
	v10 =	vmax.f32 v10, v11;
	(v2sf) =	vpush v9, $0x7  }
0x1c2: {  	[tilespmem:s16+$0x8800] =	vst v10;
	s16 =	spop (v2sf)  }
0x1c3: {  	v10 =	vld [tilespmem:s16+$0xA800];
	_ =	sdelay $0x2  }
0x1c4: {  	v11 =	vbroadcast v8, $0x5;
	_ =	sdelay $0x1  }
0x1c5: {  	[tilespmem:s16+$0xC800] =	vst.add.f32.msk $0xffff, v3;
	v10 =	vmax.f32 v10, v11;
	(v2sf) =	vpush v9, $0x8  }
0x1c6: {  	[tilespmem:s16+$0xA800] =	vst v10;
	s16 =	spop (v2sf)  }
0x1c7: {  	v10 =	vld [tilespmem:s16+$0x8800]  }
0x1c8: {  	[tilespmem:s16+$0xC800] =	vst.add.f32.msk $0xffff, v3;
	_ =	sdelay $0x1  }
0x1c9: {  	v11 =	vbroadcast v8, $0x6;
	_ =	sdelay $0x1  }
0x1ca: {  	v10 =	vmax.f32 v10, v11;
	(v2sf) =	vpush v9, $0x9  }
0x1cb: {  	[tilespmem:s16+$0x8800] =	vst v10;
	s16 =	spop (v2sf)  }
0x1cc: {  	v10 =	vld [tilespmem:s16+$0xA800]  }
0x1cd: {  	[tilespmem:s16+$0xC800] =	vst.add.f32.msk $0xffff, v3;
	_ =	sdelay $0x1  }
0x1ce: {  	v11 =	vbroadcast v8, $0x7;
	_ =	sdelay $0x1  }
0x1cf: {  	v10 =	vmax.f32 v10, v11;
	(v2sf) =	vpush v9, $0xA  }
0x1d0: {  	[tilespmem:s16+$0xA800] =	vst v10;
	s16 =	spop (v2sf)  }
0x1d1: {  	v10 =	vld [tilespmem:s16+$0x8800]  }
0x1d2: {  	[tilespmem:s16+$0xC800] =	vst.add.f32.msk $0xffff, v3;
	_ =	sdelay $0x1  }
0x1d3: {  	v11 =	vbroadcast v8, $0x8;
	_ =	sdelay $0x1  }
0x1d4: {  	v10 =	vmax.f32 v10, v11;
	(v2sf) =	vpush v9, $0xB  }
0x1d5: {  	[tilespmem:s16+$0x8800] =	vst v10;
	s16 =	spop (v2sf)  }
0x1d6: {  	v10 =	vld [tilespmem:s16+$0xA800]  }
0x1d7: {  	[tilespmem:s16+$0xC800] =	vst.add.f32.msk $0xffff, v3;
	_ =	sdelay $0x1  }
0x1d8: {  	v11 =	vbroadcast v8, $0x9;
	_ =	sdelay $0x1  }
0x1d9: {  	v10 =	vmax.f32 v10, v11;
	(v2sf) =	vpush v9, $0xC  }
0x1da: {  	[tilespmem:s16+$0xA800] =	vst v10;
	s16 =	spop (v2sf)  }
0x1db: {  	v10 =	vld [tilespmem:s16+$0x8800]  }
0x1dc: {  	[tilespmem:s16+$0xC800] =	vst.add.f32.msk $0xffff, v3;
	_ =	sdelay $0x1  }
0x1dd: {  	v11 =	vbroadcast v8, $0xA;
	_ =	sdelay $0x1  }
0x1de: {  	v10 =	vmax.f32 v10, v11;
	(v2sf) =	vpush v9, $0xD  }
0x1df: {  	[tilespmem:s16+$0x8800] =	vst v10;
	s16 =	spop (v2sf)  }
0x1e0: {  	v10 =	vld [tilespmem:s16+$0xA800]  }
0x1e1: {  	[tilespmem:s16+$0xC800] =	vst.add.f32.msk $0xffff, v3;
	_ =	sdelay $0x1  }
0x1e2: {  	v11 =	vbroadcast v8, $0xB;
	_ =	sdelay $0x1  }
0x1e3: {  	v10 =	vmax.f32 v10, v11;
	(v2sf) =	vpush v9, $0xE  }
0x1e4: {  	[tilespmem:s16+$0xA800] =	vst v10;
	s16 =	spop (v2sf)  }
0x1e5: {  	v10 =	vld [tilespmem:s16+$0x8800]  }
0x1e6: {  	[tilespmem:s16+$0xC800] =	vst.add.f32.msk $0xffff, v3;
	_ =	sdelay $0x1  }
0x1e7: {  	v11 =	vbroadcast v8, $0xC;
	_ =	sdelay $0x1  }
0x1e8: {  	v10 =	vmax.f32 v10, v11;
	(v2sf) =	vpush v9, $0xF  }
0x1e9: {  	[tilespmem:s16+$0x8800] =	vst v10;
	s16 =	spop (v2sf)  }
0x1ea: {  	v9 =	vld [tilespmem:s16+$0xA800]  }
0x1eb: {  	[tilespmem:s16+$0xC800] =	vst.add.f32.msk $0xffff, v3;
	_ =	sdelay $0x1  }
0x1ec: {  	v10 =	vbroadcast v8, $0xD;
	_ =	sdelay $0x1  }
0x1ed: {  	v9 =	vmax.f32 v9, v10  }
0x1ee: {  	[tilespmem:s16+$0xA800] =	vst v9;
	s16 =	spop (v2sf)  }
0x1ef: {  	v9 =	vld [tilespmem:s16+$0x8800]  }
0x1f0: {  	[tilespmem:s16+$0xC800] =	vst.add.f32.msk $0xffff, v3;
	_ =	sdelay $0x1  }
0x1f1: {  	v10 =	vbroadcast v8, $0xE;
	_ =	sdelay $0x1  }
0x1f2: {  	v9 =	vmax.f32 v9, v10  }
0x1f3: {  	[tilespmem:s16+$0x8800] =	vst v9;
	s16 =	spop (v2sf)  }
0x1f4: {  	v9 =	vld [tilespmem:s16+$0xA800]  }
.Ltmp4:
0x1f5: {  	[tilespmem:s16+$0xC800] =	vst.add.f32.msk $0xffff, v3;
	(pc) =	sbr.rel @p0 .LBB2_11-.Ltmp4, $3  }
0x1f6: {  	_ = 	snop  }
0x1f7: {  	v8 =	vbroadcast v8, $0xF;
	_ =	sdelay $0x1  }
0x1f8: {  	v8 =	vmax.f32 v9, v8  }
0x1f9: {  	_ =	sdelay $0x2  }
0x1fa: {  	s14 =	sshra.s32 s14, $0x2;
	[tilespmem:s16+$0xA800] =	vst v8  }
0x1fb: {  	v6 =	vld.idx.msk [tilespmem:v6+s14+$0x0 ss:$0x1], $0xffff;
	_ =	sdelay $0x4  }
0x1fc: {  	v6 =	vsub.s32 v6, v0  }
0x1fd: {  	v6 =	vshll.u32 v6, $0x4  }
0x1fe: {  	(v2sf) =	vpush v6, $0x0;
	_ =	sdelay $0x6  }
0x1ff: {  	(v2sf) =	vpush v6, $0x1;
	_ =	sdelay $0x6  }
0x200: {  	v7 =	vld.idx.msk [tilespmem:v7+s14+$0x0 ss:$0x1], $0xffff;
	(v2sf) =	vpush v6, $0x2  }
0x201: {  	s15 =	spop (v2sf)  }
0x202: {  	v8 =	vld [tilespmem:s15+$0x8800];
	_ =	sdelay $0x2  }
0x203: {  	v9 =	vbroadcast v7, $0x0;
	_ =	sdelay $0x1  }
0x204: {  	(v2sf) =	vpush v6, $0x3;
	[tilespmem:s15+$0xC800] =	vst.add.f32.msk $0xffff, v3;
	v8 =	vmax.f32 v8, v9  }
0x205: {  	s16 =	spop (v2sf);
	[tilespmem:s15+$0x8800] =	vst v8  }
0x206: {  	v8 =	vld [tilespmem:s16+$0xA800];
	_ =	sdelay $0x2  }
0x207: {  	v50 =	vbroadcast v7, $0x1;
	_ =	sdelay $0x1  }
0x208: {  	(v2sf) =	vpush v6, $0x4;
	[tilespmem:s16+$0xC800] =	vst.add.f32.msk $0xffff, v3;
	v8 =	vmax.f32 v8, v50  }
0x209: {  	s17 =	spop (v2sf);
	[tilespmem:s16+$0xA800] =	vst v8  }
0x20a: {  	v8 =	vld [tilespmem:s17+$0x8800];
	_ =	sdelay $0x2  }
0x20b: {  	v51 =	vbroadcast v7, $0x2;
	_ =	sdelay $0x1  }
0x20c: {  	(v2sf) =	vpush v6, $0x5;
	[tilespmem:s17+$0xC800] =	vst.add.f32.msk $0xffff, v3;
	v8 =	vmax.f32 v8, v51  }
0x20d: {  	s18 =	spop (v2sf);
	[tilespmem:s17+$0x8800] =	vst v8  }
0x20e: {  	v8 =	vld [tilespmem:s18+$0xA800];
	_ =	sdelay $0x2  }
0x20f: {  	v52 =	vbroadcast v7, $0x3;
	_ =	sdelay $0x1  }
0x210: {  	(v2sf) =	vpush v6, $0x6;
	[tilespmem:s18+$0xC800] =	vst.add.f32.msk $0xffff, v3;
	v8 =	vmax.f32 v8, v52  }
0x211: {  	s15 =	spop (v2sf);
	[tilespmem:s18+$0xA800] =	vst v8  }
0x212: {  	v8 =	vld [tilespmem:s15+$0x8800];
	_ =	sdelay $0x2  }
0x213: {  	v53 =	vbroadcast v7, $0x4;
	_ =	sdelay $0x1  }
0x214: {  	(v2sf) =	vpush v6, $0x7;
	[tilespmem:s15+$0xC800] =	vst.add.f32.msk $0xffff, v3;
	v8 =	vmax.f32 v8, v53  }
0x215: {  	s16 =	spop (v2sf);
	[tilespmem:s15+$0x8800] =	vst v8  }
0x216: {  	v8 =	vld [tilespmem:s16+$0xA800];
	_ =	sdelay $0x2  }
0x217: {  	v54 =	vbroadcast v7, $0x5;
	_ =	sdelay $0x1  }
0x218: {  	(v2sf) =	vpush v6, $0x8;
	[tilespmem:s16+$0xC800] =	vst.add.f32.msk $0xffff, v3;
	v8 =	vmax.f32 v8, v54  }
0x219: {  	s17 =	spop (v2sf);
	[tilespmem:s16+$0xA800] =	vst v8  }
0x21a: {  	v8 =	vld [tilespmem:s17+$0x8800];
	_ =	sdelay $0x2  }
0x21b: {  	v55 =	vbroadcast v7, $0x6;
	_ =	sdelay $0x1  }
0x21c: {  	(v2sf) =	vpush v6, $0x9;
	[tilespmem:s17+$0xC800] =	vst.add.f32.msk $0xffff, v3;
	v8 =	vmax.f32 v8, v55  }
0x21d: {  	s18 =	spop (v2sf);
	[tilespmem:s17+$0x8800] =	vst v8  }
0x21e: {  	v8 =	vld [tilespmem:s18+$0xA800];
	_ =	sdelay $0x2  }
0x21f: {  	v56 =	vbroadcast v7, $0x7;
	_ =	sdelay $0x1  }
0x220: {  	(v2sf) =	vpush v6, $0xA;
	[tilespmem:s18+$0xC800] =	vst.add.f32.msk $0xffff, v3;
	v8 =	vmax.f32 v8, v56  }
0x221: {  	s15 =	spop (v2sf);
	[tilespmem:s18+$0xA800] =	vst v8  }
0x222: {  	v8 =	vld [tilespmem:s15+$0x8800];
	_ =	sdelay $0x2  }
0x223: {  	v57 =	vbroadcast v7, $0x8;
	_ =	sdelay $0x1  }
0x224: {  	(v2sf) =	vpush v6, $0xB;
	[tilespmem:s15+$0xC800] =	vst.add.f32.msk $0xffff, v3;
	v8 =	vmax.f32 v8, v57  }
0x225: {  	s16 =	spop (v2sf);
	[tilespmem:s15+$0x8800] =	vst v8  }
0x226: {  	v8 =	vld [tilespmem:s16+$0xA800];
	_ =	sdelay $0x2  }
0x227: {  	v58 =	vbroadcast v7, $0x9;
	_ =	sdelay $0x1  }
0x228: {  	(v2sf) =	vpush v6, $0xC;
	[tilespmem:s16+$0xC800] =	vst.add.f32.msk $0xffff, v3;
	v8 =	vmax.f32 v8, v58  }
0x229: {  	s17 =	spop (v2sf);
	[tilespmem:s16+$0xA800] =	vst v8  }
0x22a: {  	v8 =	vld [tilespmem:s17+$0x8800];
	_ =	sdelay $0x2  }
0x22b: {  	v59 =	vbroadcast v7, $0xA;
	_ =	sdelay $0x1  }
0x22c: {  	(v2sf) =	vpush v6, $0xD;
	[tilespmem:s17+$0xC800] =	vst.add.f32.msk $0xffff, v3;
	v8 =	vmax.f32 v8, v59  }
0x22d: {  	s18 =	spop (v2sf);
	[tilespmem:s17+$0x8800] =	vst v8  }
0x22e: {  	v8 =	vld [tilespmem:s18+$0xA800];
	_ =	sdelay $0x2  }
0x22f: {  	v60 =	vbroadcast v7, $0xB;
	_ =	sdelay $0x1  }
0x230: {  	(v2sf) =	vpush v6, $0xE;
	[tilespmem:s18+$0xC800] =	vst.add.f32.msk $0xffff, v3;
	v8 =	vmax.f32 v8, v60  }
0x231: {  	s15 =	spop (v2sf);
	[tilespmem:s18+$0xA800] =	vst v8  }
0x232: {  	v8 =	vld [tilespmem:s15+$0x8800];
	_ =	sdelay $0x2  }
0x233: {  	v61 =	vbroadcast v7, $0xC;
	_ =	sdelay $0x1  }
0x234: {  	(v2sf) =	vpush v6, $0xF;
	[tilespmem:s15+$0xC800] =	vst.add.f32.msk $0xffff, v3;
	v8 =	vmax.f32 v8, v61  }
0x235: {  	s16 =	spop (v2sf);
	[tilespmem:s15+$0x8800] =	vst v8  }
0x236: {  	v6 =	vld [tilespmem:s16+$0xA800];
	_ =	sdelay $0x2  }
0x237: {  	v62 =	vbroadcast v7, $0xD;
	_ =	sdelay $0x1  }
0x238: {  	[tilespmem:s16+$0xC800] =	vst.add.f32.msk $0xffff, v3;
	v6 =	vmax.f32 v6, v62  }
0x239: {  	s17 =	spop (v2sf);
	[tilespmem:s16+$0xA800] =	vst v6  }
0x23a: {  	v6 =	vld [tilespmem:s17+$0x8800];
	_ =	sdelay $0x2  }
0x23b: {  	v63 =	vbroadcast v7, $0xE;
	_ =	sdelay $0x1  }
0x23c: {  	[tilespmem:s17+$0xC800] =	vst.add.f32.msk $0xffff, v3;
	v6 =	vmax.f32 v6, v63  }
0x23d: {  	s18 =	spop (v2sf);
	[tilespmem:s17+$0x8800] =	vst v6  }
0x23e: {  	v6 =	vld [tilespmem:s18+$0xA800];
	_ =	sdelay $0x2  }
0x23f: {  	s13 =	sadd.s32 $0x1, s13;
	v7 =	vbroadcast v7, $0xF  }
0x240: {  	p0 =	sne.s32 s13, $0x4  }
.Ltmp5:
0x241: {  	[tilespmem:s18+$0xC800] =	vst.add.f32.msk $0xffff, v3;
	v6 =	vmax.f32 v6, v7;
	(pc) =	sbr.rel @p0 .LBB2_8-.Ltmp5, $4  }
0x242: {  	[tilespmem:s18+$0xA800] =	vst v6  }
0x243: {  	_ =	swait.ge [sflag:s30], $0x4000  }
0x244: {  	s5 =	sadd.s32 $0x100, s5;
	s12 =	sadd.s32 $0x100, s12;
	[sflag:s30] =	ssyncset.done $0x0  }
0x245: {  	s7 =	sadd.s32 $0x100, s7;
	s8 =	sadd.s32 $0x100, s8;
	[sflag:s30] =	ssyncadd.s32 $0xFFFFC000  }
0x246: {  	s4 =	simm.s32 $0x0  }
0x247: {  	s5 =	simm.s32 $0x40;
	v6 =	vld [tilespmem:s4+$0xA800]  }
.LBB2_14:
0x248: {  	p0 =	sne.s32 s5, $0x7FC0;
	v7 =	vld [tilespmem:s4+$0x8800];
	_ =	sdelay $0x1  }
.Ltmp6:
0x249: {  	(pc) =	sbr.rel @p0 .LBB2_14-.Ltmp6, $3  }
0x24a: {  	_ =	sdelay $0x1  }
0x24b: {  	s7 =	sshra.s32 s5, $0x2;
	v7 =	vmax.f32 v7, v6  }
0x24c: {  	s5 =	sadd.s32 $0x40, s5;
	v6 =	vld [tilespmem:s7+$0xA800];
	[tilespmem:s4+$0x8800] =	vst v7;
	s4 =	smov.u32 s7  }
0x24d: {  	v7 =	vld [tilespmem:s4+$0x8800];
	_ =	sdelay $0x4  }
0x24e: {  	s8 =	rddreg [dreg:$0xc];
	v6 =	vmax.f32 v7, v6  }
0x24f: {  	s5 =	rddreg [dreg:$0x10];
	[tilespmem:s4+$0x8800] =	vst v6  }
0x250: {  	[spmem:s8] =	stream.strided.scatter [tilespmem:s5], [sflag:$0x5], $0x1000, s25, s24, $0x38;
	[tilespmem:$0x19A00] =	vst v63  }
0x251: {  	_ =	swait.ge [sflag:s23], $0x1000  }
0x252: {  	[sflag:s23] =	ssyncset.done $0x0;
	s12 =	rddreg [dreg:$0xd]  }
0x253: {  	s13 =	rddreg [dreg:$0x11];
	[sflag:s23] =	ssyncadd.s32 $0xFFFFF000  }
0x254: {  	[spmem:s12] =	stream.strided.scatter [tilespmem:s13], [sflag:$0x5], $0x1000, s25, s24, $0x38;
	[tilespmem:$0x19A00] =	vst v63  }
0x255: {  	_ =	swait.ge [sflag:s23], $0x1000  }
0x256: {  	[sflag:s23] =	ssyncset.done $0x0  }
0x257: {  	[sflag:s23] =	ssyncadd.s32 $0xFFFFF000  }
0x258: {  	[bflag:$0x0] =	sbarrier.arrive $0xFFFF  }
0x259: {  	[tilespmem:s28], [sflag:$0x1] =	stream.linear.gather [spmem:s9], $0x4000, $0x38;
	[tilespmem:$0x19A00] =	vst v63  }
0x25a: {  	_ = 	snop  }
0x25b: {  	[tilespmem:s26], [sflag:$0x2] =	stream.linear.gather [spmem:s10], $0x4000, $0x38;
	[tilespmem:$0x19A00] =	vst v63  }
0x25c: {  	s15 =	simm.s32 $0xE800;
	s14 =	rddreg [dreg:$0xe]  }
0x25d: {  	[tilespmem:s15], [sflag:$0x3] =	stream.strided.gather [spmem:s14], $0x1000, s25, s24, $0x38;
	[tilespmem:$0x19A00] =	vst v63  }
0x25e: {  	s17 =	simm.s32 $0xA800;
	s16 =	rddreg [dreg:$0xf]  }
0x25f: {  	[tilespmem:s17], [sflag:$0x4] =	stream.strided.gather [spmem:s16], $0x1000, s25, s24, $0x38;
	[tilespmem:$0x19A00] =	vst v63  }
0x260: {  	_ =	swait.ge [sflag:s30], $0x1000  }
0x261: {  	[sflag:s30] =	ssyncset.done $0x0  }
0x262: {  	[sflag:s30] =	ssyncadd.s32 $0xFFFFF000  }
0x263: {  	_ =	swait.ge [sflag:s31], $0x4000  }
0x264: {  	[sflag:s31] =	ssyncset.done $0x0  }
0x265: {  	s18 =	simm.s32 $0x0;
	[sflag:s31] =	ssyncadd.s32 $0xFFFFC000  }
0x266: {  	v6 =	vld.idx.msk [tilespmem:v4+s18+$0x0 ss:$0x1], $0xffff  }
0x267: {  	v7 =	vld [tilespmem:s18+$0xE800];
	_ =	sdelay $0x4  }
0x268: {  	v6 =	vadd.f32 v7, v6;
	_ =	sdelay $0x1  }
0x269: {  	v6 =	vmax.f32 v6, $1.000000000e+00  }
0x26a: {  	(erf) = vrcp.f32 v6;
	_ =	sdelay $0x3  }
0x26b: {  	s4 =	simm.s32 $0x840  }
0x26c: {  	v6 =	vld [tilespmem:s4+$0xFFFFFFC0]  }
0x26d: {  	v7 =	vld [tilespmem:s4+$0xFFFFFFD0]  }
0x26e: {  	v8 =	vld [tilespmem:s4+$0xFFFFFFE0]  }
0x26f: {  	v12 =	vld [tilespmem:s4+$0x10]  }
0x270: {  	v9 =	vld [tilespmem:s4+$0xFFFFFFF0];
	v11 =	vpop (erf)  }
0x271: {  	v10 =	vld [tilespmem:s4+$0x0];
	v6 =	vmul.f32 v11, v6  }
0x272: {  	v13 =	vld [tilespmem:s4+$0x20];
	v7 =	vmul.f32 v11, v7  }
0x273: {  	v14 =	vld [tilespmem:s4+$0x30];
	v8 =	vmul.f32 v8, v11;
	[tilespmem:s4+$0xFFFFFFC0] =	vst v6  }
0x274: {  	v63 =	vmul.f32 v12, v11;
	[tilespmem:s4+$0xFFFFFFD0] =	vst v7  }
0x275: {  	v6 =	vmul.f32 v9, v11;
	[tilespmem:s4+$0xFFFFFFE0] =	vst v8  }
0x276: {  	v7 =	vmul.f32 v10, v11;
	[tilespmem:s4+$0x10] =	vst v63  }
0x277: {  	[tilespmem:s4+$0xFFFFFFF0] =	vst v6;
	v6 =	vmul.f32 v13, v11  }
0x278: {  	[tilespmem:s4+$0x0] =	vst v7;
	v7 =	vmul.f32 v14, v11  }
0x279: {  	[tilespmem:s4+$0x20] =	vst v6  }
0x27a: {  	s7 =	simm.s32 $0x10;
	s5 =	simm.s32 $0x80;
	[tilespmem:s4+$0x30] =	vst v7  }
.LBB2_16:
0x27b: {  	p0 =	sne.s32 s5, $0x1FC0;
	v6 =	vld.idx.msk [tilespmem:v4+s7+$0x0 ss:$0x1], $0xffff  }
0x27c: {  	v7 =	vld [tilespmem:s7+$0xE800];
	_ =	sdelay $0x4  }
0x27d: {  	v6 =	vadd.f32 v7, v6;
	_ =	sdelay $0x1  }
0x27e: {  	v6 =	vmax.f32 v6, $1.000000000e+00  }
0x27f: {  	s4 =	sadd.s32 $0x80, s4;
	(erf) = vrcp.f32 v6  }
0x280: {  	v6 =	vld [tilespmem:s4+$0xFFFFFFF0]  }
0x281: {  	v7 =	vld [tilespmem:s4+$0x30]  }
0x282: {  	v8 =	vld [tilespmem:s4+$0x10]  }
0x283: {  	v9 =	vld [tilespmem:s4+$0xFFFFFFD0]  }
0x284: {  	v10 =	vld [tilespmem:s4+$0xFFFFFFC0]  }
0x285: {  	v11 =	vld [tilespmem:s4+$0xFFFFFFE0]  }
0x286: {  	v12 =	vld [tilespmem:s4+$0x0]  }
0x287: {  	v13 =	vld [tilespmem:s4+$0x20]  }
0x288: {  	v14 =	vpop (erf)  }
0x289: {  	v10 =	vmul.f32 v14, v10;
	v9 =	vmul.f32 v14, v9  }
0x28a: {  	v6 =	vmul.f32 v6, v14;
	v11 =	vmul.f32 v11, v14  }
0x28b: {  	v8 =	vmul.f32 v8, v14;
	[tilespmem:s4+$0xFFFFFFC0] =	vst v10;
	v10 =	vmul.f32 v12, v14  }
0x28c: {  	v7 =	vmul.f32 v7, v14;
	[tilespmem:s4+$0xFFFFFFD0] =	vst v9;
	v9 =	vmul.f32 v13, v14  }
0x28d: {  	[tilespmem:s4+$0xFFFFFFE0] =	vst v11  }
.Ltmp7:
0x28e: {  	[tilespmem:s4+$0xFFFFFFF0] =	vst v6;
	(pc) =	sbr.rel @p0 .LBB2_16-.Ltmp7, $4  }
0x28f: {  	[tilespmem:s4+$0x0] =	vst v10  }
0x290: {  	[tilespmem:s4+$0x10] =	vst v8  }
0x291: {  	[tilespmem:s4+$0x20] =	vst v9  }
0x292: {  	s7 =	sshra.s32 s5, $0x2;
	s5 =	sadd.s32 $0x40, s5;
	[tilespmem:s4+$0x30] =	vst v7  }
0x293: {  	_ =	sdelay $0x3  }
0x294: {  	v6 =	vld.idx.msk [tilespmem:v4+s7+$0x0 ss:$0x1], $0xffff  }
0x295: {  	v7 =	vld [tilespmem:s7+$0xE800];
	_ =	sdelay $0x4  }
0x296: {  	v6 =	vadd.f32 v7, v6;
	_ =	sdelay $0x1  }
0x297: {  	v6 =	vmax.f32 v6, $1.000000000e+00  }
0x298: {  	(erf) = vrcp.f32 v6;
	_ =	sdelay $0x3  }
0x299: {  	s4 =	sadd.s32 $0x80, s4  }
0x29a: {  	v6 =	vld [tilespmem:s4+$0xFFFFFFC0]  }
0x29b: {  	v7 =	vld [tilespmem:s4+$0xFFFFFFD0]  }
0x29c: {  	v8 =	vld [tilespmem:s4+$0xFFFFFFE0]  }
0x29d: {  	v9 =	vld [tilespmem:s4+$0xFFFFFFF0]  }
0x29e: {  	v10 =	vld [tilespmem:s4+$0x0];
	v11 =	vpop (erf)  }
0x29f: {  	v12 =	vld [tilespmem:s4+$0x10];
	v6 =	vmul.f32 v11, v6  }
0x2a0: {  	v13 =	vld [tilespmem:s4+$0x20];
	v7 =	vmul.f32 v11, v7  }
0x2a1: {  	v14 =	vld [tilespmem:s4+$0x30];
	v8 =	vmul.f32 v8, v11;
	[tilespmem:s4+$0xFFFFFFC0] =	vst v6  }
0x2a2: {  	v6 =	vmul.f32 v9, v11;
	[tilespmem:s4+$0xFFFFFFD0] =	vst v7  }
0x2a3: {  	v7 =	vmul.f32 v10, v11;
	[tilespmem:s4+$0xFFFFFFE0] =	vst v8  }
0x2a4: {  	v8 =	vmul.f32 v12, v11;
	[tilespmem:s4+$0xFFFFFFF0] =	vst v6  }
0x2a5: {  	v6 =	vmul.f32 v13, v11;
	[tilespmem:s4+$0x0] =	vst v7  }
0x2a6: {  	v7 =	vmul.f32 v14, v11;
	[tilespmem:s4+$0x10] =	vst v8  }
0x2a7: {  	[tilespmem:s4+$0x20] =	vst v6  }
0x2a8: {  	s17 =	simm.s32 $0x0;
	s5 =	rddreg [dreg:$0x12];
	[tilespmem:s4+$0x30] =	vst v7  }
0x2a9: {  	[hbm4b:s5+s17] =	stream.linear.scatter [tilespmem:s28], [sflag:$0x1], $0x4000, $0x38;
	[tilespmem:$0x19A00] =	vst v63  }
0x2aa: {  	_ =	swait.ge [sflag:s29], $0x4000  }
0x2ab: {  	[sflag:s29] =	ssyncset.done $0x0  }
0x2ac: {  	s4 =	sand.u32 $0x7F0, s17;
	[sflag:s29] =	ssyncadd.s32 $0xFFFFC000  }
0x2ad: {  	v6 =	vld [tilespmem:s4+$0xF000]  }
0x2ae: {  	v7 =	vld [tilespmem:s22+$0x0];
	_ =	sdelay $0x4  }
0x2af: {  	v6 =	vadd.f32 v6, v7;
	_ =	sdelay $0x1  }
0x2b0: {  	v6 =	vmax.f32 v6, $1.000000000e+00  }
0x2b1: {  	(erf) = vrcp.f32 v6;
	_ =	sdelay $0x3  }
0x2b2: {  	s4 =	simm.s32 $0x4840  }
0x2b3: {  	v6 =	vld [tilespmem:s4+$0xFFFFFFC0]  }
0x2b4: {  	v7 =	vld [tilespmem:s4+$0xFFFFFFD0]  }
0x2b5: {  	v8 =	vld [tilespmem:s4+$0xFFFFFFE0]  }
0x2b6: {  	v58 =	vld [tilespmem:s4+$0xFFFFFFF0]  }
0x2b7: {  	v59 =	vld [tilespmem:s4+$0x0];
	v60 =	vpop (erf)  }
0x2b8: {  	v61 =	vld [tilespmem:s4+$0x10];
	v6 =	vmul.f32 v60, v6  }
0x2b9: {  	v62 =	vld [tilespmem:s4+$0x20];
	v7 =	vmul.f32 v60, v7  }
0x2ba: {  	v63 =	vld [tilespmem:s4+$0x30];
	v8 =	vmul.f32 v8, v60;
	[tilespmem:s4+$0xFFFFFFC0] =	vst v6  }
0x2bb: {  	v6 =	vmul.f32 v58, v60;
	[tilespmem:s4+$0xFFFFFFD0] =	vst v7  }
0x2bc: {  	v7 =	vmul.f32 v59, v60;
	[tilespmem:s4+$0xFFFFFFE0] =	vst v8  }
0x2bd: {  	v8 =	vmul.f32 v61, v60;
	[tilespmem:s4+$0xFFFFFFF0] =	vst v6  }
0x2be: {  	v6 =	vmul.f32 v62, v60;
	[tilespmem:s4+$0x0] =	vst v7  }
0x2bf: {  	v7 =	vmul.f32 v63, v60;
	[tilespmem:s4+$0x10] =	vst v8  }
0x2c0: {  	s18 =	simm.s32 $0x10;
	[tilespmem:s4+$0x20] =	vst v6  }
0x2c1: {  	s5 =	sand.u32 $0x7F0, s18;
	[tilespmem:s4+$0x30] =	vst v7  }
0x2c2: {  	s7 =	simm.s32 $0x20;
	v6 =	vld [tilespmem:s5+$0xF000];
	s5 =	sadd.s32 $0x10, s22  }
.LBB2_18:
0x2c3: {  	p0 =	sne.s32 s7, $0x7F0;
	v7 =	vld [tilespmem:s5+$0x0];
	_ =	sdelay $0x4  }
0x2c4: {  	v6 =	vadd.f32 v6, v7;
	_ =	sdelay $0x1  }
0x2c5: {  	v6 =	vmax.f32 v6, $1.000000000e+00  }
0x2c6: {  	s4 =	sadd.s32 $0x80, s4;
	(erf) = vrcp.f32 v6  }
0x2c7: {  	v6 =	vld [tilespmem:s4+$0xFFFFFFF0]  }
0x2c8: {  	v7 =	vld [tilespmem:s4+$0x30]  }
0x2c9: {  	v8 =	vld [tilespmem:s4+$0x10]  }
0x2ca: {  	v9 =	vld [tilespmem:s4+$0xFFFFFFD0]  }
0x2cb: {  	v10 =	vld [tilespmem:s4+$0xFFFFFFC0]  }
0x2cc: {  	v11 =	vld [tilespmem:s4+$0xFFFFFFE0]  }
0x2cd: {  	v12 =	vld [tilespmem:s4+$0x0]  }
0x2ce: {  	v13 =	vld [tilespmem:s4+$0x20]  }
0x2cf: {  	v14 =	vpop (erf)  }
0x2d0: {  	v10 =	vmul.f32 v14, v10;
	v9 =	vmul.f32 v14, v9  }
0x2d1: {  	v6 =	vmul.f32 v6, v14;
	v11 =	vmul.f32 v11, v14  }
0x2d2: {  	v8 =	vmul.f32 v8, v14;
	[tilespmem:s4+$0xFFFFFFC0] =	vst v10;
	v10 =	vmul.f32 v12, v14  }
0x2d3: {  	v7 =	vmul.f32 v7, v14;
	[tilespmem:s4+$0xFFFFFFD0] =	vst v9;
	v9 =	vmul.f32 v13, v14  }
0x2d4: {  	[tilespmem:s4+$0xFFFFFFE0] =	vst v11  }
0x2d5: {  	[tilespmem:s4+$0xFFFFFFF0] =	vst v6  }
.Ltmp8:
0x2d6: {  	[tilespmem:s4+$0x0] =	vst v10;
	(pc) =	sbr.rel @p0 .LBB2_18-.Ltmp8, $4  }
0x2d7: {  	[tilespmem:s4+$0x10] =	vst v8  }
0x2d8: {  	[tilespmem:s4+$0x20] =	vst v9  }
0x2d9: {  	s8 =	sand.u32 $0x7F0, s7;
	[tilespmem:s4+$0x30] =	vst v7  }
0x2da: {  	s7 =	sadd.s32 $0x10, s7;
	s5 =	sadd.s32 $0x10, s5;
	v6 =	vld [tilespmem:s8+$0xF000]  }
0x2db: {  	v7 =	vld [tilespmem:s5+$0x0];
	_ =	sdelay $0x4  }
0x2dc: {  	v6 =	vadd.f32 v6, v7;
	_ =	sdelay $0x1  }
0x2dd: {  	v6 =	vmax.f32 v6, $1.000000000e+00  }
0x2de: {  	(erf) = vrcp.f32 v6;
	_ =	sdelay $0x3  }
0x2df: {  	s4 =	sadd.s32 $0x80, s4  }
0x2e0: {  	v6 =	vld [tilespmem:s4+$0xFFFFFFC0]  }
0x2e1: {  	v7 =	vld [tilespmem:s4+$0xFFFFFFD0]  }
0x2e2: {  	v8 =	vld [tilespmem:s4+$0xFFFFFFE0]  }
0x2e3: {  	v9 =	vld [tilespmem:s4+$0xFFFFFFF0]  }
0x2e4: {  	v10 =	vld [tilespmem:s4+$0x0];
	v11 =	vpop (erf)  }
0x2e5: {  	v12 =	vld [tilespmem:s4+$0x10];
	v6 =	vmul.f32 v11, v6  }
0x2e6: {  	v13 =	vld [tilespmem:s4+$0x20];
	v7 =	vmul.f32 v11, v7  }
0x2e7: {  	v14 =	vld [tilespmem:s4+$0x30];
	v8 =	vmul.f32 v8, v11;
	[tilespmem:s4+$0xFFFFFFC0] =	vst v6  }
0x2e8: {  	v6 =	vmul.f32 v9, v11;
	[tilespmem:s4+$0xFFFFFFD0] =	vst v7  }
0x2e9: {  	v7 =	vmul.f32 v10, v11;
	[tilespmem:s4+$0xFFFFFFE0] =	vst v8  }
0x2ea: {  	v8 =	vmul.f32 v12, v11;
	[tilespmem:s4+$0xFFFFFFF0] =	vst v6  }
0x2eb: {  	v6 =	vmul.f32 v13, v11;
	[tilespmem:s4+$0x0] =	vst v7  }
0x2ec: {  	v7 =	vmul.f32 v14, v11;
	[tilespmem:s4+$0x10] =	vst v8  }
0x2ed: {  	[tilespmem:s4+$0x20] =	vst v6  }
0x2ee: {  	s17 =	simm.s32 $0x0;
	[tilespmem:s4+$0x30] =	vst v7  }
0x2ef: {  	[hbm4b:s19+s17] =	stream.linear.scatter [tilespmem:s26], [sflag:$0x2], $0x4000, $0x38;
	[tilespmem:$0x19A00] =	vst v63  }
0x2f0: {  	_ =	swait.ge [sflag:s1], $0x1000  }
0x2f1: {  	[sflag:s1] =	ssyncset.done $0x0  }
0x2f2: {  	s18 =	simm.s32 $0x0;
	[sflag:s1] =	ssyncadd.s32 $0xFFFFF000  }
0x2f3: {  	v6 =	vld.idx.msk [tilespmem:v5+s18+$0xF0 ss:$0x1], $0xffff  }
0x2f4: {  	v7 =	vld.idx.msk [tilespmem:v5+s18+$0xE0 ss:$0x1], $0xffff  }
0x2f5: {  	v8 =	vld.idx.msk [tilespmem:v4+s18+$0xF0 ss:$0x1], $0xffff  }
0x2f6: {  	v9 =	vld [tilespmem:s18+$0xE8F0]  }
0x2f7: {  	v10 =	vld.idx.msk [tilespmem:v5+s18+$0xD0 ss:$0x1], $0xffff  }
0x2f8: {  	v11 =	vld.idx.msk [tilespmem:v4+s18+$0xE0 ss:$0x1], $0xffff  }
0x2f9: {  	v12 =	vld [tilespmem:s18+$0xE8E0]  }
0x2fa: {  	v13 =	vld.idx.msk [tilespmem:v5+s18+$0xC0 ss:$0x1], $0xffff  }
0x2fb: {  	v14 =	vld.idx.msk [tilespmem:v4+s18+$0xD0 ss:$0x1], $0xffff  }
0x2fc: {  	v15 =	vld [tilespmem:s18+$0xE8D0]  }
0x2fd: {  	v16 =	vld.idx.msk [tilespmem:v5+s18+$0xB0 ss:$0x1], $0xffff  }
0x2fe: {  	v17 =	vld.idx.msk [tilespmem:v4+s18+$0xC0 ss:$0x1], $0xffff  }
0x2ff: {  	v18 =	vld [tilespmem:s18+$0xE8C0]  }
0x300: {  	v19 =	vld.idx.msk [tilespmem:v5+s18+$0xA0 ss:$0x1], $0xffff  }
0x301: {  	v20 =	vld.idx.msk [tilespmem:v4+s18+$0xB0 ss:$0x1], $0xffff  }
0x302: {  	v21 =	vld [tilespmem:s18+$0xE8B0]  }
0x303: {  	v22 =	vld.idx.msk [tilespmem:v5+s18+$0x90 ss:$0x1], $0xffff  }
0x304: {  	v23 =	vld.idx.msk [tilespmem:v4+s18+$0xA0 ss:$0x1], $0xffff  }
0x305: {  	v24 =	vld [tilespmem:s18+$0xE8A0]  }
0x306: {  	v25 =	vld.idx.msk [tilespmem:v5+s18+$0x80 ss:$0x1], $0xffff  }
0x307: {  	v26 =	vld.idx.msk [tilespmem:v4+s18+$0x90 ss:$0x1], $0xffff  }
0x308: {  	v27 =	vld [tilespmem:s18+$0xE890]  }
0x309: {  	v28 =	vld.idx.msk [tilespmem:v5+s18+$0x70 ss:$0x1], $0xffff  }
0x30a: {  	v29 =	vld.idx.msk [tilespmem:v4+s18+$0x80 ss:$0x1], $0xffff  }
0x30b: {  	v30 =	vld [tilespmem:s18+$0xE880]  }
0x30c: {  	v31 =	vld.idx.msk [tilespmem:v5+s18+$0x60 ss:$0x1], $0xffff  }
0x30d: {  	v32 =	vld.idx.msk [tilespmem:v4+s18+$0x70 ss:$0x1], $0xffff  }
0x30e: {  	v33 =	vld [tilespmem:s18+$0xE870]  }
0x30f: {  	v34 =	vld.idx.msk [tilespmem:v5+s18+$0x50 ss:$0x1], $0xffff  }
0x310: {  	v35 =	vld.idx.msk [tilespmem:v4+s18+$0x60 ss:$0x1], $0xffff  }
0x311: {  	v36 =	vld [tilespmem:s18+$0xE860]  }
0x312: {  	v37 =	vld.idx.msk [tilespmem:v5+s18+$0x40 ss:$0x1], $0xffff  }
0x313: {  	v38 =	vld.idx.msk [tilespmem:v4+s18+$0x50 ss:$0x1], $0xffff  }
0x314: {  	v39 =	vld [tilespmem:s18+$0xE850]  }
0x315: {  	v40 =	vld.idx.msk [tilespmem:v5+s18+$0x30 ss:$0x1], $0xffff  }
0x316: {  	v41 =	vld.idx.msk [tilespmem:v4+s18+$0x40 ss:$0x1], $0xffff  }
0x317: {  	v42 =	vld [tilespmem:s18+$0xE840]  }
0x318: {  	v43 =	vld.idx.msk [tilespmem:v5+s18+$0x20 ss:$0x1], $0xffff  }
0x319: {  	v44 =	vld.idx.msk [tilespmem:v4+s18+$0x30 ss:$0x1], $0xffff  }
0x31a: {  	v45 =	vld [tilespmem:s18+$0xE830]  }
0x31b: {  	v46 =	vld [tilespmem:s18+$0xA800]  }
0x31c: {  	v47 =	vld.idx.msk [tilespmem:v5+s18+$0x0 ss:$0x1], $0xffff  }
0x31d: {  	v48 =	vld.idx.msk [tilespmem:v5+s18+$0x10 ss:$0x1], $0xffff  }
0x31e: {  	v49 =	vld.idx.msk [tilespmem:v4+s18+$0x20 ss:$0x1], $0xffff  }
0x31f: {  	v50 =	vld.idx.msk [tilespmem:v4+s18+$0x0 ss:$0x1], $0xffff  }
0x320: {  	v51 =	vld [tilespmem:s18+$0xE800]  }
0x321: {  	v52 =	vld.idx.msk [tilespmem:v4+s18+$0x10 ss:$0x1], $0xffff;
	v11 =	vadd.f32 v12, v11;
	v8 =	vadd.f32 v9, v8  }
0x322: {  	v9 =	vld [tilespmem:s18+$0xE810];
	v12 =	vadd.f32 v18, v17;
	v14 =	vadd.f32 v15, v14  }
0x323: {  	v15 =	vld [tilespmem:s18+$0xE820];
	v17 =	vadd.f32 v24, v23;
	v18 =	vadd.f32 v21, v20  }
0x324: {  	v20 =	vld [tilespmem:s18+$0xA810];
	v21 =	vadd.f32 v30, v29;
	v23 =	vadd.f32 v27, v26  }
0x325: {  	v24 =	vld [tilespmem:s18+$0xA820];
	v26 =	vadd.f32 v36, v35;
	v27 =	vadd.f32 v33, v32  }
0x326: {  	v29 =	vld [tilespmem:s18+$0xA830];
	v30 =	vadd.f32 v42, v41;
	v56 =	vadd.f32 v39, v38  }
0x327: {  	v58 =	vld [tilespmem:s18+$0xA840];
	v57 =	vadd.f32 v51, v50;
	v9 =	vadd.f32 v9, v52  }
0x328: {  	v60 =	vld [tilespmem:s18+$0xA850];
	v59 =	vadd.f32 v45, v44;
	v15 =	vadd.f32 v15, v49  }
0x329: {  	v62 =	vld [tilespmem:s18+$0xA860];
	v61 =	vmax.f32 v47, v46;
	v20 =	vmax.f32 v48, v20;
	v9 =	vsel vm0, v57, v9  }
0x32a: {  	v24 =	vmax.f32 v43, v24;
	v20 =	vsel vm0, v61, v20;
	v9 =	vsel vm1, v9, v15;
	v15 =	vld [tilespmem:s18+$0xA870]  }
0x32b: {  	v20 =	vsel vm1, v20, v24;
	v24 =	vmax.f32 v40, v29;
	v29 =	vld [tilespmem:s18+$0xA880];
	v9 =	vsel vm2, v9, v59  }
0x32c: {  	v20 =	vsel vm2, v20, v24;
	v24 =	vmax.f32 v37, v58;
	v9 =	vsel vm3, v9, v30;
	v30 =	vld [tilespmem:s18+$0xA890]  }
0x32d: {  	v63 =	vld [tilespmem:s18+$0xA8A0];
	v20 =	vsel vm3, v20, v24;
	v24 =	vmax.f32 v34, v60;
	v9 =	vsel vm4, v9, v56  }
0x32e: {  	v20 =	vsel vm4, v20, v24;
	v24 =	vmax.f32 v31, v62;
	v9 =	vsel vm5, v9, v26;
	v26 =	vld [tilespmem:s18+$0xA8B0]  }
0x32f: {  	v20 =	vsel vm5, v20, v24;
	v24 =	vld [tilespmem:s18+$0xA8C0];
	v15 =	vmax.f32 v28, v15;
	v9 =	vsel vm6, v9, v27  }
0x330: {  	v15 =	vsel vm6, v20, v15;
	v20 =	vmax.f32 v25, v29;
	v9 =	vsel vm7, v9, v21;
	v21 =	vld [tilespmem:s18+$0xA8D0]  }
0x331: {  	v15 =	vsel vm7, v15, v20;
	v20 =	vmax.f32 v22, v30;
	v9 =	vsel vm8, v9, v23;
	v22 =	vld [tilespmem:s18+$0xA8E0]  }
0x332: {  	v19 =	vmax.f32 v19, v63;
	v15 =	vsel vm8, v15, v20;
	v9 =	vsel vm9, v9, v17;
	v17 =	vld [tilespmem:s18+$0xA8F0]  }
0x333: {  	v15 =	vsel vm9, v15, v19;
	v16 =	vmax.f32 v16, v26;
	v9 =	vsel vm10, v9, v18  }
0x334: {  	v13 =	vmax.f32 v13, v24;
	v15 =	vsel vm10, v15, v16;
	v9 =	vsel vm11, v9, v12  }
0x335: {  	v12 =	vsel vm11, v15, v13;
	v10 =	vmax.f32 v10, v21;
	v9 =	vsel vm12, v9, v14  }
0x336: {  	v10 =	vsel vm12, v12, v10;
	v7 =	vmax.f32 v7, v22;
	v9 =	vsel vm13, v9, v11  }
0x337: {  	v7 =	vsel vm13, v10, v7;
	v6 =	vmax.f32 v6, v17;
	v8 =	vsel vm14, v9, v8  }
0x338: {  	v6 =	vsel vm14, v7, v6;
	vm15 =	vgt.f32 v8, $0.0e+00  }
0x339: {  	s4 =	simm.s32 $0xF800;
	v6 =	vnsel vm15, $0x0, v6  }
0x33a: {  	s5 =	simm.s32 $0x100;
	[tilespmem:s4+$0x0] =	vst v6  }
0x33b: {  	v6 =	vld.idx.msk [tilespmem:v5+s5+$0xF0 ss:$0x1], $0xffff  }
0x33c: {  	v7 =	vld.idx.msk [tilespmem:v5+s5+$0xE0 ss:$0x1], $0xffff  }
0x33d: {  	v17 =	vld.idx.msk [tilespmem:v4+s5+$0xF0 ss:$0x1], $0xffff  }
0x33e: {  	v18 =	vld [tilespmem:s5+$0xE8F0]  }
0x33f: {  	v8 =	vld.idx.msk [tilespmem:v5+s5+$0xD0 ss:$0x1], $0xffff  }
0x340: {  	v20 =	vld.idx.msk [tilespmem:v4+s5+$0xE0 ss:$0x1], $0xffff  }
0x341: {  	v22 =	vld [tilespmem:s5+$0xE8E0]  }
0x342: {  	v9 =	vld.idx.msk [tilespmem:v5+s5+$0xC0 ss:$0x1], $0xffff  }
0x343: {  	v21 =	vld.idx.msk [tilespmem:v4+s5+$0xD0 ss:$0x1], $0xffff  }
0x344: {  	v23 =	vld [tilespmem:s5+$0xE8D0]  }
0x345: {  	v10 =	vld.idx.msk [tilespmem:v5+s5+$0xB0 ss:$0x1], $0xffff  }
0x346: {  	v24 =	vld.idx.msk [tilespmem:v4+s5+$0xC0 ss:$0x1], $0xffff  }
0x347: {  	v27 =	vld [tilespmem:s5+$0xE8C0]  }
0x348: {  	v11 =	vld.idx.msk [tilespmem:v5+s5+$0xA0 ss:$0x1], $0xffff  }
0x349: {  	v25 =	vld.idx.msk [tilespmem:v4+s5+$0xB0 ss:$0x1], $0xffff  }
0x34a: {  	v28 =	vld [tilespmem:s5+$0xE8B0]  }
0x34b: {  	v12 =	vld.idx.msk [tilespmem:v5+s5+$0x90 ss:$0x1], $0xffff  }
0x34c: {  	v29 =	vld.idx.msk [tilespmem:v4+s5+$0xA0 ss:$0x1], $0xffff  }
0x34d: {  	v31 =	vld [tilespmem:s5+$0xE8A0]  }
0x34e: {  	v13 =	vld.idx.msk [tilespmem:v5+s5+$0x80 ss:$0x1], $0xffff  }
0x34f: {  	v30 =	vld.idx.msk [tilespmem:v4+s5+$0x90 ss:$0x1], $0xffff  }
0x350: {  	v32 =	vld [tilespmem:s5+$0xE890]  }
0x351: {  	v14 =	vld.idx.msk [tilespmem:v5+s5+$0x70 ss:$0x1], $0xffff  }
0x352: {  	v34 =	vld.idx.msk [tilespmem:v4+s5+$0x80 ss:$0x1], $0xffff  }
0x353: {  	v36 =	vld [tilespmem:s5+$0xE880]  }
0x354: {  	v15 =	vld.idx.msk [tilespmem:v5+s5+$0x60 ss:$0x1], $0xffff  }
0x355: {  	v35 =	vld.idx.msk [tilespmem:v4+s5+$0x70 ss:$0x1], $0xffff  }
0x356: {  	v37 =	vld [tilespmem:s5+$0xE870]  }
0x357: {  	v16 =	vld.idx.msk [tilespmem:v5+s5+$0x50 ss:$0x1], $0xffff  }
0x358: {  	v38 =	vld.idx.msk [tilespmem:v4+s5+$0x60 ss:$0x1], $0xffff  }
0x359: {  	v40 =	vld [tilespmem:s5+$0xE860]  }
0x35a: {  	v19 =	vld.idx.msk [tilespmem:v5+s5+$0x40 ss:$0x1], $0xffff  }
0x35b: {  	v39 =	vld.idx.msk [tilespmem:v4+s5+$0x50 ss:$0x1], $0xffff  }
0x35c: {  	v41 =	vld [tilespmem:s5+$0xE850]  }
0x35d: {  	v26 =	vld.idx.msk [tilespmem:v5+s5+$0x30 ss:$0x1], $0xffff  }
0x35e: {  	v46 =	vld.idx.msk [tilespmem:v4+s5+$0x40 ss:$0x1], $0xffff  }
0x35f: {  	v48 =	vld [tilespmem:s5+$0xE840]  }
0x360: {  	v33 =	vld.idx.msk [tilespmem:v5+s5+$0x20 ss:$0x1], $0xffff  }
0x361: {  	v42 =	vld.idx.msk [tilespmem:v4+s5+$0x30 ss:$0x1], $0xffff  }
0x362: {  	v44 =	vld [tilespmem:s5+$0xE830]  }
0x363: {  	v43 =	vld [tilespmem:s5+$0xA800]  }
0x364: {  	v45 =	vld.idx.msk [tilespmem:v5+s5+$0x0 ss:$0x1], $0xffff  }
0x365: {  	v47 =	vld.idx.msk [tilespmem:v5+s5+$0x10 ss:$0x1], $0xffff  }
0x366: {  	v49 =	vld.idx.msk [tilespmem:v4+s5+$0x20 ss:$0x1], $0xffff  }
0x367: {  	v50 =	vld.idx.msk [tilespmem:v4+s5+$0x0 ss:$0x1], $0xffff  }
0x368: {  	s7 =	simm.s32 $0x800;
	v51 =	vld [tilespmem:s5+$0xE800]  }
.LBB2_20:
0x369: {  	p0 =	sne.s32 s7, $0x3C00;
	v52 =	vld.idx.msk [tilespmem:v4+s5+$0x10 ss:$0x1], $0xffff;
	v20 =	vadd.f32 v22, v20;
	v17 =	vadd.f32 v18, v17  }
0x36a: {  	v22 =	vadd.f32 v27, v24;
	v21 =	vadd.f32 v23, v21;
	v18 =	vld [tilespmem:s5+$0xE810]  }
0x36b: {  	v24 =	vadd.f32 v31, v29;
	v25 =	vadd.f32 v28, v25;
	v23 =	vld [tilespmem:s5+$0xE820]  }
0x36c: {  	v28 =	vadd.f32 v36, v34;
	v29 =	vadd.f32 v32, v30;
	v27 =	vld [tilespmem:s5+$0xA810]  }
0x36d: {  	v31 =	vadd.f32 v40, v38;
	v32 =	vadd.f32 v37, v35;
	v30 =	vld [tilespmem:s5+$0xA820]  }
0x36e: {  	v35 =	vadd.f32 v48, v46;
	v36 =	vadd.f32 v41, v39;
	v34 =	vld [tilespmem:s5+$0xA830]  }
0x36f: {  	v37 =	vadd.f32 v51, v50;
	v18 =	vadd.f32 v18, v52;
	v38 =	vld [tilespmem:s5+$0xA840]  }
0x370: {  	v39 =	vadd.f32 v44, v42;
	v23 =	vadd.f32 v23, v49;
	v40 =	vld [tilespmem:s5+$0xA850]  }
0x371: {  	v41 =	vmax.f32 v45, v43;
	v27 =	vmax.f32 v47, v27;
	v18 =	vsel vm0, v37, v18;
	v37 =	vld [tilespmem:s5+$0xA860]  }
0x372: {  	v27 =	vsel vm0, v41, v27;
	v30 =	vmax.f32 v33, v30;
	v18 =	vsel vm1, v18, v23;
	v23 =	vld [tilespmem:s5+$0xA870]  }
0x373: {  	v27 =	vsel vm1, v27, v30;
	v26 =	vmax.f32 v26, v34;
	v18 =	vsel vm2, v18, v39;
	v30 =	vld [tilespmem:s5+$0xA880]  }
0x374: {  	v26 =	vsel vm2, v27, v26;
	v19 =	vmax.f32 v19, v38;
	v18 =	vsel vm3, v18, v35;
	v27 =	vld [tilespmem:s5+$0xA890]  }
0x375: {  	v19 =	vsel vm3, v26, v19;
	v16 =	vmax.f32 v16, v40;
	v18 =	vsel vm4, v18, v36;
	v26 =	vld [tilespmem:s5+$0xA8A0]  }
0x376: {  	v16 =	vsel vm4, v19, v16;
	v15 =	vmax.f32 v15, v37;
	v18 =	vsel vm5, v18, v31;
	v19 =	vld [tilespmem:s5+$0xA8B0]  }
0x377: {  	v15 =	vsel vm5, v16, v15;
	v14 =	vmax.f32 v14, v23;
	v16 =	vsel vm6, v18, v32;
	v18 =	vld [tilespmem:s5+$0xA8C0]  }
0x378: {  	v14 =	vsel vm6, v15, v14;
	v13 =	vmax.f32 v13, v30;
	v15 =	vsel vm7, v16, v28;
	v16 =	vld [tilespmem:s5+$0xA8D0]  }
0x379: {  	v13 =	vsel vm7, v14, v13;
	v12 =	vmax.f32 v12, v27;
	v14 =	vsel vm8, v15, v29;
	v15 =	vld [tilespmem:s5+$0xA8E0]  }
0x37a: {  	v12 =	vsel vm8, v13, v12;
	v11 =	vmax.f32 v11, v26;
	v13 =	vsel vm9, v14, v24;
	v14 =	vld [tilespmem:s5+$0xA8F0]  }
0x37b: {  	v11 =	vsel vm9, v12, v11;
	v10 =	vmax.f32 v10, v19;
	v12 =	vsel vm10, v13, v25  }
0x37c: {  	v10 =	vsel vm10, v11, v10;
	v9 =	vmax.f32 v9, v18;
	v11 =	vsel vm11, v12, v22  }
0x37d: {  	v9 =	vsel vm11, v10, v9;
	v8 =	vmax.f32 v8, v16;
	v10 =	vsel vm12, v11, v21  }
0x37e: {  	v8 =	vsel vm12, v9, v8;
	v7 =	vmax.f32 v7, v15;
	v9 =	vsel vm13, v10, v20  }
0x37f: {  	v7 =	vsel vm13, v8, v7;
	v6 =	vmax.f32 v6, v14;
	v8 =	vsel vm14, v9, v17  }
0x380: {  	v6 =	vsel vm14, v7, v6;
	vm15 =	vgt.f32 v8, $0.0e+00  }
0x381: {  	s4 =	sadd.s32 $0x10, s4;
	v6 =	vnsel vm15, $0x0, v6  }
0x382: {  	s5 =	sshra.s32 s7, $0x2;
	[tilespmem:s4+$0x0] =	vst v6  }
0x383: {  	v6 =	vld.idx.msk [tilespmem:v5+s5+$0xF0 ss:$0x1], $0xffff  }
0x384: {  	v7 =	vld.idx.msk [tilespmem:v5+s5+$0xE0 ss:$0x1], $0xffff  }
0x385: {  	v17 =	vld.idx.msk [tilespmem:v4+s5+$0xF0 ss:$0x1], $0xffff  }
0x386: {  	v18 =	vld [tilespmem:s5+$0xE8F0]  }
0x387: {  	v8 =	vld.idx.msk [tilespmem:v5+s5+$0xD0 ss:$0x1], $0xffff  }
0x388: {  	v20 =	vld.idx.msk [tilespmem:v4+s5+$0xE0 ss:$0x1], $0xffff  }
0x389: {  	v22 =	vld [tilespmem:s5+$0xE8E0]  }
0x38a: {  	v9 =	vld.idx.msk [tilespmem:v5+s5+$0xC0 ss:$0x1], $0xffff  }
0x38b: {  	v21 =	vld.idx.msk [tilespmem:v4+s5+$0xD0 ss:$0x1], $0xffff  }
0x38c: {  	v23 =	vld [tilespmem:s5+$0xE8D0]  }
0x38d: {  	v10 =	vld.idx.msk [tilespmem:v5+s5+$0xB0 ss:$0x1], $0xffff  }
0x38e: {  	v24 =	vld.idx.msk [tilespmem:v4+s5+$0xC0 ss:$0x1], $0xffff  }
0x38f: {  	v27 =	vld [tilespmem:s5+$0xE8C0]  }
0x390: {  	v11 =	vld.idx.msk [tilespmem:v5+s5+$0xA0 ss:$0x1], $0xffff  }
0x391: {  	v25 =	vld.idx.msk [tilespmem:v4+s5+$0xB0 ss:$0x1], $0xffff  }
0x392: {  	v28 =	vld [tilespmem:s5+$0xE8B0]  }
0x393: {  	v12 =	vld.idx.msk [tilespmem:v5+s5+$0x90 ss:$0x1], $0xffff  }
0x394: {  	v29 =	vld.idx.msk [tilespmem:v4+s5+$0xA0 ss:$0x1], $0xffff  }
0x395: {  	v31 =	vld [tilespmem:s5+$0xE8A0]  }
0x396: {  	v13 =	vld.idx.msk [tilespmem:v5+s5+$0x80 ss:$0x1], $0xffff  }
0x397: {  	v30 =	vld.idx.msk [tilespmem:v4+s5+$0x90 ss:$0x1], $0xffff  }
0x398: {  	v32 =	vld [tilespmem:s5+$0xE890]  }
0x399: {  	v14 =	vld.idx.msk [tilespmem:v5+s5+$0x70 ss:$0x1], $0xffff  }
0x39a: {  	v34 =	vld.idx.msk [tilespmem:v4+s5+$0x80 ss:$0x1], $0xffff  }
0x39b: {  	v36 =	vld [tilespmem:s5+$0xE880]  }
0x39c: {  	v15 =	vld.idx.msk [tilespmem:v5+s5+$0x60 ss:$0x1], $0xffff  }
0x39d: {  	v35 =	vld.idx.msk [tilespmem:v4+s5+$0x70 ss:$0x1], $0xffff  }
0x39e: {  	v37 =	vld [tilespmem:s5+$0xE870]  }
0x39f: {  	v16 =	vld.idx.msk [tilespmem:v5+s5+$0x50 ss:$0x1], $0xffff  }
0x3a0: {  	v38 =	vld.idx.msk [tilespmem:v4+s5+$0x60 ss:$0x1], $0xffff  }
0x3a1: {  	v40 =	vld [tilespmem:s5+$0xE860]  }
0x3a2: {  	v19 =	vld.idx.msk [tilespmem:v5+s5+$0x40 ss:$0x1], $0xffff  }
0x3a3: {  	v39 =	vld.idx.msk [tilespmem:v4+s5+$0x50 ss:$0x1], $0xffff  }
0x3a4: {  	v41 =	vld [tilespmem:s5+$0xE850]  }
0x3a5: {  	v26 =	vld.idx.msk [tilespmem:v5+s5+$0x30 ss:$0x1], $0xffff  }
0x3a6: {  	v46 =	vld.idx.msk [tilespmem:v4+s5+$0x40 ss:$0x1], $0xffff  }
0x3a7: {  	v48 =	vld [tilespmem:s5+$0xE840]  }
0x3a8: {  	v33 =	vld.idx.msk [tilespmem:v5+s5+$0x20 ss:$0x1], $0xffff  }
0x3a9: {  	v42 =	vld.idx.msk [tilespmem:v4+s5+$0x30 ss:$0x1], $0xffff  }
0x3aa: {  	v44 =	vld [tilespmem:s5+$0xE830]  }
0x3ab: {  	v43 =	vld [tilespmem:s5+$0xA800]  }
.Ltmp9:
0x3ac: {  	v45 =	vld.idx.msk [tilespmem:v5+s5+$0x0 ss:$0x1], $0xffff;
	(pc) =	sbr.rel @p0 .LBB2_20-.Ltmp9, $4  }
0x3ad: {  	v47 =	vld.idx.msk [tilespmem:v5+s5+$0x10 ss:$0x1], $0xffff  }
0x3ae: {  	v49 =	vld.idx.msk [tilespmem:v4+s5+$0x20 ss:$0x1], $0xffff  }
0x3af: {  	v50 =	vld.idx.msk [tilespmem:v4+s5+$0x0 ss:$0x1], $0xffff  }
0x3b0: {  	s7 =	sadd.s32 $0x400, s7;
	v51 =	vld [tilespmem:s5+$0xE800]  }
0x3b1: {  	_ =	sdelay $0x3  }
0x3b2: {  	v52 =	vld.idx.msk [tilespmem:v4+s5+$0x10 ss:$0x1], $0xffff;
	v20 =	vadd.f32 v22, v20;
	v17 =	vadd.f32 v18, v17  }
0x3b3: {  	v62 =	vld [tilespmem:s5+$0xE810];
	v22 =	vadd.f32 v27, v24;
	v21 =	vadd.f32 v23, v21  }
0x3b4: {  	v63 =	vld [tilespmem:s5+$0xE820];
	v24 =	vadd.f32 v31, v29;
	v25 =	vadd.f32 v28, v25  }
0x3b5: {  	v27 =	vld [tilespmem:s5+$0xA810];
	v53 =	vadd.f32 v36, v34;
	v29 =	vadd.f32 v32, v30  }
0x3b6: {  	v54 =	vld [tilespmem:s5+$0xA820];
	v55 =	vadd.f32 v40, v38;
	v56 =	vadd.f32 v37, v35  }
0x3b7: {  	v57 =	vld [tilespmem:s5+$0xA830];
	v58 =	vadd.f32 v48, v46;
	v59 =	vadd.f32 v41, v39  }
0x3b8: {  	v61 =	vld [tilespmem:s5+$0xA840];
	v60 =	vadd.f32 v51, v50;
	v18 =	vadd.f32 v62, v52  }
0x3b9: {  	v23 =	vadd.f32 v63, v49;
	v62 =	vadd.f32 v44, v42;
	v63 =	vld [tilespmem:s5+$0xA850]  }
0x3ba: {  	v44 =	vmax.f32 v45, v43;
	v27 =	vmax.f32 v47, v27;
	v45 =	vld [tilespmem:s5+$0xA860];
	v18 =	vsel vm0, v60, v18  }
0x3bb: {  	v46 =	vld [tilespmem:s5+$0xA870];
	v30 =	vmax.f32 v33, v54;
	v27 =	vsel vm0, v44, v27;
	v18 =	vsel vm1, v18, v23  }
0x3bc: {  	v26 =	vmax.f32 v26, v57;
	v47 =	vld [tilespmem:s5+$0xA880];
	v27 =	vsel vm1, v27, v30;
	v18 =	vsel vm2, v18, v62  }
0x3bd: {  	v48 =	vld [tilespmem:s5+$0xA890];
	v19 =	vmax.f32 v19, v61;
	v26 =	vsel vm2, v27, v26;
	v18 =	vsel vm3, v18, v58  }
0x3be: {  	v49 =	vld [tilespmem:s5+$0xA8A0];
	v19 =	vsel vm3, v26, v19;
	v16 =	vmax.f32 v16, v63;
	v18 =	vsel vm4, v18, v59  }
0x3bf: {  	v50 =	vld [tilespmem:s5+$0xA8B0];
	v15 =	vmax.f32 v15, v45;
	v16 =	vsel vm4, v19, v16;
	v18 =	vsel vm5, v18, v55  }
0x3c0: {  	v14 =	vmax.f32 v14, v46;
	v52 =	vld [tilespmem:s5+$0xA8C0];
	v15 =	vsel vm5, v16, v15;
	v51 =	vsel vm6, v18, v56  }
0x3c1: {  	v54 =	vld [tilespmem:s5+$0xA8D0];
	v13 =	vmax.f32 v13, v47;
	v14 =	vsel vm6, v15, v14;
	v53 =	vsel vm7, v51, v53  }
0x3c2: {  	v12 =	vmax.f32 v12, v48;
	v56 =	vld [tilespmem:s5+$0xA8E0];
	v13 =	vsel vm7, v14, v13;
	v55 =	vsel vm8, v53, v29  }
0x3c3: {  	v11 =	vmax.f32 v11, v49;
	v58 =	vld [tilespmem:s5+$0xA8F0];
	v12 =	vsel vm8, v13, v12;
	v57 =	vsel vm9, v55, v24  }
0x3c4: {  	v10 =	vmax.f32 v10, v50;
	v11 =	vsel vm9, v12, v11;
	v59 =	vsel vm10, v57, v25  }
0x3c5: {  	v9 =	vmax.f32 v9, v52;
	v10 =	vsel vm10, v11, v10;
	v60 =	vsel vm11, v59, v22  }
0x3c6: {  	v8 =	vmax.f32 v8, v54;
	v9 =	vsel vm11, v10, v9;
	v61 =	vsel vm12, v60, v21  }
0x3c7: {  	v7 =	vmax.f32 v7, v56;
	v8 =	vsel vm12, v9, v8;
	v62 =	vsel vm13, v61, v20  }
0x3c8: {  	v6 =	vmax.f32 v6, v58;
	v7 =	vsel vm13, v8, v7;
	v63 =	vsel vm14, v62, v17  }
0x3c9: {  	v6 =	vsel vm14, v7, v6;
	vm15 =	vgt.f32 v63, $0.0e+00  }
0x3ca: {  	s4 =	sadd.s32 $0x10, s4;
	v6 =	vnsel vm15, $0x0, v6  }
0x3cb: {  	s18 =	simm.s32 $0xF800;
	[tilespmem:s4+$0x0] =	vst v6  }
0x3cc: {  	[hbm4b:s20+s24] =	stream.strided.scatter [tilespmem:s18], [sflag:$0x5], $0x100, s25, s24, $0x38;
	[tilespmem:$0x19A00] =	vst v63  }
0x3cd: {  	_ =	swait.ge [sflag:s23], $0x100  }
0x3ce: {  	[sflag:s23] =	ssyncset.done $0x0  }
0x3cf: {  	s3 =	sadd.s32 $0x1, s3;
	[sflag:s23] =	ssyncadd.s32 $0xFFFFFF00  }
0x3d0: {  	p0 =	sne.s32 s3, s21;
	_ =	swait.ge [sflag:s31], $0x4000  }
.Ltmp10:
0x3d1: {  	[sflag:s31] =	ssyncset.done $0x0;
	(pc) =	sbr.rel @p0 .LBB2_1-.Ltmp10, $4  }
0x3d2: {  	[sflag:s31] =	ssyncadd.s32 $0xFFFFC000  }
0x3d3: {  	_ =	swait.ge [sflag:s29], $0x4000  }
0x3d4: {  	[sflag:s29] =	ssyncset.done $0x0  }
0x3d5: {  	[sflag:s29] =	ssyncadd.s32 $0xFFFFC000  }
0x3d6: {  	_ =	sfence.sel $0x180000  }
0x3d7: {  	[bflag:$0x0] =	sbarrier.arrive $0xFFFF  }
0x3d8: {  	_ =	strace $0x90000047  }
0x3d9: {  	s0 =	stileid.u32;
	[bflag:$0x2] =	sbarrier.arrive $0xFFFF  }
0x3da: {  	p0 =	sne.s32 s0, $0x0;
	s0 =	rddreg [dreg:$0x8]  }
0x3db: {  	s0 =	sadd.s32 @!p0 $0x100000, s0  }
0x3dc: {  	[sflag:s0] =	ssyncadd.tile.s32 @!p0 $0x1;
	_ =	shalt  }
.Lfunc_end2:
_tile_overlayer_lowered:
.L_overlay_start_2:
0x3dd: {  	(tag) =	ssettag $0x2  }
0x3de: {  	s0 =	rddreg [dreg:$0x0];
	s2 =	stileid.u32  }
0x3df: {  	s1 =	rddreg [dreg:$0x1];
	p0 =	sne.s32 s2, $0x0  }
0x3e0: {  	s3 =	rddreg [dreg:$0x2];
	[bflag:$0x3] =	sbarrier.arrive $0xFFFF;
	s2 =	simm.s32 @!p0 $0x1C05  }
0x3e1: {  	[timem:s3], [sflag:s2] =	dma.local @!p0 [hbm:s0], s1  }
0x3e2: {  	s0 =	simm.s32 @!p0 $0x5  }
0x3e3: {  	_ =	swait.ge @!p0 [sflag:s0], s1  }
0x3e4: {  	s1 =	ssub.s32 @!p0 $0x0, s1;
	[sflag:s0] =	ssyncset.done @!p0 $0x0  }
0x3e5: {  	[sflag:s0] =	ssyncadd.s32 @!p0 s1  }
0x3e6: {  	[bflag:$0x3] =	sbarrier.arrive $0xFFFF  }
0x3e7: {  	_ =	shalt  }

</sc_bundles>
